<compile_context>
chip_gen: v7x
topology: tpu7x:2x2x1
jax: 0.10.2.dev20260603
libtpu: 0.0.44.dev20260713+nightly
codegen_flags: <defaults>
</compile_context>

<pallas_src>
import functools

import jax
import jax.numpy as jnp
from jax import lax
from jax.experimental import pallas as pl
from jax.experimental.pallas import tpu as pltpu
from jax.experimental.pallas import tpu_sc as plsc

_B = 16384
_DG = 64
_DM = 512
_NW = 32
_CH = 64
_K = 4
_BS = _B // _K


def _make_sc_gather(nrows):
    rpw = nrows // _NW
    nch = rpw // _CH
    mesh = plsc.VectorSubcoreMesh(core_axis_name="c", subcore_axis_name="s")

    @functools.partial(
        pl.kernel,
        out_type=[
            jax.ShapeDtypeStruct((nrows, 128), jnp.float32),
            jax.ShapeDtypeStruct((nrows, 128), jnp.float32),
            jax.ShapeDtypeStruct((nrows, _DM), jnp.float32),
            jax.ShapeDtypeStruct((nrows, _DM), jnp.float32),
        ],
        mesh=mesh,
        scratch_types=[
            pltpu.VMEM((_CH,), jnp.int32),
            pltpu.VMEM((_CH,), jnp.int32),
            pltpu.VMEM((_CH, 128), jnp.float32),
            pltpu.VMEM((_CH, 128), jnp.float32),
            pltpu.VMEM((_CH, _DM), jnp.float32),
            pltpu.VMEM((_CH, _DM), jnp.float32),
            pltpu.SemaphoreType.DMA,
        ],
    )
    def k(user_h, item_h, gmf_h, um_h, im_h,
          out_ug, out_ig, out_um, out_im,
          uidx, iidx, ug_v, ig_v, um_v, im_v, sem):
        wid = lax.axis_index("s") * 2 + lax.axis_index("c")
        base = wid * rpw
        for c in range(nch):
            row0 = base + c * _CH
            pltpu.sync_copy(user_h.at[pl.ds(row0, _CH)], uidx)
            pltpu.sync_copy(item_h.at[pl.ds(row0, _CH)], iidx)
            d1 = pltpu.async_copy(gmf_h.at[uidx], ug_v, sem)
            d2 = pltpu.async_copy(gmf_h.at[iidx], ig_v, sem)
            d3 = pltpu.async_copy(um_h.at[uidx], um_v, sem)
            d4 = pltpu.async_copy(im_h.at[iidx], im_v, sem)
            d1.wait()
            d2.wait()
            d3.wait()
            d4.wait()
            pltpu.sync_copy(ug_v, out_ug.at[pl.ds(row0, _CH)])
            pltpu.sync_copy(ig_v, out_ig.at[pl.ds(row0, _CH)])
            pltpu.sync_copy(um_v, out_um.at[pl.ds(row0, _CH)])
            pltpu.sync_copy(im_v, out_im.at[pl.ds(row0, _CH)])

    return k


_BM = 1024
_PREC = lax.Precision.DEFAULT


def _tc_body(eg, ig, eum, eim, r, w0u, w0i, w1, w2, w3,
             bb0, bb1, bb2, bb3, wg, wm, wt, out):
    x0 = (jnp.dot(eum[...], w0u[...], preferred_element_type=jnp.float32,
                  precision=_PREC)
          + jnp.dot(eim[...], w0i[...], preferred_element_type=jnp.float32,
                    precision=_PREC)
          + bb0[...])
    h = jnp.maximum(x0, 0.0)
    h = jnp.maximum(jnp.dot(h, w1[...], preferred_element_type=jnp.float32,
                            precision=_PREC) + bb1[...], 0.0)
    h = jnp.maximum(jnp.dot(h, w2[...], preferred_element_type=jnp.float32,
                            precision=_PREC) + bb2[...], 0.0)
    h = jnp.maximum(jnp.dot(h, w3[...], preferred_element_type=jnp.float32,
                            precision=_PREC) + bb3[...], 0.0)
    gmf = eg[...][:, :_DG] * ig[...][:, _DG:]
    s = jnp.sum(gmf * wg[...], axis=1) + jnp.sum(h * wm[...], axis=1)
    out[0, 0, :] = s + r[0, 0, :] * wt[0, 0] + wt[0, 1]


def _tc_mlp(eg, ig, eum, eim, r2, w0u, w0i, w1, w2, w3,
            b0, b1, b2, b3, wg, wm, wt):
    nb = eg.shape[0] // _BM
    full = lambda a: pl.BlockSpec(a.shape, lambda i: (0, 0))
    blk = lambda n: pl.BlockSpec((_BM, n), lambda i: (i, 0))
    row = pl.BlockSpec((1, 1, _BM), lambda i: (i, 0, 0))
    return pl.pallas_call(
        _tc_body,
        grid=(nb,),
        in_specs=[
            blk(128), blk(128), blk(_DM), blk(_DM), row,
            full(w0u), full(w0i), full(w1), full(w2), full(w3),
            full(b0), full(b1), full(b2), full(b3),
            full(wg), full(wm), full(wt),
        ],
        out_specs=row,
        out_shape=jax.ShapeDtypeStruct((nb, 1, _BM), jnp.float32),
    )(eg, ig, eum, eim, r2, w0u, w0i, w1, w2, w3,
      b0, b1, b2, b3, wg, wm, wt)


def kernel(user, item, rating, emb_user_gmf, emb_item_gmf,
           emb_user_mlp, emb_item_mlp,
           W0, b0, W1, b1, W2, b2, W3, b3, Wp, bp):
    user = user.astype(jnp.int32)
    item = item.astype(jnp.int32)
    gmf_cat = jnp.concatenate([emb_user_gmf, emb_item_gmf], axis=1)

    w0t = W0.T
    wargs = (
        w0t[:_DM], w0t[_DM:], W1.T, W2.T, W3.T,
        b0[None, :], b1[None, :], b2[None, :], b3[None, :],
        Wp[:, :_DG], Wp[:, _DG:2 * _DG],
        jnp.concatenate([Wp[:, 2 * _DG:], bp[None, :]], axis=1),
    )

    sc = _make_sc_gather(_BS)
    gathered = [
        sc(user[i * _BS:(i + 1) * _BS], item[i * _BS:(i + 1) * _BS],
           gmf_cat, emb_user_mlp, emb_item_mlp)
        for i in range(_K)
    ]
    outs = [
        _tc_mlp(*g, rating[i * _BS:(i + 1) * _BS].reshape(-1, 1, _BM), *wargs)
        for i, g in enumerate(gathered)
    ]
    return jnp.concatenate([o.reshape(-1) for o in outs])

# --- scband reference (transcript-rebuilt; emitter-appended) ---
"""Pipeline reference for scband-neural-collaborative-filtering-79362405695561 (READ-ONLY COPY).

The authoritative reference and input builder live on the scoring server;
editing this copy changes nothing except your own understanding.
"""

import jax, jax.numpy as jnp
import numpy as np

USER_NUM = 100000
ITEM_NUM = 100000
FACTOR_NUM = 64
NUM_LAYERS = 4
EMBED_SIZE = FACTOR_NUM * 2 ** (NUM_LAYERS - 1)  # 512
BATCH = 16384


def setup_inputs(seed: int = 0) -> dict:
    key = jax.random.key(seed)
    ks = jax.random.split(key, 16)
    user = jax.random.randint(ks[0], (BATCH,), 0, USER_NUM, dtype=jnp.int64 if jax.config.jax_enable_x64 else jnp.int32)
    item = jax.random.randint(ks[1], (BATCH,), 0, ITEM_NUM, dtype=jnp.int64 if jax.config.jax_enable_x64 else jnp.int32)
    rating = jax.random.uniform(ks[2], (BATCH,), dtype=jnp.float32)
    emb_user_gmf = 0.01 * jax.random.normal(ks[3], (USER_NUM, FACTOR_NUM), dtype=jnp.float32)
    emb_item_gmf = 0.01 * jax.random.normal(ks[4], (ITEM_NUM, FACTOR_NUM), dtype=jnp.float32)
    emb_user_mlp = 0.01 * jax.random.normal(ks[5], (USER_NUM, EMBED_SIZE), dtype=jnp.float32)
    emb_item_mlp = 0.01 * jax.random.normal(ks[6], (ITEM_NUM, EMBED_SIZE), dtype=jnp.float32)
    # MLP layers: sizes 1024->512, 512->256, 256->128, 128->64 (torch Linear: W[out,in])
    Ws = []
    bs = []
    for i in range(NUM_LAYERS):
        in_size = FACTOR_NUM * 2 ** (NUM_LAYERS - i)
        out_size = in_size // 2
        bound = float(np.sqrt(6.0 / (in_size + out_size)))
        Ws.append(jax.random.uniform(ks[7 + i], (out_size, in_size), minval=-bound, maxval=bound, dtype=jnp.float32))
        bs.append(jnp.zeros((out_size,), dtype=jnp.float32))
    predict_size = FACTOR_NUM * 2 + 1  # 129
    bound_p = float(np.sqrt(3.0 / predict_size))
    Wp = jax.random.uniform(ks[11], (1, predict_size), minval=-bound_p, maxval=bound_p, dtype=jnp.float32)
    bp = jnp.zeros((1,), dtype=jnp.float32)
    return {
        "user": user, "item": item, "rating": rating,
        "emb_user_gmf": emb_user_gmf, "emb_item_gmf": emb_item_gmf,
        "emb_user_mlp": emb_user_mlp, "emb_item_mlp": emb_item_mlp,
        "W0": Ws[0], "b0": bs[0], "W1": Ws[1], "b1": bs[1],
        "W2": Ws[2], "b2": bs[2], "W3": Ws[3], "b3": bs[3],
        "Wp": Wp, "bp": bp,
    }


def reference(user, item, rating, emb_user_gmf, emb_item_gmf, emb_user_mlp, emb_item_mlp,
              W0, b0, W1, b1, W2, b2, W3, b3, Wp, bp):
    eu_gmf = jnp.take(emb_user_gmf, user, axis=0)
    ei_gmf = jnp.take(emb_item_gmf, item, axis=0)
    output_gmf = eu_gmf * ei_gmf
    eu_mlp = jnp.take(emb_user_mlp, user, axis=0)
    ei_mlp = jnp.take(emb_item_mlp, item, axis=0)
    x = jnp.concatenate([eu_mlp, ei_mlp], axis=-1)
    for W, b in ((W0, b0), (W1, b1), (W2, b2), (W3, b3)):
        x = jax.nn.relu(x @ W.T + b)
    concat = jnp.concatenate([output_gmf, x, rating[:, None]], axis=-1)
    prediction = concat @ Wp.T + bp
    return prediction.reshape(-1)

if __name__ == "__main__":
    import jax
    _d = setup_inputs()
    print(jax.jit(kernel)(*tuple(_d.values())))

</pallas_src>

<mosaic_0001>
#map = affine_map<(d0, d1) -> (0)>
#map1 = affine_map<(d0, d1) -> (0, 0)>
module attributes {stable_mosaic.version = 14 : i64} {
  func.func @k(%arg0: i32, %arg1: i32, %arg2: memref<4096xi32, #tpu.memory_space<hbm>>, %arg3: memref<4096xi32, #tpu.memory_space<hbm>>, %arg4: memref<100000x128xf32, #tpu.memory_space<hbm>>, %arg5: memref<100000x512xf32, #tpu.memory_space<hbm>>, %arg6: memref<100000x512xf32, #tpu.memory_space<hbm>>, %arg7: memref<4096x128xf32, #tpu.memory_space<hbm>>, %arg8: memref<4096x128xf32, #tpu.memory_space<hbm>>, %arg9: memref<4096x512xf32, #tpu.memory_space<hbm>>, %arg10: memref<4096x512xf32, #tpu.memory_space<hbm>>, %arg11: memref<64xi32, #tpu.memory_space<vmem>>, %arg12: memref<64xi32, #tpu.memory_space<vmem>>, %arg13: memref<64x128xf32, #tpu.memory_space<vmem>>, %arg14: memref<64x128xf32, #tpu.memory_space<vmem>>, %arg15: memref<64x512xf32, #tpu.memory_space<vmem>>, %arg16: memref<64x512xf32, #tpu.memory_space<vmem>>, %arg17: memref<!tpu.dma_semaphore, #tpu.memory_space<semaphore_mem>>) attributes {dimension_semantics = [#tpu.dimension_semantics<core_parallel>, #tpu.dimension_semantics<subcore_parallel>], iteration_bounds = array<i64: 2, 16>, scalar_prefetch = 0 : i64, scratch_operands = 7 : i64, tpu.core_type = #tpu.core_type<sc_vector_subcore>, window_params = [{transform_indices = #map}, {transform_indices = #map}, {transform_indices = #map1}, {transform_indices = #map1}, {transform_indices = #map1}, {transform_indices = #map1}, {transform_indices = #map1}, {transform_indices = #map1}, {transform_indices = #map1}]} {
    %mul3A = arith.constant 2 : i32
    %mul3A_0 = arith.muli %arg1, %mul3A : i32
    %add3A = arith.addi %mul3A_0, %arg0 : i32
    %mul3A_1 = arith.constant 128 : i32
    %mul3A_2 = arith.muli %add3A, %mul3A_1 : i32
    %add3A_3 = arith.constant 0 : i32
    %add3A_4 = arith.addi %mul3A_2, %add3A_3 : i32
    "tpu.region"() ({
      %run_scoped3A = tpu.sem_alloc : memref<!tpu.dma_semaphore, #tpu.memory_space<semaphore_mem>>
      %dma_start3A_53 = tpu.memref_slice %arg2[%add3A_4] : memref<4096xi32, #tpu.memory_space<hbm>> -> memref<64xi32, #tpu.memory_space<hbm>>
      %dma_start3A_54 = tpu.memref_slice %arg2[%add3A_4] : memref<4096xi32, #tpu.memory_space<hbm>> -> memref<64xi32, #tpu.memory_space<hbm>>
      tpu.enqueue_dma source(%dma_start3A_54 : memref<64xi32, #tpu.memory_space<hbm>>) target(%arg11 : memref<64xi32, #tpu.memory_space<vmem>>) target_semaphore(%run_scoped3A : memref<!tpu.dma_semaphore, #tpu.memory_space<semaphore_mem>>)
      %dma_wait3A_55 = tpu.memref_slice %arg2[%add3A_4] : memref<4096xi32, #tpu.memory_space<hbm>> -> memref<64xi32, #tpu.memory_space<hbm>>
      %dma_wait3A_56 = tpu.memref_slice %arg2[%add3A_4] : memref<4096xi32, #tpu.memory_space<hbm>> -> memref<64xi32, #tpu.memory_space<hbm>>
      tpu.wait_dma2 semaphore(%run_scoped3A : memref<!tpu.dma_semaphore, #tpu.memory_space<semaphore_mem>>) src(%dma_wait3A_56 : memref<64xi32, #tpu.memory_space<hbm>>) dst(%arg11 : memref<64xi32, #tpu.memory_space<vmem>>)
      tpu.yield
    }) : () -> ()
    "tpu.region"() ({
      %run_scoped3A = tpu.sem_alloc : memref<!tpu.dma_semaphore, #tpu.memory_space<semaphore_mem>>
      %dma_start3A_53 = tpu.memref_slice %arg3[%add3A_4] : memref<4096xi32, #tpu.memory_space<hbm>> -> memref<64xi32, #tpu.memory_space<hbm>>
      %dma_start3A_54 = tpu.memref_slice %arg3[%add3A_4] : memref<4096xi32, #tpu.memory_space<hbm>> -> memref<64xi32, #tpu.memory_space<hbm>>
      tpu.enqueue_dma source(%dma_start3A_54 : memref<64xi32, #tpu.memory_space<hbm>>) target(%arg12 : memref<64xi32, #tpu.memory_space<vmem>>) target_semaphore(%run_scoped3A : memref<!tpu.dma_semaphore, #tpu.memory_space<semaphore_mem>>)
      %dma_wait3A_55 = tpu.memref_slice %arg3[%add3A_4] : memref<4096xi32, #tpu.memory_space<hbm>> -> memref<64xi32, #tpu.memory_space<hbm>>
      %dma_wait3A_56 = tpu.memref_slice %arg3[%add3A_4] : memref<4096xi32, #tpu.memory_space<hbm>> -> memref<64xi32, #tpu.memory_space<hbm>>
      tpu.wait_dma2 semaphore(%run_scoped3A : memref<!tpu.dma_semaphore, #tpu.memory_space<semaphore_mem>>) src(%dma_wait3A_56 : memref<64xi32, #tpu.memory_space<hbm>>) dst(%arg12 : memref<64xi32, #tpu.memory_space<vmem>>)
      tpu.yield
    }) : () -> ()
    %dma_start3A = arith.constant 0 : i32
    %dma_start3A_5 = arith.constant 0 : i32
    %dma_start3A_6 = tpu.memref_slice %arg4[%dma_start3A, %dma_start3A_5] : memref<100000x128xf32, #tpu.memory_space<hbm>> -> memref<100000x128xf32, #tpu.memory_space<hbm>>
    tpu.enqueue_indirect_dma source(%dma_start3A_6 : memref<100000x128xf32, #tpu.memory_space<hbm>>) target(%arg13 : memref<64x128xf32, #tpu.memory_space<vmem>>) offsets(%arg11 : memref<64xi32, #tpu.memory_space<vmem>>) semaphore(%arg17 : memref<!tpu.dma_semaphore, #tpu.memory_space<semaphore_mem>>)
    %dma_start3A_7 = arith.constant 0 : i32
    %dma_start3A_8 = arith.constant 0 : i32
    %dma_start3A_9 = tpu.memref_slice %arg4[%dma_start3A_7, %dma_start3A_8] : memref<100000x128xf32, #tpu.memory_space<hbm>> -> memref<100000x128xf32, #tpu.memory_space<hbm>>
    tpu.enqueue_indirect_dma source(%dma_start3A_9 : memref<100000x128xf32, #tpu.memory_space<hbm>>) target(%arg14 : memref<64x128xf32, #tpu.memory_space<vmem>>) offsets(%arg12 : memref<64xi32, #tpu.memory_space<vmem>>) semaphore(%arg17 : memref<!tpu.dma_semaphore, #tpu.memory_space<semaphore_mem>>)
    %dma_start3A_10 = arith.constant 0 : i32
    %dma_start3A_11 = arith.constant 0 : i32
    %dma_start3A_12 = tpu.memref_slice %arg5[%dma_start3A_10, %dma_start3A_11] : memref<100000x512xf32, #tpu.memory_space<hbm>> -> memref<100000x512xf32, #tpu.memory_space<hbm>>
    tpu.enqueue_indirect_dma source(%dma_start3A_12 : memref<100000x512xf32, #tpu.memory_space<hbm>>) target(%arg15 : memref<64x512xf32, #tpu.memory_space<vmem>>) offsets(%arg11 : memref<64xi32, #tpu.memory_space<vmem>>) semaphore(%arg17 : memref<!tpu.dma_semaphore, #tpu.memory_space<semaphore_mem>>)
    %dma_start3A_13 = arith.constant 0 : i32
    %dma_start3A_14 = arith.constant 0 : i32
    %dma_start3A_15 = tpu.memref_slice %arg6[%dma_start3A_13, %dma_start3A_14] : memref<100000x512xf32, #tpu.memory_space<hbm>> -> memref<100000x512xf32, #tpu.memory_space<hbm>>
    tpu.enqueue_indirect_dma source(%dma_start3A_15 : memref<100000x512xf32, #tpu.memory_space<hbm>>) target(%arg16 : memref<64x512xf32, #tpu.memory_space<vmem>>) offsets(%arg12 : memref<64xi32, #tpu.memory_space<vmem>>) semaphore(%arg17 : memref<!tpu.dma_semaphore, #tpu.memory_space<semaphore_mem>>)
    %dma_wait3A = arith.constant 0 : i32
    %dma_wait3A_16 = arith.constant 0 : i32
    %dma_wait3A_17 = tpu.memref_slice %arg4[%dma_wait3A, %dma_wait3A_16] : memref<100000x128xf32, #tpu.memory_space<hbm>> -> memref<100000x128xf32, #tpu.memory_space<hbm>>
    tpu.wait_indirect_dma semaphore(%arg17 : memref<!tpu.dma_semaphore, #tpu.memory_space<semaphore_mem>>) src(%dma_wait3A_17 : memref<100000x128xf32, #tpu.memory_space<hbm>>) dst(%arg13 : memref<64x128xf32, #tpu.memory_space<vmem>>)
    %dma_wait3A_18 = arith.constant 0 : i32
    %dma_wait3A_19 = arith.constant 0 : i32
    %dma_wait3A_20 = tpu.memref_slice %arg4[%dma_wait3A_18, %dma_wait3A_19] : memref<100000x128xf32, #tpu.memory_space<hbm>> -> memref<100000x128xf32, #tpu.memory_space<hbm>>
    tpu.wait_indirect_dma semaphore(%arg17 : memref<!tpu.dma_semaphore, #tpu.memory_space<semaphore_mem>>) src(%dma_wait3A_20 : memref<100000x128xf32, #tpu.memory_space<hbm>>) dst(%arg14 : memref<64x128xf32, #tpu.memory_space<vmem>>)
    %dma_wait3A_21 = arith.constant 0 : i32
    %dma_wait3A_22 = arith.constant 0 : i32
    %dma_wait3A_23 = tpu.memref_slice %arg5[%dma_wait3A_21, %dma_wait3A_22] : memref<100000x512xf32, #tpu.memory_space<hbm>> -> memref<100000x512xf32, #tpu.memory_space<hbm>>
    tpu.wait_indirect_dma semaphore(%arg17 : memref<!tpu.dma_semaphore, #tpu.memory_space<semaphore_mem>>) src(%dma_wait3A_23 : memref<100000x512xf32, #tpu.memory_space<hbm>>) dst(%arg15 : memref<64x512xf32, #tpu.memory_space<vmem>>)
    %dma_wait3A_24 = arith.constant 0 : i32
    %dma_wait3A_25 = arith.constant 0 : i32
    %dma_wait3A_26 = tpu.memref_slice %arg6[%dma_wait3A_24, %dma_wait3A_25] : memref<100000x512xf32, #tpu.memory_space<hbm>> -> memref<100000x512xf32, #tpu.memory_space<hbm>>
    tpu.wait_indirect_dma semaphore(%arg17 : memref<!tpu.dma_semaphore, #tpu.memory_space<semaphore_mem>>) src(%dma_wait3A_26 : memref<100000x512xf32, #tpu.memory_space<hbm>>) dst(%arg16 : memref<64x512xf32, #tpu.memory_space<vmem>>)
    "tpu.region"() ({
      %run_scoped3A = tpu.sem_alloc : memref<!tpu.dma_semaphore, #tpu.memory_space<semaphore_mem>>
      %dma_start3A_53 = arith.constant 0 : i32
      %dma_start3A_54 = tpu.memref_slice %arg7[%add3A_4, %dma_start3A_53] : memref<4096x128xf32, #tpu.memory_space<hbm>> -> memref<64x128xf32, #tpu.memory_space<hbm>>
      %dma_start3A_55 = arith.constant 0 : i32
      %dma_start3A_56 = tpu.memref_slice %arg7[%add3A_4, %dma_start3A_55] : memref<4096x128xf32, #tpu.memory_space<hbm>> -> memref<64x128xf32, #tpu.memory_space<hbm>>
      tpu.enqueue_dma source(%arg13 : memref<64x128xf32, #tpu.memory_space<vmem>>) target(%dma_start3A_56 : memref<64x128xf32, #tpu.memory_space<hbm>>) target_semaphore(%run_scoped3A : memref<!tpu.dma_semaphore, #tpu.memory_space<semaphore_mem>>)
      %dma_wait3A_57 = arith.constant 0 : i32
      %dma_wait3A_58 = tpu.memref_slice %arg7[%add3A_4, %dma_wait3A_57] : memref<4096x128xf32, #tpu.memory_space<hbm>> -> memref<64x128xf32, #tpu.memory_space<hbm>>
      %dma_wait3A_59 = arith.constant 0 : i32
      %dma_wait3A_60 = tpu.memref_slice %arg7[%add3A_4, %dma_wait3A_59] : memref<4096x128xf32, #tpu.memory_space<hbm>> -> memref<64x128xf32, #tpu.memory_space<hbm>>
      tpu.wait_dma2 semaphore(%run_scoped3A : memref<!tpu.dma_semaphore, #tpu.memory_space<semaphore_mem>>) src(%arg13 : memref<64x128xf32, #tpu.memory_space<vmem>>) dst(%dma_wait3A_60 : memref<64x128xf32, #tpu.memory_space<hbm>>)
      tpu.yield
    }) : () -> ()
    "tpu.region"() ({
      %run_scoped3A = tpu.sem_alloc : memref<!tpu.dma_semaphore, #tpu.memory_space<semaphore_mem>>
      %dma_start3A_53 = arith.constant 0 : i32
      %dma_start3A_54 = tpu.memref_slice %arg8[%add3A_4, %dma_start3A_53] : memref<4096x128xf32, #tpu.memory_space<hbm>> -> memref<64x128xf32, #tpu.memory_space<hbm>>
      %dma_start3A_55 = arith.constant 0 : i32
      %dma_start3A_56 = tpu.memref_slice %arg8[%add3A_4, %dma_start3A_55] : memref<4096x128xf32, #tpu.memory_space<hbm>> -> memref<64x128xf32, #tpu.memory_space<hbm>>
      tpu.enqueue_dma source(%arg14 : memref<64x128xf32, #tpu.memory_space<vmem>>) target(%dma_start3A_56 : memref<64x128xf32, #tpu.memory_space<hbm>>) target_semaphore(%run_scoped3A : memref<!tpu.dma_semaphore, #tpu.memory_space<semaphore_mem>>)
      %dma_wait3A_57 = arith.constant 0 : i32
      %dma_wait3A_58 = tpu.memref_slice %arg8[%add3A_4, %dma_wait3A_57] : memref<4096x128xf32, #tpu.memory_space<hbm>> -> memref<64x128xf32, #tpu.memory_space<hbm>>
      %dma_wait3A_59 = arith.constant 0 : i32
      %dma_wait3A_60 = tpu.memref_slice %arg8[%add3A_4, %dma_wait3A_59] : memref<4096x128xf32, #tpu.memory_space<hbm>> -> memref<64x128xf32, #tpu.memory_space<hbm>>
      tpu.wait_dma2 semaphore(%run_scoped3A : memref<!tpu.dma_semaphore, #tpu.memory_space<semaphore_mem>>) src(%arg14 : memref<64x128xf32, #tpu.memory_space<vmem>>) dst(%dma_wait3A_60 : memref<64x128xf32, #tpu.memory_space<hbm>>)
      tpu.yield
    }) : () -> ()
    "tpu.region"() ({
      %run_scoped3A = tpu.sem_alloc : memref<!tpu.dma_semaphore, #tpu.memory_space<semaphore_mem>>
      %dma_start3A_53 = arith.constant 0 : i32
      %dma_start3A_54 = tpu.memref_slice %arg9[%add3A_4, %dma_start3A_53] : memref<4096x512xf32, #tpu.memory_space<hbm>> -> memref<64x512xf32, #tpu.memory_space<hbm>>
      %dma_start3A_55 = arith.constant 0 : i32
      %dma_start3A_56 = tpu.memref_slice %arg9[%add3A_4, %dma_start3A_55] : memref<4096x512xf32, #tpu.memory_space<hbm>> -> memref<64x512xf32, #tpu.memory_space<hbm>>
      tpu.enqueue_dma source(%arg15 : memref<64x512xf32, #tpu.memory_space<vmem>>) target(%dma_start3A_56 : memref<64x512xf32, #tpu.memory_space<hbm>>) target_semaphore(%run_scoped3A : memref<!tpu.dma_semaphore, #tpu.memory_space<semaphore_mem>>)
      %dma_wait3A_57 = arith.constant 0 : i32
      %dma_wait3A_58 = tpu.memref_slice %arg9[%add3A_4, %dma_wait3A_57] : memref<4096x512xf32, #tpu.memory_space<hbm>> -> memref<64x512xf32, #tpu.memory_space<hbm>>
      %dma_wait3A_59 = arith.constant 0 : i32
      %dma_wait3A_60 = tpu.memref_slice %arg9[%add3A_4, %dma_wait3A_59] : memref<4096x512xf32, #tpu.memory_space<hbm>> -> memref<64x512xf32, #tpu.memory_space<hbm>>
      tpu.wait_dma2 semaphore(%run_scoped3A : memref<!tpu.dma_semaphore, #tpu.memory_space<semaphore_mem>>) src(%arg15 : memref<64x512xf32, #tpu.memory_space<vmem>>) dst(%dma_wait3A_60 : memref<64x512xf32, #tpu.memory_space<hbm>>)
      tpu.yield
    }) : () -> ()
    "tpu.region"() ({
      %run_scoped3A = tpu.sem_alloc : memref<!tpu.dma_semaphore, #tpu.memory_space<semaphore_mem>>
      %dma_start3A_53 = arith.constant 0 : i32
      %dma_start3A_54 = tpu.memref_slice %arg10[%add3A_4, %dma_start3A_53] : memref<4096x512xf32, #tpu.memory_space<hbm>> -> memref<64x512xf32, #tpu.memory_space<hbm>>
      %dma_start3A_55 = arith.constant 0 : i32
      %dma_start3A_56 = tpu.memref_slice %arg10[%add3A_4, %dma_start3A_55] : memref<4096x512xf32, #tpu.memory_space<hbm>> -> memref<64x512xf32, #tpu.memory_space<hbm>>
      tpu.enqueue_dma source(%arg16 : memref<64x512xf32, #tpu.memory_space<vmem>>) target(%dma_start3A_56 : memref<64x512xf32, #tpu.memory_space<hbm>>) target_semaphore(%run_scoped3A : memref<!tpu.dma_semaphore, #tpu.memory_space<semaphore_mem>>)
      %dma_wait3A_57 = arith.constant 0 : i32
      %dma_wait3A_58 = tpu.memref_slice %arg10[%add3A_4, %dma_wait3A_57] : memref<4096x512xf32, #tpu.memory_space<hbm>> -> memref<64x512xf32, #tpu.memory_space<hbm>>
      %dma_wait3A_59 = arith.constant 0 : i32
      %dma_wait3A_60 = tpu.memref_slice %arg10[%add3A_4, %dma_wait3A_59] : memref<4096x512xf32, #tpu.memory_space<hbm>> -> memref<64x512xf32, #tpu.memory_space<hbm>>
      tpu.wait_dma2 semaphore(%run_scoped3A : memref<!tpu.dma_semaphore, #tpu.memory_space<semaphore_mem>>) src(%arg16 : memref<64x512xf32, #tpu.memory_space<vmem>>) dst(%dma_wait3A_60 : memref<64x512xf32, #tpu.memory_space<hbm>>)
      tpu.yield
    }) : () -> ()
    %add3A_27 = arith.constant 64 : i32
    %add3A_28 = arith.addi %mul3A_2, %add3A_27 : i32
    "tpu.region"() ({
      %run_scoped3A = tpu.sem_alloc : memref<!tpu.dma_semaphore, #tpu.memory_space<semaphore_mem>>
      %dma_start3A_53 = tpu.memref_slice %arg2[%add3A_28] : memref<4096xi32, #tpu.memory_space<hbm>> -> memref<64xi32, #tpu.memory_space<hbm>>
      %dma_start3A_54 = tpu.memref_slice %arg2[%add3A_28] : memref<4096xi32, #tpu.memory_space<hbm>> -> memref<64xi32, #tpu.memory_space<hbm>>
      tpu.enqueue_dma source(%dma_start3A_54 : memref<64xi32, #tpu.memory_space<hbm>>) target(%arg11 : memref<64xi32, #tpu.memory_space<vmem>>) target_semaphore(%run_scoped3A : memref<!tpu.dma_semaphore, #tpu.memory_space<semaphore_mem>>)
      %dma_wait3A_55 = tpu.memref_slice %arg2[%add3A_28] : memref<4096xi32, #tpu.memory_space<hbm>> -> memref<64xi32, #tpu.memory_space<hbm>>
      %dma_wait3A_56 = tpu.memref_slice %arg2[%add3A_28] : memref<4096xi32, #tpu.memory_space<hbm>> -> memref<64xi32, #tpu.memory_space<hbm>>
      tpu.wait_dma2 semaphore(%run_scoped3A : memref<!tpu.dma_semaphore, #tpu.memory_space<semaphore_mem>>) src(%dma_wait3A_56 : memref<64xi32, #tpu.memory_space<hbm>>) dst(%arg11 : memref<64xi32, #tpu.memory_space<vmem>>)
      tpu.yield
    }) : () -> ()
    "tpu.region"() ({
      %run_scoped3A = tpu.sem_alloc : memref<!tpu.dma_semaphore, #tpu.memory_space<semaphore_mem>>
      %dma_start3A_53 = tpu.memref_slice %arg3[%add3A_28] : memref<4096xi32, #tpu.memory_space<hbm>> -> memref<64xi32, #tpu.memory_space<hbm>>
      %dma_start3A_54 = tpu.memref_slice %arg3[%add3A_28] : memref<4096xi32, #tpu.memory_space<hbm>> -> memref<64xi32, #tpu.memory_space<hbm>>
      tpu.enqueue_dma source(%dma_start3A_54 : memref<64xi32, #tpu.memory_space<hbm>>) target(%arg12 : memref<64xi32, #tpu.memory_space<vmem>>) target_semaphore(%run_scoped3A : memref<!tpu.dma_semaphore, #tpu.memory_space<semaphore_mem>>)
      %dma_wait3A_55 = tpu.memref_slice %arg3[%add3A_28] : memref<4096xi32, #tpu.memory_space<hbm>> -> memref<64xi32, #tpu.memory_space<hbm>>
      %dma_wait3A_56 = tpu.memref_slice %arg3[%add3A_28] : memref<4096xi32, #tpu.memory_space<hbm>> -> memref<64xi32, #tpu.memory_space<hbm>>
      tpu.wait_dma2 semaphore(%run_scoped3A : memref<!tpu.dma_semaphore, #tpu.memory_space<semaphore_mem>>) src(%dma_wait3A_56 : memref<64xi32, #tpu.memory_space<hbm>>) dst(%arg12 : memref<64xi32, #tpu.memory_space<vmem>>)
      tpu.yield
    }) : () -> ()
    %dma_start3A_29 = arith.constant 0 : i32
    %dma_start3A_30 = arith.constant 0 : i32
    %dma_start3A_31 = tpu.memref_slice %arg4[%dma_start3A_29, %dma_start3A_30] : memref<100000x128xf32, #tpu.memory_space<hbm>> -> memref<100000x128xf32, #tpu.memory_space<hbm>>
    tpu.enqueue_indirect_dma source(%dma_start3A_31 : memref<100000x128xf32, #tpu.memory_space<hbm>>) target(%arg13 : memref<64x128xf32, #tpu.memory_space<vmem>>) offsets(%arg11 : memref<64xi32, #tpu.memory_space<vmem>>) semaphore(%arg17 : memref<!tpu.dma_semaphore, #tpu.memory_space<semaphore_mem>>)
    %dma_start3A_32 = arith.constant 0 : i32
    %dma_start3A_33 = arith.constant 0 : i32
    %dma_start3A_34 = tpu.memref_slice %arg4[%dma_start3A_32, %dma_start3A_33] : memref<100000x128xf32, #tpu.memory_space<hbm>> -> memref<100000x128xf32, #tpu.memory_space<hbm>>
    tpu.enqueue_indirect_dma source(%dma_start3A_34 : memref<100000x128xf32, #tpu.memory_space<hbm>>) target(%arg14 : memref<64x128xf32, #tpu.memory_space<vmem>>) offsets(%arg12 : memref<64xi32, #tpu.memory_space<vmem>>) semaphore(%arg17 : memref<!tpu.dma_semaphore, #tpu.memory_space<semaphore_mem>>)
    %dma_start3A_35 = arith.constant 0 : i32
    %dma_start3A_36 = arith.constant 0 : i32
    %dma_start3A_37 = tpu.memref_slice %arg5[%dma_start3A_35, %dma_start3A_36] : memref<100000x512xf32, #tpu.memory_space<hbm>> -> memref<100000x512xf32, #tpu.memory_space<hbm>>
    tpu.enqueue_indirect_dma source(%dma_start3A_37 : memref<100000x512xf32, #tpu.memory_space<hbm>>) target(%arg15 : memref<64x512xf32, #tpu.memory_space<vmem>>) offsets(%arg11 : memref<64xi32, #tpu.memory_space<vmem>>) semaphore(%arg17 : memref<!tpu.dma_semaphore, #tpu.memory_space<semaphore_mem>>)
    %dma_start3A_38 = arith.constant 0 : i32
    %dma_start3A_39 = arith.constant 0 : i32
    %dma_start3A_40 = tpu.memref_slice %arg6[%dma_start3A_38, %dma_start3A_39] : memref<100000x512xf32, #tpu.memory_space<hbm>> -> memref<100000x512xf32, #tpu.memory_space<hbm>>
    tpu.enqueue_indirect_dma source(%dma_start3A_40 : memref<100000x512xf32, #tpu.memory_space<hbm>>) target(%arg16 : memref<64x512xf32, #tpu.memory_space<vmem>>) offsets(%arg12 : memref<64xi32, #tpu.memory_space<vmem>>) semaphore(%arg17 : memref<!tpu.dma_semaphore, #tpu.memory_space<semaphore_mem>>)
    %dma_wait3A_41 = arith.constant 0 : i32
    %dma_wait3A_42 = arith.constant 0 : i32
    %dma_wait3A_43 = tpu.memref_slice %arg4[%dma_wait3A_41, %dma_wait3A_42] : memref<100000x128xf32, #tpu.memory_space<hbm>> -> memref<100000x128xf32, #tpu.memory_space<hbm>>
    tpu.wait_indirect_dma semaphore(%arg17 : memref<!tpu.dma_semaphore, #tpu.memory_space<semaphore_mem>>) src(%dma_wait3A_43 : memref<100000x128xf32, #tpu.memory_space<hbm>>) dst(%arg13 : memref<64x128xf32, #tpu.memory_space<vmem>>)
    %dma_wait3A_44 = arith.constant 0 : i32
    %dma_wait3A_45 = arith.constant 0 : i32
    %dma_wait3A_46 = tpu.memref_slice %arg4[%dma_wait3A_44, %dma_wait3A_45] : memref<100000x128xf32, #tpu.memory_space<hbm>> -> memref<100000x128xf32, #tpu.memory_space<hbm>>
    tpu.wait_indirect_dma semaphore(%arg17 : memref<!tpu.dma_semaphore, #tpu.memory_space<semaphore_mem>>) src(%dma_wait3A_46 : memref<100000x128xf32, #tpu.memory_space<hbm>>) dst(%arg14 : memref<64x128xf32, #tpu.memory_space<vmem>>)
    %dma_wait3A_47 = arith.constant 0 : i32
    %dma_wait3A_48 = arith.constant 0 : i32
    %dma_wait3A_49 = tpu.memref_slice %arg5[%dma_wait3A_47, %dma_wait3A_48] : memref<100000x512xf32, #tpu.memory_space<hbm>> -> memref<100000x512xf32, #tpu.memory_space<hbm>>
    tpu.wait_indirect_dma semaphore(%arg17 : memref<!tpu.dma_semaphore, #tpu.memory_space<semaphore_mem>>) src(%dma_wait3A_49 : memref<100000x512xf32, #tpu.memory_space<hbm>>) dst(%arg15 : memref<64x512xf32, #tpu.memory_space<vmem>>)
    %dma_wait3A_50 = arith.constant 0 : i32
    %dma_wait3A_51 = arith.constant 0 : i32
    %dma_wait3A_52 = tpu.memref_slice %arg6[%dma_wait3A_50, %dma_wait3A_51] : memref<100000x512xf32, #tpu.memory_space<hbm>> -> memref<100000x512xf32, #tpu.memory_space<hbm>>
    tpu.wait_indirect_dma semaphore(%arg17 : memref<!tpu.dma_semaphore, #tpu.memory_space<semaphore_mem>>) src(%dma_wait3A_52 : memref<100000x512xf32, #tpu.memory_space<hbm>>) dst(%arg16 : memref<64x512xf32, #tpu.memory_space<vmem>>)
    "tpu.region"() ({
      %run_scoped3A = tpu.sem_alloc : memref<!tpu.dma_semaphore, #tpu.memory_space<semaphore_mem>>
      %dma_start3A_53 = arith.constant 0 : i32
      %dma_start3A_54 = tpu.memref_slice %arg7[%add3A_28, %dma_start3A_53] : memref<4096x128xf32, #tpu.memory_space<hbm>> -> memref<64x128xf32, #tpu.memory_space<hbm>>
      %dma_start3A_55 = arith.constant 0 : i32
      %dma_start3A_56 = tpu.memref_slice %arg7[%add3A_28, %dma_start3A_55] : memref<4096x128xf32, #tpu.memory_space<hbm>> -> memref<64x128xf32, #tpu.memory_space<hbm>>
      tpu.enqueue_dma source(%arg13 : memref<64x128xf32, #tpu.memory_space<vmem>>) target(%dma_start3A_56 : memref<64x128xf32, #tpu.memory_space<hbm>>) target_semaphore(%run_scoped3A : memref<!tpu.dma_semaphore, #tpu.memory_space<semaphore_mem>>)
      %dma_wait3A_57 = arith.constant 0 : i32
      %dma_wait3A_58 = tpu.memref_slice %arg7[%add3A_28, %dma_wait3A_57] : memref<4096x128xf32, #tpu.memory_space<hbm>> -> memref<64x128xf32, #tpu.memory_space<hbm>>
      %dma_wait3A_59 = arith.constant 0 : i32
      %dma_wait3A_60 = tpu.memref_slice %arg7[%add3A_28, %dma_wait3A_59] : memref<4096x128xf32, #tpu.memory_space<hbm>> -> memref<64x128xf32, #tpu.memory_space<hbm>>
      tpu.wait_dma2 semaphore(%run_scoped3A : memref<!tpu.dma_semaphore, #tpu.memory_space<semaphore_mem>>) src(%arg13 : memref<64x128xf32, #tpu.memory_space<vmem>>) dst(%dma_wait3A_60 : memref<64x128xf32, #tpu.memory_space<hbm>>)
      tpu.yield
    }) : () -> ()
    "tpu.region"() ({
      %run_scoped3A = tpu.sem_alloc : memref<!tpu.dma_semaphore, #tpu.memory_space<semaphore_mem>>
      %dma_start3A_53 = arith.constant 0 : i32
      %dma_start3A_54 = tpu.memref_slice %arg8[%add3A_28, %dma_start3A_53] : memref<4096x128xf32, #tpu.memory_space<hbm>> -> memref<64x128xf32, #tpu.memory_space<hbm>>
      %dma_start3A_55 = arith.constant 0 : i32
      %dma_start3A_56 = tpu.memref_slice %arg8[%add3A_28, %dma_start3A_55] : memref<4096x128xf32, #tpu.memory_space<hbm>> -> memref<64x128xf32, #tpu.memory_space<hbm>>
      tpu.enqueue_dma source(%arg14 : memref<64x128xf32, #tpu.memory_space<vmem>>) target(%dma_start3A_56 : memref<64x128xf32, #tpu.memory_space<hbm>>) target_semaphore(%run_scoped3A : memref<!tpu.dma_semaphore, #tpu.memory_space<semaphore_mem>>)
      %dma_wait3A_57 = arith.constant 0 : i32
      %dma_wait3A_58 = tpu.memref_slice %arg8[%add3A_28, %dma_wait3A_57] : memref<4096x128xf32, #tpu.memory_space<hbm>> -> memref<64x128xf32, #tpu.memory_space<hbm>>
      %dma_wait3A_59 = arith.constant 0 : i32
      %dma_wait3A_60 = tpu.memref_slice %arg8[%add3A_28, %dma_wait3A_59] : memref<4096x128xf32, #tpu.memory_space<hbm>> -> memref<64x128xf32, #tpu.memory_space<hbm>>
      tpu.wait_dma2 semaphore(%run_scoped3A : memref<!tpu.dma_semaphore, #tpu.memory_space<semaphore_mem>>) src(%arg14 : memref<64x128xf32, #tpu.memory_space<vmem>>) dst(%dma_wait3A_60 : memref<64x128xf32, #tpu.memory_space<hbm>>)
      tpu.yield
    }) : () -> ()
    "tpu.region"() ({
      %run_scoped3A = tpu.sem_alloc : memref<!tpu.dma_semaphore, #tpu.memory_space<semaphore_mem>>
      %dma_start3A_53 = arith.constant 0 : i32
      %dma_start3A_54 = tpu.memref_slice %arg9[%add3A_28, %dma_start3A_53] : memref<4096x512xf32, #tpu.memory_space<hbm>> -> memref<64x512xf32, #tpu.memory_space<hbm>>
      %dma_start3A_55 = arith.constant 0 : i32
      %dma_start3A_56 = tpu.memref_slice %arg9[%add3A_28, %dma_start3A_55] : memref<4096x512xf32, #tpu.memory_space<hbm>> -> memref<64x512xf32, #tpu.memory_space<hbm>>
      tpu.enqueue_dma source(%arg15 : memref<64x512xf32, #tpu.memory_space<vmem>>) target(%dma_start3A_56 : memref<64x512xf32, #tpu.memory_space<hbm>>) target_semaphore(%run_scoped3A : memref<!tpu.dma_semaphore, #tpu.memory_space<semaphore_mem>>)
      %dma_wait3A_57 = arith.constant 0 : i32
      %dma_wait3A_58 = tpu.memref_slice %arg9[%add3A_28, %dma_wait3A_57] : memref<4096x512xf32, #tpu.memory_space<hbm>> -> memref<64x512xf32, #tpu.memory_space<hbm>>
      %dma_wait3A_59 = arith.constant 0 : i32
      %dma_wait3A_60 = tpu.memref_slice %arg9[%add3A_28, %dma_wait3A_59] : memref<4096x512xf32, #tpu.memory_space<hbm>> -> memref<64x512xf32, #tpu.memory_space<hbm>>
      tpu.wait_dma2 semaphore(%run_scoped3A : memref<!tpu.dma_semaphore, #tpu.memory_space<semaphore_mem>>) src(%arg15 : memref<64x512xf32, #tpu.memory_space<vmem>>) dst(%dma_wait3A_60 : memref<64x512xf32, #tpu.memory_space<hbm>>)
      tpu.yield
    }) : () -> ()
    "tpu.region"() ({
      %run_scoped3A = tpu.sem_alloc : memref<!tpu.dma_semaphore, #tpu.memory_space<semaphore_mem>>
      %dma_start3A_53 = arith.constant 0 : i32
      %dma_start3A_54 = tpu.memref_slice %arg10[%add3A_28, %dma_start3A_53] : memref<4096x512xf32, #tpu.memory_space<hbm>> -> memref<64x512xf32, #tpu.memory_space<hbm>>
      %dma_start3A_55 = arith.constant 0 : i32
      %dma_start3A_56 = tpu.memref_slice %arg10[%add3A_28, %dma_start3A_55] : memref<4096x512xf32, #tpu.memory_space<hbm>> -> memref<64x512xf32, #tpu.memory_space<hbm>>
      tpu.enqueue_dma source(%arg16 : memref<64x512xf32, #tpu.memory_space<vmem>>) target(%dma_start3A_56 : memref<64x512xf32, #tpu.memory_space<hbm>>) target_semaphore(%run_scoped3A : memref<!tpu.dma_semaphore, #tpu.memory_space<semaphore_mem>>)
      %dma_wait3A_57 = arith.constant 0 : i32
      %dma_wait3A_58 = tpu.memref_slice %arg10[%add3A_28, %dma_wait3A_57] : memref<4096x512xf32, #tpu.memory_space<hbm>> -> memref<64x512xf32, #tpu.memory_space<hbm>>
      %dma_wait3A_59 = arith.constant 0 : i32
      %dma_wait3A_60 = tpu.memref_slice %arg10[%add3A_28, %dma_wait3A_59] : memref<4096x512xf32, #tpu.memory_space<hbm>> -> memref<64x512xf32, #tpu.memory_space<hbm>>
      tpu.wait_dma2 semaphore(%run_scoped3A : memref<!tpu.dma_semaphore, #tpu.memory_space<semaphore_mem>>) src(%arg16 : memref<64x512xf32, #tpu.memory_space<vmem>>) dst(%dma_wait3A_60 : memref<64x512xf32, #tpu.memory_space<hbm>>)
      tpu.yield
    }) : () -> ()
    return
  }
}

#map = affine_map<(d0, d1) -> (0)>
#map1 = affine_map<(d0, d1) -> (0, 0)>
module attributes {stable_mosaic.version = 14 : i64} {
  func.func @k(%arg0: i32, %arg1: i32, %arg2: memref<4096xi32, #tpu.memory_space<hbm>>, %arg3: memref<4096xi32, #tpu.memory_space<hbm>>, %arg4: memref<100000x128xf32, #tpu.memory_space<hbm>>, %arg5: memref<100000x512xf32, #tpu.memory_space<hbm>>, %arg6: memref<100000x512xf32, #tpu.memory_space<hbm>>, %arg7: memref<4096x128xf32, #tpu.memory_space<hbm>>, %arg8: memref<4096x128xf32, #tpu.memory_space<hbm>>, %arg9: memref<4096x512xf32, #tpu.memory_space<hbm>>, %arg10: memref<4096x512xf32, #tpu.memory_space<hbm>>, %arg11: memref<64xi32, #tpu.memory_space<vmem>>, %arg12: memref<64xi32, #tpu.memory_space<vmem>>, %arg13: memref<64x128xf32, #tpu.memory_space<vmem>>, %arg14: memref<64x128xf32, #tpu.memory_space<vmem>>, %arg15: memref<64x512xf32, #tpu.memory_space<vmem>>, %arg16: memref<64x512xf32, #tpu.memory_space<vmem>>, %arg17: memref<!tpu.dma_semaphore, #tpu.memory_space<semaphore_mem>>) attributes {dimension_semantics = [#tpu.dimension_semantics<core_parallel>, #tpu.dimension_semantics<subcore_parallel>], iteration_bounds = array<i64: 2, 16>, scalar_prefetch = 0 : i64, scratch_operands = 7 : i64, tpu.core_type = #tpu.core_type<sc_vector_subcore>, window_params = [{transform_indices = #map}, {transform_indices = #map}, {transform_indices = #map1}, {transform_indices = #map1}, {transform_indices = #map1}, {transform_indices = #map1}, {transform_indices = #map1}, {transform_indices = #map1}, {transform_indices = #map1}]} {
    %mul3A = arith.constant 2 : i32
    %mul3A_0 = arith.muli %arg1, %mul3A : i32
    %add3A = arith.addi %mul3A_0, %arg0 : i32
    %mul3A_1 = arith.constant 128 : i32
    %mul3A_2 = arith.muli %add3A, %mul3A_1 : i32
    %add3A_3 = arith.constant 0 : i32
    %add3A_4 = arith.addi %mul3A_2, %add3A_3 : i32
    "tpu.region"() ({
      %run_scoped3A = tpu.sem_alloc : memref<!tpu.dma_semaphore, #tpu.memory_space<semaphore_mem>>
      %dma_start3A_53 = tpu.memref_slice %arg2[%add3A_4] : memref<4096xi32, #tpu.memory_space<hbm>> -> memref<64xi32, #tpu.memory_space<hbm>>
      %dma_start3A_54 = tpu.memref_slice %arg2[%add3A_4] : memref<4096xi32, #tpu.memory_space<hbm>> -> memref<64xi32, #tpu.memory_space<hbm>>
      tpu.enqueue_dma source(%dma_start3A_54 : memref<64xi32, #tpu.memory_space<hbm>>) target(%arg11 : memref<64xi32, #tpu.memory_space<vmem>>) target_semaphore(%run_scoped3A : memref<!tpu.dma_semaphore, #tpu.memory_space<semaphore_mem>>)
      %dma_wait3A_55 = tpu.memref_slice %arg2[%add3A_4] : memref<4096xi32, #tpu.memory_space<hbm>> -> memref<64xi32, #tpu.memory_space<hbm>>
      %dma_wait3A_56 = tpu.memref_slice %arg2[%add3A_4] : memref<4096xi32, #tpu.memory_space<hbm>> -> memref<64xi32, #tpu.memory_space<hbm>>
      tpu.wait_dma2 semaphore(%run_scoped3A : memref<!tpu.dma_semaphore, #tpu.memory_space<semaphore_mem>>) src(%dma_wait3A_56 : memref<64xi32, #tpu.memory_space<hbm>>) dst(%arg11 : memref<64xi32, #tpu.memory_space<vmem>>)
      tpu.yield
    }) : () -> ()
    "tpu.region"() ({
      %run_scoped3A = tpu.sem_alloc : memref<!tpu.dma_semaphore, #tpu.memory_space<semaphore_mem>>
      %dma_start3A_53 = tpu.memref_slice %arg3[%add3A_4] : memref<4096xi32, #tpu.memory_space<hbm>> -> memref<64xi32, #tpu.memory_space<hbm>>
      %dma_start3A_54 = tpu.memref_slice %arg3[%add3A_4] : memref<4096xi32, #tpu.memory_space<hbm>> -> memref<64xi32, #tpu.memory_space<hbm>>
      tpu.enqueue_dma source(%dma_start3A_54 : memref<64xi32, #tpu.memory_space<hbm>>) target(%arg12 : memref<64xi32, #tpu.memory_space<vmem>>) target_semaphore(%run_scoped3A : memref<!tpu.dma_semaphore, #tpu.memory_space<semaphore_mem>>)
      %dma_wait3A_55 = tpu.memref_slice %arg3[%add3A_4] : memref<4096xi32, #tpu.memory_space<hbm>> -> memref<64xi32, #tpu.memory_space<hbm>>
      %dma_wait3A_56 = tpu.memref_slice %arg3[%add3A_4] : memref<4096xi32, #tpu.memory_space<hbm>> -> memref<64xi32, #tpu.memory_space<hbm>>
      tpu.wait_dma2 semaphore(%run_scoped3A : memref<!tpu.dma_semaphore, #tpu.memory_space<semaphore_mem>>) src(%dma_wait3A_56 : memref<64xi32, #tpu.memory_space<hbm>>) dst(%arg12 : memref<64xi32, #tpu.memory_space<vmem>>)
      tpu.yield
    }) : () -> ()
    %dma_start3A = arith.constant 0 : i32
    %dma_start3A_5 = arith.constant 0 : i32
    %dma_start3A_6 = tpu.memref_slice %arg4[%dma_start3A, %dma_start3A_5] : memref<100000x128xf32, #tpu.memory_space<hbm>> -> memref<100000x128xf32, #tpu.memory_space<hbm>>
    tpu.enqueue_indirect_dma source(%dma_start3A_6 : memref<100000x128xf32, #tpu.memory_space<hbm>>) target(%arg13 : memref<64x128xf32, #tpu.memory_space<vmem>>) offsets(%arg11 : memref<64xi32, #tpu.memory_space<vmem>>) semaphore(%arg17 : memref<!tpu.dma_semaphore, #tpu.memory_space<semaphore_mem>>)
    %dma_start3A_7 = arith.constant 0 : i32
    %dma_start3A_8 = arith.constant 0 : i32
    %dma_start3A_9 = tpu.memref_slice %arg4[%dma_start3A_7, %dma_start3A_8] : memref<100000x128xf32, #tpu.memory_space<hbm>> -> memref<100000x128xf32, #tpu.memory_space<hbm>>
    tpu.enqueue_indirect_dma source(%dma_start3A_9 : memref<100000x128xf32, #tpu.memory_space<hbm>>) target(%arg14 : memref<64x128xf32, #tpu.memory_space<vmem>>) offsets(%arg12 : memref<64xi32, #tpu.memory_space<vmem>>) semaphore(%arg17 : memref<!tpu.dma_semaphore, #tpu.memory_space<semaphore_mem>>)
    %dma_start3A_10 = arith.constant 0 : i32
    %dma_start3A_11 = arith.constant 0 : i32
    %dma_start3A_12 = tpu.memref_slice %arg5[%dma_start3A_10, %dma_start3A_11] : memref<100000x512xf32, #tpu.memory_space<hbm>> -> memref<100000x512xf32, #tpu.memory_space<hbm>>
    tpu.enqueue_indirect_dma source(%dma_start3A_12 : memref<100000x512xf32, #tpu.memory_space<hbm>>) target(%arg15 : memref<64x512xf32, #tpu.memory_space<vmem>>) offsets(%arg11 : memref<64xi32, #tpu.memory_space<vmem>>) semaphore(%arg17 : memref<!tpu.dma_semaphore, #tpu.memory_space<semaphore_mem>>)
    %dma_start3A_13 = arith.constant 0 : i32
    %dma_start3A_14 = arith.constant 0 : i32
    %dma_start3A_15 = tpu.memref_slice %arg6[%dma_start3A_13, %dma_start3A_14] : memref<100000x512xf32, #tpu.memory_space<hbm>> -> memref<100000x512xf32, #tpu.memory_space<hbm>>
    tpu.enqueue_indirect_dma source(%dma_start3A_15 : memref<100000x512xf32, #tpu.memory_space<hbm>>) target(%arg16 : memref<64x512xf32, #tpu.memory_space<vmem>>) offsets(%arg12 : memref<64xi32, #tpu.memory_space<vmem>>) semaphore(%arg17 : memref<!tpu.dma_semaphore, #tpu.memory_space<semaphore_mem>>)
    %dma_wait3A = arith.constant 0 : i32
    %dma_wait3A_16 = arith.constant 0 : i32
    %dma_wait3A_17 = tpu.memref_slice %arg4[%dma_wait3A, %dma_wait3A_16] : memref<100000x128xf32, #tpu.memory_space<hbm>> -> memref<100000x128xf32, #tpu.memory_space<hbm>>
    tpu.wait_indirect_dma semaphore(%arg17 : memref<!tpu.dma_semaphore, #tpu.memory_space<semaphore_mem>>) src(%dma_wait3A_17 : memref<100000x128xf32, #tpu.memory_space<hbm>>) dst(%arg13 : memref<64x128xf32, #tpu.memory_space<vmem>>)
    %dma_wait3A_18 = arith.constant 0 : i32
    %dma_wait3A_19 = arith.constant 0 : i32
    %dma_wait3A_20 = tpu.memref_slice %arg4[%dma_wait3A_18, %dma_wait3A_19] : memref<100000x128xf32, #tpu.memory_space<hbm>> -> memref<100000x128xf32, #tpu.memory_space<hbm>>
    tpu.wait_indirect_dma semaphore(%arg17 : memref<!tpu.dma_semaphore, #tpu.memory_space<semaphore_mem>>) src(%dma_wait3A_20 : memref<100000x128xf32, #tpu.memory_space<hbm>>) dst(%arg14 : memref<64x128xf32, #tpu.memory_space<vmem>>)
    %dma_wait3A_21 = arith.constant 0 : i32
    %dma_wait3A_22 = arith.constant 0 : i32
    %dma_wait3A_23 = tpu.memref_slice %arg5[%dma_wait3A_21, %dma_wait3A_22] : memref<100000x512xf32, #tpu.memory_space<hbm>> -> memref<100000x512xf32, #tpu.memory_space<hbm>>
    tpu.wait_indirect_dma semaphore(%arg17 : memref<!tpu.dma_semaphore, #tpu.memory_space<semaphore_mem>>) src(%dma_wait3A_23 : memref<100000x512xf32, #tpu.memory_space<hbm>>) dst(%arg15 : memref<64x512xf32, #tpu.memory_space<vmem>>)
    %dma_wait3A_24 = arith.constant 0 : i32
    %dma_wait3A_25 = arith.constant 0 : i32
    %dma_wait3A_26 = tpu.memref_slice %arg6[%dma_wait3A_24, %dma_wait3A_25] : memref<100000x512xf32, #tpu.memory_space<hbm>> -> memref<100000x512xf32, #tpu.memory_space<hbm>>
    tpu.wait_indirect_dma semaphore(%arg17 : memref<!tpu.dma_semaphore, #tpu.memory_space<semaphore_mem>>) src(%dma_wait3A_26 : memref<100000x512xf32, #tpu.memory_space<hbm>>) dst(%arg16 : memref<64x512xf32, #tpu.memory_space<vmem>>)
    "tpu.region"() ({
      %run_scoped3A = tpu.sem_alloc : memref<!tpu.dma_semaphore, #tpu.memory_space<semaphore_mem>>
      %dma_start3A_53 = arith.constant 0 : i32
      %dma_start3A_54 = tpu.memref_slice %arg7[%add3A_4, %dma_start3A_53] : memref<4096x128xf32, #tpu.memory_space<hbm>> -> memref<64x128xf32, #tpu.memory_space<hbm>>
      %dma_start3A_55 = arith.constant 0 : i32
      %dma_start3A_56 = tpu.memref_slice %arg7[%add3A_4, %dma_start3A_55] : memref<4096x128xf32, #tpu.memory_space<hbm>> -> memref<64x128xf32, #tpu.memory_space<hbm>>
      tpu.enqueue_dma source(%arg13 : memref<64x128xf32, #tpu.memory_space<vmem>>) target(%dma_start3A_56 : memref<64x128xf32, #tpu.memory_space<hbm>>) target_semaphore(%run_scoped3A : memref<!tpu.dma_semaphore, #tpu.memory_space<semaphore_mem>>)
      %dma_wait3A_57 = arith.constant 0 : i32
      %dma_wait3A_58 = tpu.memref_slice %arg7[%add3A_4, %dma_wait3A_57] : memref<4096x128xf32, #tpu.memory_space<hbm>> -> memref<64x128xf32, #tpu.memory_space<hbm>>
      %dma_wait3A_59 = arith.constant 0 : i32
      %dma_wait3A_60 = tpu.memref_slice %arg7[%add3A_4, %dma_wait3A_59] : memref<4096x128xf32, #tpu.memory_space<hbm>> -> memref<64x128xf32, #tpu.memory_space<hbm>>
      tpu.wait_dma2 semaphore(%run_scoped3A : memref<!tpu.dma_semaphore, #tpu.memory_space<semaphore_mem>>) src(%arg13 : memref<64x128xf32, #tpu.memory_space<vmem>>) dst(%dma_wait3A_60 : memref<64x128xf32, #tpu.memory_space<hbm>>)
      tpu.yield
    }) : () -> ()
    "tpu.region"() ({
      %run_scoped3A = tpu.sem_alloc : memref<!tpu.dma_semaphore, #tpu.memory_space<semaphore_mem>>
      %dma_start3A_53 = arith.constant 0 : i32
      %dma_start3A_54 = tpu.memref_slice %arg8[%add3A_4, %dma_start3A_53] : memref<4096x128xf32, #tpu.memory_space<hbm>> -> memref<64x128xf32, #tpu.memory_space<hbm>>
      %dma_start3A_55 = arith.constant 0 : i32
      %dma_start3A_56 = tpu.memref_slice %arg8[%add3A_4, %dma_start3A_55] : memref<4096x128xf32, #tpu.memory_space<hbm>> -> memref<64x128xf32, #tpu.memory_space<hbm>>
      tpu.enqueue_dma source(%arg14 : memref<64x128xf32, #tpu.memory_space<vmem>>) target(%dma_start3A_56 : memref<64x128xf32, #tpu.memory_space<hbm>>) target_semaphore(%run_scoped3A : memref<!tpu.dma_semaphore, #tpu.memory_space<semaphore_mem>>)
      %dma_wait3A_57 = arith.constant 0 : i32
      %dma_wait3A_58 = tpu.memref_slice %arg8[%add3A_4, %dma_wait3A_57] : memref<4096x128xf32, #tpu.memory_space<hbm>> -> memref<64x128xf32, #tpu.memory_space<hbm>>
      %dma_wait3A_59 = arith.constant 0 : i32
      %dma_wait3A_60 = tpu.memref_slice %arg8[%add3A_4, %dma_wait3A_59] : memref<4096x128xf32, #tpu.memory_space<hbm>> -> memref<64x128xf32, #tpu.memory_space<hbm>>
      tpu.wait_dma2 semaphore(%run_scoped3A : memref<!tpu.dma_semaphore, #tpu.memory_space<semaphore_mem>>) src(%arg14 : memref<64x128xf32, #tpu.memory_space<vmem>>) dst(%dma_wait3A_60 : memref<64x128xf32, #tpu.memory_space<hbm>>)
      tpu.yield
    }) : () -> ()
    "tpu.region"() ({
      %run_scoped3A = tpu.sem_alloc : memref<!tpu.dma_semaphore, #tpu.memory_space<semaphore_mem>>
      %dma_start3A_53 = arith.constant 0 : i32
      %dma_start3A_54 = tpu.memref_slice %arg9[%add3A_4, %dma_start3A_53] : memref<4096x512xf32, #tpu.memory_space<hbm>> -> memref<64x512xf32, #tpu.memory_space<hbm>>
      %dma_start3A_55 = arith.constant 0 : i32
      %dma_start3A_56 = tpu.memref_slice %arg9[%add3A_4, %dma_start3A_55] : memref<4096x512xf32, #tpu.memory_space<hbm>> -> memref<64x512xf32, #tpu.memory_space<hbm>>
      tpu.enqueue_dma source(%arg15 : memref<64x512xf32, #tpu.memory_space<vmem>>) target(%dma_start3A_56 : memref<64x512xf32, #tpu.memory_space<hbm>>) target_semaphore(%run_scoped3A : memref<!tpu.dma_semaphore, #tpu.memory_space<semaphore_mem>>)
      %dma_wait3A_57 = arith.constant 0 : i32
      %dma_wait3A_58 = tpu.memref_slice %arg9[%add3A_4, %dma_wait3A_57] : memref<4096x512xf32, #tpu.memory_space<hbm>> -> memref<64x512xf32, #tpu.memory_space<hbm>>
      %dma_wait3A_59 = arith.constant 0 : i32
      %dma_wait3A_60 = tpu.memref_slice %arg9[%add3A_4, %dma_wait3A_59] : memref<4096x512xf32, #tpu.memory_space<hbm>> -> memref<64x512xf32, #tpu.memory_space<hbm>>
      tpu.wait_dma2 semaphore(%run_scoped3A : memref<!tpu.dma_semaphore, #tpu.memory_space<semaphore_mem>>) src(%arg15 : memref<64x512xf32, #tpu.memory_space<vmem>>) dst(%dma_wait3A_60 : memref<64x512xf32, #tpu.memory_space<hbm>>)
      tpu.yield
    }) : () -> ()
    "tpu.region"() ({
      %run_scoped3A = tpu.sem_alloc : memref<!tpu.dma_semaphore, #tpu.memory_space<semaphore_mem>>
      %dma_start3A_53 = arith.constant 0 : i32
      %dma_start3A_54 = tpu.memref_slice %arg10[%add3A_4, %dma_start3A_53] : memref<4096x512xf32, #tpu.memory_space<hbm>> -> memref<64x512xf32, #tpu.memory_space<hbm>>
      %dma_start3A_55 = arith.constant 0 : i32
      %dma_start3A_56 = tpu.memref_slice %arg10[%add3A_4, %dma_start3A_55] : memref<4096x512xf32, #tpu.memory_space<hbm>> -> memref<64x512xf32, #tpu.memory_space<hbm>>
      tpu.enqueue_dma source(%arg16 : memref<64x512xf32, #tpu.memory_space<vmem>>) target(%dma_start3A_56 : memref<64x512xf32, #tpu.memory_space<hbm>>) target_semaphore(%run_scoped3A : memref<!tpu.dma_semaphore, #tpu.memory_space<semaphore_mem>>)
      %dma_wait3A_57 = arith.constant 0 : i32
      %dma_wait3A_58 = tpu.memref_slice %arg10[%add3A_4, %dma_wait3A_57] : memref<4096x512xf32, #tpu.memory_space<hbm>> -> memref<64x512xf32, #tpu.memory_space<hbm>>
      %dma_wait3A_59 = arith.constant 0 : i32
      %dma_wait3A_60 = tpu.memref_slice %arg10[%add3A_4, %dma_wait3A_59] : memref<4096x512xf32, #tpu.memory_space<hbm>> -> memref<64x512xf32, #tpu.memory_space<hbm>>
      tpu.wait_dma2 semaphore(%run_scoped3A : memref<!tpu.dma_semaphore, #tpu.memory_space<semaphore_mem>>) src(%arg16 : memref<64x512xf32, #tpu.memory_space<vmem>>) dst(%dma_wait3A_60 : memref<64x512xf32, #tpu.memory_space<hbm>>)
      tpu.yield
    }) : () -> ()
    %add3A_27 = arith.constant 64 : i32
    %add3A_28 = arith.addi %mul3A_2, %add3A_27 : i32
    "tpu.region"() ({
      %run_scoped3A = tpu.sem_alloc : memref<!tpu.dma_semaphore, #tpu.memory_space<semaphore_mem>>
      %dma_start3A_53 = tpu.memref_slice %arg2[%add3A_28] : memref<4096xi32, #tpu.memory_space<hbm>> -> memref<64xi32, #tpu.memory_space<hbm>>
      %dma_start3A_54 = tpu.memref_slice %arg2[%add3A_28] : memref<4096xi32, #tpu.memory_space<hbm>> -> memref<64xi32, #tpu.memory_space<hbm>>
      tpu.enqueue_dma source(%dma_start3A_54 : memref<64xi32, #tpu.memory_space<hbm>>) target(%arg11 : memref<64xi32, #tpu.memory_space<vmem>>) target_semaphore(%run_scoped3A : memref<!tpu.dma_semaphore, #tpu.memory_space<semaphore_mem>>)
      %dma_wait3A_55 = tpu.memref_slice %arg2[%add3A_28] : memref<4096xi32, #tpu.memory_space<hbm>> -> memref<64xi32, #tpu.memory_space<hbm>>
      %dma_wait3A_56 = tpu.memref_slice %arg2[%add3A_28] : memref<4096xi32, #tpu.memory_space<hbm>> -> memref<64xi32, #tpu.memory_space<hbm>>
      tpu.wait_dma2 semaphore(%run_scoped3A : memref<!tpu.dma_semaphore, #tpu.memory_space<semaphore_mem>>) src(%dma_wait3A_56 : memref<64xi32, #tpu.memory_space<hbm>>) dst(%arg11 : memref<64xi32, #tpu.memory_space<vmem>>)
      tpu.yield
    }) : () -> ()
    "tpu.region"() ({
      %run_scoped3A = tpu.sem_alloc : memref<!tpu.dma_semaphore, #tpu.memory_space<semaphore_mem>>
      %dma_start3A_53 = tpu.memref_slice %arg3[%add3A_28] : memref<4096xi32, #tpu.memory_space<hbm>> -> memref<64xi32, #tpu.memory_space<hbm>>
      %dma_start3A_54 = tpu.memref_slice %arg3[%add3A_28] : memref<4096xi32, #tpu.memory_space<hbm>> -> memref<64xi32, #tpu.memory_space<hbm>>
      tpu.enqueue_dma source(%dma_start3A_54 : memref<64xi32, #tpu.memory_space<hbm>>) target(%arg12 : memref<64xi32, #tpu.memory_space<vmem>>) target_semaphore(%run_scoped3A : memref<!tpu.dma_semaphore, #tpu.memory_space<semaphore_mem>>)
      %dma_wait3A_55 = tpu.memref_slice %arg3[%add3A_28] : memref<4096xi32, #tpu.memory_space<hbm>> -> memref<64xi32, #tpu.memory_space<hbm>>
      %dma_wait3A_56 = tpu.memref_slice %arg3[%add3A_28] : memref<4096xi32, #tpu.memory_space<hbm>> -> memref<64xi32, #tpu.memory_space<hbm>>
      tpu.wait_dma2 semaphore(%run_scoped3A : memref<!tpu.dma_semaphore, #tpu.memory_space<semaphore_mem>>) src(%dma_wait3A_56 : memref<64xi32, #tpu.memory_space<hbm>>) dst(%arg12 : memref<64xi32, #tpu.memory_space<vmem>>)
      tpu.yield
    }) : () -> ()
    %dma_start3A_29 = arith.constant 0 : i32
    %dma_start3A_30 = arith.constant 0 : i32
    %dma_start3A_31 = tpu.memref_slice %arg4[%dma_start3A_29, %dma_start3A_30] : memref<100000x128xf32, #tpu.memory_space<hbm>> -> memref<100000x128xf32, #tpu.memory_space<hbm>>
    tpu.enqueue_indirect_dma source(%dma_start3A_31 : memref<100000x128xf32, #tpu.memory_space<hbm>>) target(%arg13 : memref<64x128xf32, #tpu.memory_space<vmem>>) offsets(%arg11 : memref<64xi32, #tpu.memory_space<vmem>>) semaphore(%arg17 : memref<!tpu.dma_semaphore, #tpu.memory_space<semaphore_mem>>)
    %dma_start3A_32 = arith.constant 0 : i32
    %dma_start3A_33 = arith.constant 0 : i32
    %dma_start3A_34 = tpu.memref_slice %arg4[%dma_start3A_32, %dma_start3A_33] : memref<100000x128xf32, #tpu.memory_space<hbm>> -> memref<100000x128xf32, #tpu.memory_space<hbm>>
    tpu.enqueue_indirect_dma source(%dma_start3A_34 : memref<100000x128xf32, #tpu.memory_space<hbm>>) target(%arg14 : memref<64x128xf32, #tpu.memory_space<vmem>>) offsets(%arg12 : memref<64xi32, #tpu.memory_space<vmem>>) semaphore(%arg17 : memref<!tpu.dma_semaphore, #tpu.memory_space<semaphore_mem>>)
    %dma_start3A_35 = arith.constant 0 : i32
    %dma_start3A_36 = arith.constant 0 : i32
    %dma_start3A_37 = tpu.memref_slice %arg5[%dma_start3A_35, %dma_start3A_36] : memref<100000x512xf32, #tpu.memory_space<hbm>> -> memref<100000x512xf32, #tpu.memory_space<hbm>>
    tpu.enqueue_indirect_dma source(%dma_start3A_37 : memref<100000x512xf32, #tpu.memory_space<hbm>>) target(%arg15 : memref<64x512xf32, #tpu.memory_space<vmem>>) offsets(%arg11 : memref<64xi32, #tpu.memory_space<vmem>>) semaphore(%arg17 : memref<!tpu.dma_semaphore, #tpu.memory_space<semaphore_mem>>)
    %dma_start3A_38 = arith.constant 0 : i32
    %dma_start3A_39 = arith.constant 0 : i32
    %dma_start3A_40 = tpu.memref_slice %arg6[%dma_start3A_38, %dma_start3A_39] : memref<100000x512xf32, #tpu.memory_space<hbm>> -> memref<100000x512xf32, #tpu.memory_space<hbm>>
    tpu.enqueue_indirect_dma source(%dma_start3A_40 : memref<100000x512xf32, #tpu.memory_space<hbm>>) target(%arg16 : memref<64x512xf32, #tpu.memory_space<vmem>>) offsets(%arg12 : memref<64xi32, #tpu.memory_space<vmem>>) semaphore(%arg17 : memref<!tpu.dma_semaphore, #tpu.memory_space<semaphore_mem>>)
    %dma_wait3A_41 = arith.constant 0 : i32
    %dma_wait3A_42 = arith.constant 0 : i32
    %dma_wait3A_43 = tpu.memref_slice %arg4[%dma_wait3A_41, %dma_wait3A_42] : memref<100000x128xf32, #tpu.memory_space<hbm>> -> memref<100000x128xf32, #tpu.memory_space<hbm>>
    tpu.wait_indirect_dma semaphore(%arg17 : memref<!tpu.dma_semaphore, #tpu.memory_space<semaphore_mem>>) src(%dma_wait3A_43 : memref<100000x128xf32, #tpu.memory_space<hbm>>) dst(%arg13 : memref<64x128xf32, #tpu.memory_space<vmem>>)
    %dma_wait3A_44 = arith.constant 0 : i32
    %dma_wait3A_45 = arith.constant 0 : i32
    %dma_wait3A_46 = tpu.memref_slice %arg4[%dma_wait3A_44, %dma_wait3A_45] : memref<100000x128xf32, #tpu.memory_space<hbm>> -> memref<100000x128xf32, #tpu.memory_space<hbm>>
    tpu.wait_indirect_dma semaphore(%arg17 : memref<!tpu.dma_semaphore, #tpu.memory_space<semaphore_mem>>) src(%dma_wait3A_46 : memref<100000x128xf32, #tpu.memory_space<hbm>>) dst(%arg14 : memref<64x128xf32, #tpu.memory_space<vmem>>)
    %dma_wait3A_47 = arith.constant 0 : i32
    %dma_wait3A_48 = arith.constant 0 : i32
    %dma_wait3A_49 = tpu.memref_slice %arg5[%dma_wait3A_47, %dma_wait3A_48] : memref<100000x512xf32, #tpu.memory_space<hbm>> -> memref<100000x512xf32, #tpu.memory_space<hbm>>
    tpu.wait_indirect_dma semaphore(%arg17 : memref<!tpu.dma_semaphore, #tpu.memory_space<semaphore_mem>>) src(%dma_wait3A_49 : memref<100000x512xf32, #tpu.memory_space<hbm>>) dst(%arg15 : memref<64x512xf32, #tpu.memory_space<vmem>>)
    %dma_wait3A_50 = arith.constant 0 : i32
    %dma_wait3A_51 = arith.constant 0 : i32
    %dma_wait3A_52 = tpu.memref_slice %arg6[%dma_wait3A_50, %dma_wait3A_51] : memref<100000x512xf32, #tpu.memory_space<hbm>> -> memref<100000x512xf32, #tpu.memory_space<hbm>>
    tpu.wait_indirect_dma semaphore(%arg17 : memref<!tpu.dma_semaphore, #tpu.memory_space<semaphore_mem>>) src(%dma_wait3A_52 : memref<100000x512xf32, #tpu.memory_space<hbm>>) dst(%arg16 : memref<64x512xf32, #tpu.memory_space<vmem>>)
    "tpu.region"() ({
      %run_scoped3A = tpu.sem_alloc : memref<!tpu.dma_semaphore, #tpu.memory_space<semaphore_mem>>
      %dma_start3A_53 = arith.constant 0 : i32
      %dma_start3A_54 = tpu.memref_slice %arg7[%add3A_28, %dma_start3A_53] : memref<4096x128xf32, #tpu.memory_space<hbm>> -> memref<64x128xf32, #tpu.memory_space<hbm>>
      %dma_start3A_55 = arith.constant 0 : i32
      %dma_start3A_56 = tpu.memref_slice %arg7[%add3A_28, %dma_start3A_55] : memref<4096x128xf32, #tpu.memory_space<hbm>> -> memref<64x128xf32, #tpu.memory_space<hbm>>
      tpu.enqueue_dma source(%arg13 : memref<64x128xf32, #tpu.memory_space<vmem>>) target(%dma_start3A_56 : memref<64x128xf32, #tpu.memory_space<hbm>>) target_semaphore(%run_scoped3A : memref<!tpu.dma_semaphore, #tpu.memory_space<semaphore_mem>>)
      %dma_wait3A_57 = arith.constant 0 : i32
      %dma_wait3A_58 = tpu.memref_slice %arg7[%add3A_28, %dma_wait3A_57] : memref<4096x128xf32, #tpu.memory_space<hbm>> -> memref<64x128xf32, #tpu.memory_space<hbm>>
      %dma_wait3A_59 = arith.constant 0 : i32
      %dma_wait3A_60 = tpu.memref_slice %arg7[%add3A_28, %dma_wait3A_59] : memref<4096x128xf32, #tpu.memory_space<hbm>> -> memref<64x128xf32, #tpu.memory_space<hbm>>
      tpu.wait_dma2 semaphore(%run_scoped3A : memref<!tpu.dma_semaphore, #tpu.memory_space<semaphore_mem>>) src(%arg13 : memref<64x128xf32, #tpu.memory_space<vmem>>) dst(%dma_wait3A_60 : memref<64x128xf32, #tpu.memory_space<hbm>>)
      tpu.yield
    }) : () -> ()
    "tpu.region"() ({
      %run_scoped3A = tpu.sem_alloc : memref<!tpu.dma_semaphore, #tpu.memory_space<semaphore_mem>>
      %dma_start3A_53 = arith.constant 0 : i32
      %dma_start3A_54 = tpu.memref_slice %arg8[%add3A_28, %dma_start3A_53] : memref<4096x128xf32, #tpu.memory_space<hbm>> -> memref<64x128xf32, #tpu.memory_space<hbm>>
      %dma_start3A_55 = arith.constant 0 : i32
      %dma_start3A_56 = tpu.memref_slice %arg8[%add3A_28, %dma_start3A_55] : memref<4096x128xf32, #tpu.memory_space<hbm>> -> memref<64x128xf32, #tpu.memory_space<hbm>>
      tpu.enqueue_dma source(%arg14 : memref<64x128xf32, #tpu.memory_space<vmem>>) target(%dma_start3A_56 : memref<64x128xf32, #tpu.memory_space<hbm>>) target_semaphore(%run_scoped3A : memref<!tpu.dma_semaphore, #tpu.memory_space<semaphore_mem>>)
      %dma_wait3A_57 = arith.constant 0 : i32
      %dma_wait3A_58 = tpu.memref_slice %arg8[%add3A_28, %dma_wait3A_57] : memref<4096x128xf32, #tpu.memory_space<hbm>> -> memref<64x128xf32, #tpu.memory_space<hbm>>
      %dma_wait3A_59 = arith.constant 0 : i32
      %dma_wait3A_60 = tpu.memref_slice %arg8[%add3A_28, %dma_wait3A_59] : memref<4096x128xf32, #tpu.memory_space<hbm>> -> memref<64x128xf32, #tpu.memory_space<hbm>>
      tpu.wait_dma2 semaphore(%run_scoped3A : memref<!tpu.dma_semaphore, #tpu.memory_space<semaphore_mem>>) src(%arg14 : memref<64x128xf32, #tpu.memory_space<vmem>>) dst(%dma_wait3A_60 : memref<64x128xf32, #tpu.memory_space<hbm>>)
      tpu.yield
    }) : () -> ()
    "tpu.region"() ({
      %run_scoped3A = tpu.sem_alloc : memref<!tpu.dma_semaphore, #tpu.memory_space<semaphore_mem>>
      %dma_start3A_53 = arith.constant 0 : i32
      %dma_start3A_54 = tpu.memref_slice %arg9[%add3A_28, %dma_start3A_53] : memref<4096x512xf32, #tpu.memory_space<hbm>> -> memref<64x512xf32, #tpu.memory_space<hbm>>
      %dma_start3A_55 = arith.constant 0 : i32
      %dma_start3A_56 = tpu.memref_slice %arg9[%add3A_28, %dma_start3A_55] : memref<4096x512xf32, #tpu.memory_space<hbm>> -> memref<64x512xf32, #tpu.memory_space<hbm>>
      tpu.enqueue_dma source(%arg15 : memref<64x512xf32, #tpu.memory_space<vmem>>) target(%dma_start3A_56 : memref<64x512xf32, #tpu.memory_space<hbm>>) target_semaphore(%run_scoped3A : memref<!tpu.dma_semaphore, #tpu.memory_space<semaphore_mem>>)
      %dma_wait3A_57 = arith.constant 0 : i32
      %dma_wait3A_58 = tpu.memref_slice %arg9[%add3A_28, %dma_wait3A_57] : memref<4096x512xf32, #tpu.memory_space<hbm>> -> memref<64x512xf32, #tpu.memory_space<hbm>>
      %dma_wait3A_59 = arith.constant 0 : i32
      %dma_wait3A_60 = tpu.memref_slice %arg9[%add3A_28, %dma_wait3A_59] : memref<4096x512xf32, #tpu.memory_space<hbm>> -> memref<64x512xf32, #tpu.memory_space<hbm>>
      tpu.wait_dma2 semaphore(%run_scoped3A : memref<!tpu.dma_semaphore, #tpu.memory_space<semaphore_mem>>) src(%arg15 : memref<64x512xf32, #tpu.memory_space<vmem>>) dst(%dma_wait3A_60 : memref<64x512xf32, #tpu.memory_space<hbm>>)
      tpu.yield
    }) : () -> ()
    "tpu.region"() ({
      %run_scoped3A = tpu.sem_alloc : memref<!tpu.dma_semaphore, #tpu.memory_space<semaphore_mem>>
      %dma_start3A_53 = arith.constant 0 : i32
      %dma_start3A_54 = tpu.memref_slice %arg10[%add3A_28, %dma_start3A_53] : memref<4096x512xf32, #tpu.memory_space<hbm>> -> memref<64x512xf32, #tpu.memory_space<hbm>>
      %dma_start3A_55 = arith.constant 0 : i32
      %dma_start3A_56 = tpu.memref_slice %arg10[%add3A_28, %dma_start3A_55] : memref<4096x512xf32, #tpu.memory_space<hbm>> -> memref<64x512xf32, #tpu.memory_space<hbm>>
      tpu.enqueue_dma source(%arg16 : memref<64x512xf32, #tpu.memory_space<vmem>>) target(%dma_start3A_56 : memref<64x512xf32, #tpu.memory_space<hbm>>) target_semaphore(%run_scoped3A : memref<!tpu.dma_semaphore, #tpu.memory_space<semaphore_mem>>)
      %dma_wait3A_57 = arith.constant 0 : i32
      %dma_wait3A_58 = tpu.memref_slice %arg10[%add3A_28, %dma_wait3A_57] : memref<4096x512xf32, #tpu.memory_space<hbm>> -> memref<64x512xf32, #tpu.memory_space<hbm>>
      %dma_wait3A_59 = arith.constant 0 : i32
      %dma_wait3A_60 = tpu.memref_slice %arg10[%add3A_28, %dma_wait3A_59] : memref<4096x512xf32, #tpu.memory_space<hbm>> -> memref<64x512xf32, #tpu.memory_space<hbm>>
      tpu.wait_dma2 semaphore(%run_scoped3A : memref<!tpu.dma_semaphore, #tpu.memory_space<semaphore_mem>>) src(%arg16 : memref<64x512xf32, #tpu.memory_space<vmem>>) dst(%dma_wait3A_60 : memref<64x512xf32, #tpu.memory_space<hbm>>)
      tpu.yield
    }) : () -> ()
    return
  }
}

#map = affine_map<(d0, d1) -> (0)>
#map1 = affine_map<(d0, d1) -> (0, 0)>
module attributes {stable_mosaic.version = 14 : i64} {
  func.func @k(%arg0: i32, %arg1: i32, %arg2: memref<4096xi32, #tpu.memory_space<hbm>>, %arg3: memref<4096xi32, #tpu.memory_space<hbm>>, %arg4: memref<100000x128xf32, #tpu.memory_space<hbm>>, %arg5: memref<100000x512xf32, #tpu.memory_space<hbm>>, %arg6: memref<100000x512xf32, #tpu.memory_space<hbm>>, %arg7: memref<4096x128xf32, #tpu.memory_space<hbm>>, %arg8: memref<4096x128xf32, #tpu.memory_space<hbm>>, %arg9: memref<4096x512xf32, #tpu.memory_space<hbm>>, %arg10: memref<4096x512xf32, #tpu.memory_space<hbm>>, %arg11: memref<64xi32, #tpu.memory_space<vmem>>, %arg12: memref<64xi32, #tpu.memory_space<vmem>>, %arg13: memref<64x128xf32, #tpu.memory_space<vmem>>, %arg14: memref<64x128xf32, #tpu.memory_space<vmem>>, %arg15: memref<64x512xf32, #tpu.memory_space<vmem>>, %arg16: memref<64x512xf32, #tpu.memory_space<vmem>>, %arg17: memref<!tpu.dma_semaphore, #tpu.memory_space<semaphore_mem>>) attributes {dimension_semantics = [#tpu.dimension_semantics<core_parallel>, #tpu.dimension_semantics<subcore_parallel>], iteration_bounds = array<i64: 2, 16>, scalar_prefetch = 0 : i64, scratch_operands = 7 : i64, tpu.core_type = #tpu.core_type<sc_vector_subcore>, window_params = [{transform_indices = #map}, {transform_indices = #map}, {transform_indices = #map1}, {transform_indices = #map1}, {transform_indices = #map1}, {transform_indices = #map1}, {transform_indices = #map1}, {transform_indices = #map1}, {transform_indices = #map1}]} {
    %mul3A = arith.constant 2 : i32
    %mul3A_0 = arith.muli %arg1, %mul3A : i32
    %add3A = arith.addi %mul3A_0, %arg0 : i32
    %mul3A_1 = arith.constant 128 : i32
    %mul3A_2 = arith.muli %add3A, %mul3A_1 : i32
    %add3A_3 = arith.constant 0 : i32
    %add3A_4 = arith.addi %mul3A_2, %add3A_3 : i32
    "tpu.region"() ({
      %run_scoped3A = tpu.sem_alloc : memref<!tpu.dma_semaphore, #tpu.memory_space<semaphore_mem>>
      %dma_start3A_53 = tpu.memref_slice %arg2[%add3A_4] : memref<4096xi32, #tpu.memory_space<hbm>> -> memref<64xi32, #tpu.memory_space<hbm>>
      %dma_start3A_54 = tpu.memref_slice %arg2[%add3A_4] : memref<4096xi32, #tpu.memory_space<hbm>> -> memref<64xi32, #tpu.memory_space<hbm>>
      tpu.enqueue_dma source(%dma_start3A_54 : memref<64xi32, #tpu.memory_space<hbm>>) target(%arg11 : memref<64xi32, #tpu.memory_space<vmem>>) target_semaphore(%run_scoped3A : memref<!tpu.dma_semaphore, #tpu.memory_space<semaphore_mem>>)
      %dma_wait3A_55 = tpu.memref_slice %arg2[%add3A_4] : memref<4096xi32, #tpu.memory_space<hbm>> -> memref<64xi32, #tpu.memory_space<hbm>>
      %dma_wait3A_56 = tpu.memref_slice %arg2[%add3A_4] : memref<4096xi32, #tpu.memory_space<hbm>> -> memref<64xi32, #tpu.memory_space<hbm>>
      tpu.wait_dma2 semaphore(%run_scoped3A : memref<!tpu.dma_semaphore, #tpu.memory_space<semaphore_mem>>) src(%dma_wait3A_56 : memref<64xi32, #tpu.memory_space<hbm>>) dst(%arg11 : memref<64xi32, #tpu.memory_space<vmem>>)
      tpu.yield
    }) : () -> ()
    "tpu.region"() ({
      %run_scoped3A = tpu.sem_alloc : memref<!tpu.dma_semaphore, #tpu.memory_space<semaphore_mem>>
      %dma_start3A_53 = tpu.memref_slice %arg3[%add3A_4] : memref<4096xi32, #tpu.memory_space<hbm>> -> memref<64xi32, #tpu.memory_space<hbm>>
      %dma_start3A_54 = tpu.memref_slice %arg3[%add3A_4] : memref<4096xi32, #tpu.memory_space<hbm>> -> memref<64xi32, #tpu.memory_space<hbm>>
      tpu.enqueue_dma source(%dma_start3A_54 : memref<64xi32, #tpu.memory_space<hbm>>) target(%arg12 : memref<64xi32, #tpu.memory_space<vmem>>) target_semaphore(%run_scoped3A : memref<!tpu.dma_semaphore, #tpu.memory_space<semaphore_mem>>)
      %dma_wait3A_55 = tpu.memref_slice %arg3[%add3A_4] : memref<4096xi32, #tpu.memory_space<hbm>> -> memref<64xi32, #tpu.memory_space<hbm>>
      %dma_wait3A_56 = tpu.memref_slice %arg3[%add3A_4] : memref<4096xi32, #tpu.memory_space<hbm>> -> memref<64xi32, #tpu.memory_space<hbm>>
      tpu.wait_dma2 semaphore(%run_scoped3A : memref<!tpu.dma_semaphore, #tpu.memory_space<semaphore_mem>>) src(%dma_wait3A_56 : memref<64xi32, #tpu.memory_space<hbm>>) dst(%arg12 : memref<64xi32, #tpu.memory_space<vmem>>)
      tpu.yield
    }) : () -> ()
    %dma_start3A = arith.constant 0 : i32
    %dma_start3A_5 = arith.constant 0 : i32
    %dma_start3A_6 = tpu.memref_slice %arg4[%dma_start3A, %dma_start3A_5] : memref<100000x128xf32, #tpu.memory_space<hbm>> -> memref<100000x128xf32, #tpu.memory_space<hbm>>
    tpu.enqueue_indirect_dma source(%dma_start3A_6 : memref<100000x128xf32, #tpu.memory_space<hbm>>) target(%arg13 : memref<64x128xf32, #tpu.memory_space<vmem>>) offsets(%arg11 : memref<64xi32, #tpu.memory_space<vmem>>) semaphore(%arg17 : memref<!tpu.dma_semaphore, #tpu.memory_space<semaphore_mem>>)
    %dma_start3A_7 = arith.constant 0 : i32
    %dma_start3A_8 = arith.constant 0 : i32
    %dma_start3A_9 = tpu.memref_slice %arg4[%dma_start3A_7, %dma_start3A_8] : memref<100000x128xf32, #tpu.memory_space<hbm>> -> memref<100000x128xf32, #tpu.memory_space<hbm>>
    tpu.enqueue_indirect_dma source(%dma_start3A_9 : memref<100000x128xf32, #tpu.memory_space<hbm>>) target(%arg14 : memref<64x128xf32, #tpu.memory_space<vmem>>) offsets(%arg12 : memref<64xi32, #tpu.memory_space<vmem>>) semaphore(%arg17 : memref<!tpu.dma_semaphore, #tpu.memory_space<semaphore_mem>>)
    %dma_start3A_10 = arith.constant 0 : i32
    %dma_start3A_11 = arith.constant 0 : i32
    %dma_start3A_12 = tpu.memref_slice %arg5[%dma_start3A_10, %dma_start3A_11] : memref<100000x512xf32, #tpu.memory_space<hbm>> -> memref<100000x512xf32, #tpu.memory_space<hbm>>
    tpu.enqueue_indirect_dma source(%dma_start3A_12 : memref<100000x512xf32, #tpu.memory_space<hbm>>) target(%arg15 : memref<64x512xf32, #tpu.memory_space<vmem>>) offsets(%arg11 : memref<64xi32, #tpu.memory_space<vmem>>) semaphore(%arg17 : memref<!tpu.dma_semaphore, #tpu.memory_space<semaphore_mem>>)
    %dma_start3A_13 = arith.constant 0 : i32
    %dma_start3A_14 = arith.constant 0 : i32
    %dma_start3A_15 = tpu.memref_slice %arg6[%dma_start3A_13, %dma_start3A_14] : memref<100000x512xf32, #tpu.memory_space<hbm>> -> memref<100000x512xf32, #tpu.memory_space<hbm>>
    tpu.enqueue_indirect_dma source(%dma_start3A_15 : memref<100000x512xf32, #tpu.memory_space<hbm>>) target(%arg16 : memref<64x512xf32, #tpu.memory_space<vmem>>) offsets(%arg12 : memref<64xi32, #tpu.memory_space<vmem>>) semaphore(%arg17 : memref<!tpu.dma_semaphore, #tpu.memory_space<semaphore_mem>>)
    %dma_wait3A = arith.constant 0 : i32
    %dma_wait3A_16 = arith.constant 0 : i32
    %dma_wait3A_17 = tpu.memref_slice %arg4[%dma_wait3A, %dma_wait3A_16] : memref<100000x128xf32, #tpu.memory_space<hbm>> -> memref<100000x128xf32, #tpu.memory_space<hbm>>
    tpu.wait_indirect_dma semaphore(%arg17 : memref<!tpu.dma_semaphore, #tpu.memory_space<semaphore_mem>>) src(%dma_wait3A_17 : memref<100000x128xf32, #tpu.memory_space<hbm>>) dst(%arg13 : memref<64x128xf32, #tpu.memory_space<vmem>>)
    %dma_wait3A_18 = arith.constant 0 : i32
    %dma_wait3A_19 = arith.constant 0 : i32
    %dma_wait3A_20 = tpu.memref_slice %arg4[%dma_wait3A_18, %dma_wait3A_19] : memref<100000x128xf32, #tpu.memory_space<hbm>> -> memref<100000x128xf32, #tpu.memory_space<hbm>>
    tpu.wait_indirect_dma semaphore(%arg17 : memref<!tpu.dma_semaphore, #tpu.memory_space<semaphore_mem>>) src(%dma_wait3A_20 : memref<100000x128xf32, #tpu.memory_space<hbm>>) dst(%arg14 : memref<64x128xf32, #tpu.memory_space<vmem>>)
    %dma_wait3A_21 = arith.constant 0 : i32
    %dma_wait3A_22 = arith.constant 0 : i32
    %dma_wait3A_23 = tpu.memref_slice %arg5[%dma_wait3A_21, %dma_wait3A_22] : memref<100000x512xf32, #tpu.memory_space<hbm>> -> memref<100000x512xf32, #tpu.memory_space<hbm>>
    tpu.wait_indirect_dma semaphore(%arg17 : memref<!tpu.dma_semaphore, #tpu.memory_space<semaphore_mem>>) src(%dma_wait3A_23 : memref<100000x512xf32, #tpu.memory_space<hbm>>) dst(%arg15 : memref<64x512xf32, #tpu.memory_space<vmem>>)
    %dma_wait3A_24 = arith.constant 0 : i32
    %dma_wait3A_25 = arith.constant 0 : i32
    %dma_wait3A_26 = tpu.memref_slice %arg6[%dma_wait3A_24, %dma_wait3A_25] : memref<100000x512xf32, #tpu.memory_space<hbm>> -> memref<100000x512xf32, #tpu.memory_space<hbm>>
    tpu.wait_indirect_dma semaphore(%arg17 : memref<!tpu.dma_semaphore, #tpu.memory_space<semaphore_mem>>) src(%dma_wait3A_26 : memref<100000x512xf32, #tpu.memory_space<hbm>>) dst(%arg16 : memref<64x512xf32, #tpu.memory_space<vmem>>)
    "tpu.region"() ({
      %run_scoped3A = tpu.sem_alloc : memref<!tpu.dma_semaphore, #tpu.memory_space<semaphore_mem>>
      %dma_start3A_53 = arith.constant 0 : i32
      %dma_start3A_54 = tpu.memref_slice %arg7[%add3A_4, %dma_start3A_53] : memref<4096x128xf32, #tpu.memory_space<hbm>> -> memref<64x128xf32, #tpu.memory_space<hbm>>
      %dma_start3A_55 = arith.constant 0 : i32
      %dma_start3A_56 = tpu.memref_slice %arg7[%add3A_4, %dma_start3A_55] : memref<4096x128xf32, #tpu.memory_space<hbm>> -> memref<64x128xf32, #tpu.memory_space<hbm>>
      tpu.enqueue_dma source(%arg13 : memref<64x128xf32, #tpu.memory_space<vmem>>) target(%dma_start3A_56 : memref<64x128xf32, #tpu.memory_space<hbm>>) target_semaphore(%run_scoped3A : memref<!tpu.dma_semaphore, #tpu.memory_space<semaphore_mem>>)
      %dma_wait3A_57 = arith.constant 0 : i32
      %dma_wait3A_58 = tpu.memref_slice %arg7[%add3A_4, %dma_wait3A_57] : memref<4096x128xf32, #tpu.memory_space<hbm>> -> memref<64x128xf32, #tpu.memory_space<hbm>>
      %dma_wait3A_59 = arith.constant 0 : i32
      %dma_wait3A_60 = tpu.memref_slice %arg7[%add3A_4, %dma_wait3A_59] : memref<4096x128xf32, #tpu.memory_space<hbm>> -> memref<64x128xf32, #tpu.memory_space<hbm>>
      tpu.wait_dma2 semaphore(%run_scoped3A : memref<!tpu.dma_semaphore, #tpu.memory_space<semaphore_mem>>) src(%arg13 : memref<64x128xf32, #tpu.memory_space<vmem>>) dst(%dma_wait3A_60 : memref<64x128xf32, #tpu.memory_space<hbm>>)
      tpu.yield
    }) : () -> ()
    "tpu.region"() ({
      %run_scoped3A = tpu.sem_alloc : memref<!tpu.dma_semaphore, #tpu.memory_space<semaphore_mem>>
      %dma_start3A_53 = arith.constant 0 : i32
      %dma_start3A_54 = tpu.memref_slice %arg8[%add3A_4, %dma_start3A_53] : memref<4096x128xf32, #tpu.memory_space<hbm>> -> memref<64x128xf32, #tpu.memory_space<hbm>>
      %dma_start3A_55 = arith.constant 0 : i32
      %dma_start3A_56 = tpu.memref_slice %arg8[%add3A_4, %dma_start3A_55] : memref<4096x128xf32, #tpu.memory_space<hbm>> -> memref<64x128xf32, #tpu.memory_space<hbm>>
      tpu.enqueue_dma source(%arg14 : memref<64x128xf32, #tpu.memory_space<vmem>>) target(%dma_start3A_56 : memref<64x128xf32, #tpu.memory_space<hbm>>) target_semaphore(%run_scoped3A : memref<!tpu.dma_semaphore, #tpu.memory_space<semaphore_mem>>)
      %dma_wait3A_57 = arith.constant 0 : i32
      %dma_wait3A_58 = tpu.memref_slice %arg8[%add3A_4, %dma_wait3A_57] : memref<4096x128xf32, #tpu.memory_space<hbm>> -> memref<64x128xf32, #tpu.memory_space<hbm>>
      %dma_wait3A_59 = arith.constant 0 : i32
      %dma_wait3A_60 = tpu.memref_slice %arg8[%add3A_4, %dma_wait3A_59] : memref<4096x128xf32, #tpu.memory_space<hbm>> -> memref<64x128xf32, #tpu.memory_space<hbm>>
      tpu.wait_dma2 semaphore(%run_scoped3A : memref<!tpu.dma_semaphore, #tpu.memory_space<semaphore_mem>>) src(%arg14 : memref<64x128xf32, #tpu.memory_space<vmem>>) dst(%dma_wait3A_60 : memref<64x128xf32, #tpu.memory_space<hbm>>)
      tpu.yield
    }) : () -> ()
    "tpu.region"() ({
      %run_scoped3A = tpu.sem_alloc : memref<!tpu.dma_semaphore, #tpu.memory_space<semaphore_mem>>
      %dma_start3A_53 = arith.constant 0 : i32
      %dma_start3A_54 = tpu.memref_slice %arg9[%add3A_4, %dma_start3A_53] : memref<4096x512xf32, #tpu.memory_space<hbm>> -> memref<64x512xf32, #tpu.memory_space<hbm>>
      %dma_start3A_55 = arith.constant 0 : i32
      %dma_start3A_56 = tpu.memref_slice %arg9[%add3A_4, %dma_start3A_55] : memref<4096x512xf32, #tpu.memory_space<hbm>> -> memref<64x512xf32, #tpu.memory_space<hbm>>
      tpu.enqueue_dma source(%arg15 : memref<64x512xf32, #tpu.memory_space<vmem>>) target(%dma_start3A_56 : memref<64x512xf32, #tpu.memory_space<hbm>>) target_semaphore(%run_scoped3A : memref<!tpu.dma_semaphore, #tpu.memory_space<semaphore_mem>>)
      %dma_wait3A_57 = arith.constant 0 : i32
      %dma_wait3A_58 = tpu.memref_slice %arg9[%add3A_4, %dma_wait3A_57] : memref<4096x512xf32, #tpu.memory_space<hbm>> -> memref<64x512xf32, #tpu.memory_space<hbm>>
      %dma_wait3A_59 = arith.constant 0 : i32
      %dma_wait3A_60 = tpu.memref_slice %arg9[%add3A_4, %dma_wait3A_59] : memref<4096x512xf32, #tpu.memory_space<hbm>> -> memref<64x512xf32, #tpu.memory_space<hbm>>
      tpu.wait_dma2 semaphore(%run_scoped3A : memref<!tpu.dma_semaphore, #tpu.memory_space<semaphore_mem>>) src(%arg15 : memref<64x512xf32, #tpu.memory_space<vmem>>) dst(%dma_wait3A_60 : memref<64x512xf32, #tpu.memory_space<hbm>>)
      tpu.yield
    }) : () -> ()
    "tpu.region"() ({
      %run_scoped3A = tpu.sem_alloc : memref<!tpu.dma_semaphore, #tpu.memory_space<semaphore_mem>>
      %dma_start3A_53 = arith.constant 0 : i32
      %dma_start3A_54 = tpu.memref_slice %arg10[%add3A_4, %dma_start3A_53] : memref<4096x512xf32, #tpu.memory_space<hbm>> -> memref<64x512xf32, #tpu.memory_space<hbm>>
      %dma_start3A_55 = arith.constant 0 : i32
      %dma_start3A_56 = tpu.memref_slice %arg10[%add3A_4, %dma_start3A_55] : memref<4096x512xf32, #tpu.memory_space<hbm>> -> memref<64x512xf32, #tpu.memory_space<hbm>>
      tpu.enqueue_dma source(%arg16 : memref<64x512xf32, #tpu.memory_space<vmem>>) target(%dma_start3A_56 : memref<64x512xf32, #tpu.memory_space<hbm>>) target_semaphore(%run_scoped3A : memref<!tpu.dma_semaphore, #tpu.memory_space<semaphore_mem>>)
      %dma_wait3A_57 = arith.constant 0 : i32
      %dma_wait3A_58 = tpu.memref_slice %arg10[%add3A_4, %dma_wait3A_57] : memref<4096x512xf32, #tpu.memory_space<hbm>> -> memref<64x512xf32, #tpu.memory_space<hbm>>
      %dma_wait3A_59 = arith.constant 0 : i32
      %dma_wait3A_60 = tpu.memref_slice %arg10[%add3A_4, %dma_wait3A_59] : memref<4096x512xf32, #tpu.memory_space<hbm>> -> memref<64x512xf32, #tpu.memory_space<hbm>>
      tpu.wait_dma2 semaphore(%run_scoped3A : memref<!tpu.dma_semaphore, #tpu.memory_space<semaphore_mem>>) src(%arg16 : memref<64x512xf32, #tpu.memory_space<vmem>>) dst(%dma_wait3A_60 : memref<64x512xf32, #tpu.memory_space<hbm>>)
      tpu.yield
    }) : () -> ()
    %add3A_27 = arith.constant 64 : i32
    %add3A_28 = arith.addi %mul3A_2, %add3A_27 : i32
    "tpu.region"() ({
      %run_scoped3A = tpu.sem_alloc : memref<!tpu.dma_semaphore, #tpu.memory_space<semaphore_mem>>
      %dma_start3A_53 = tpu.memref_slice %arg2[%add3A_28] : memref<4096xi32, #tpu.memory_space<hbm>> -> memref<64xi32, #tpu.memory_space<hbm>>
      %dma_start3A_54 = tpu.memref_slice %arg2[%add3A_28] : memref<4096xi32, #tpu.memory_space<hbm>> -> memref<64xi32, #tpu.memory_space<hbm>>
      tpu.enqueue_dma source(%dma_start3A_54 : memref<64xi32, #tpu.memory_space<hbm>>) target(%arg11 : memref<64xi32, #tpu.memory_space<vmem>>) target_semaphore(%run_scoped3A : memref<!tpu.dma_semaphore, #tpu.memory_space<semaphore_mem>>)
      %dma_wait3A_55 = tpu.memref_slice %arg2[%add3A_28] : memref<4096xi32, #tpu.memory_space<hbm>> -> memref<64xi32, #tpu.memory_space<hbm>>
      %dma_wait3A_56 = tpu.memref_slice %arg2[%add3A_28] : memref<4096xi32, #tpu.memory_space<hbm>> -> memref<64xi32, #tpu.memory_space<hbm>>
      tpu.wait_dma2 semaphore(%run_scoped3A : memref<!tpu.dma_semaphore, #tpu.memory_space<semaphore_mem>>) src(%dma_wait3A_56 : memref<64xi32, #tpu.memory_space<hbm>>) dst(%arg11 : memref<64xi32, #tpu.memory_space<vmem>>)
      tpu.yield
    }) : () -> ()
    "tpu.region"() ({
      %run_scoped3A = tpu.sem_alloc : memref<!tpu.dma_semaphore, #tpu.memory_space<semaphore_mem>>
      %dma_start3A_53 = tpu.memref_slice %arg3[%add3A_28] : memref<4096xi32, #tpu.memory_space<hbm>> -> memref<64xi32, #tpu.memory_space<hbm>>
      %dma_start3A_54 = tpu.memref_slice %arg3[%add3A_28] : memref<4096xi32, #tpu.memory_space<hbm>> -> memref<64xi32, #tpu.memory_space<hbm>>
      tpu.enqueue_dma source(%dma_start3A_54 : memref<64xi32, #tpu.memory_space<hbm>>) target(%arg12 : memref<64xi32, #tpu.memory_space<vmem>>) target_semaphore(%run_scoped3A : memref<!tpu.dma_semaphore, #tpu.memory_space<semaphore_mem>>)
      %dma_wait3A_55 = tpu.memref_slice %arg3[%add3A_28] : memref<4096xi32, #tpu.memory_space<hbm>> -> memref<64xi32, #tpu.memory_space<hbm>>
      %dma_wait3A_56 = tpu.memref_slice %arg3[%add3A_28] : memref<4096xi32, #tpu.memory_space<hbm>> -> memref<64xi32, #tpu.memory_space<hbm>>
      tpu.wait_dma2 semaphore(%run_scoped3A : memref<!tpu.dma_semaphore, #tpu.memory_space<semaphore_mem>>) src(%dma_wait3A_56 : memref<64xi32, #tpu.memory_space<hbm>>) dst(%arg12 : memref<64xi32, #tpu.memory_space<vmem>>)
      tpu.yield
    }) : () -> ()
    %dma_start3A_29 = arith.constant 0 : i32
    %dma_start3A_30 = arith.constant 0 : i32
    %dma_start3A_31 = tpu.memref_slice %arg4[%dma_start3A_29, %dma_start3A_30] : memref<100000x128xf32, #tpu.memory_space<hbm>> -> memref<100000x128xf32, #tpu.memory_space<hbm>>
    tpu.enqueue_indirect_dma source(%dma_start3A_31 : memref<100000x128xf32, #tpu.memory_space<hbm>>) target(%arg13 : memref<64x128xf32, #tpu.memory_space<vmem>>) offsets(%arg11 : memref<64xi32, #tpu.memory_space<vmem>>) semaphore(%arg17 : memref<!tpu.dma_semaphore, #tpu.memory_space<semaphore_mem>>)
    %dma_start3A_32 = arith.constant 0 : i32
    %dma_start3A_33 = arith.constant 0 : i32
    %dma_start3A_34 = tpu.memref_slice %arg4[%dma_start3A_32, %dma_start3A_33] : memref<100000x128xf32, #tpu.memory_space<hbm>> -> memref<100000x128xf32, #tpu.memory_space<hbm>>
    tpu.enqueue_indirect_dma source(%dma_start3A_34 : memref<100000x128xf32, #tpu.memory_space<hbm>>) target(%arg14 : memref<64x128xf32, #tpu.memory_space<vmem>>) offsets(%arg12 : memref<64xi32, #tpu.memory_space<vmem>>) semaphore(%arg17 : memref<!tpu.dma_semaphore, #tpu.memory_space<semaphore_mem>>)
    %dma_start3A_35 = arith.constant 0 : i32
    %dma_start3A_36 = arith.constant 0 : i32
    %dma_start3A_37 = tpu.memref_slice %arg5[%dma_start3A_35, %dma_start3A_36] : memref<100000x512xf32, #tpu.memory_space<hbm>> -> memref<100000x512xf32, #tpu.memory_space<hbm>>
    tpu.enqueue_indirect_dma source(%dma_start3A_37 : memref<100000x512xf32, #tpu.memory_space<hbm>>) target(%arg15 : memref<64x512xf32, #tpu.memory_space<vmem>>) offsets(%arg11 : memref<64xi32, #tpu.memory_space<vmem>>) semaphore(%arg17 : memref<!tpu.dma_semaphore, #tpu.memory_space<semaphore_mem>>)
    %dma_start3A_38 = arith.constant 0 : i32
    %dma_start3A_39 = arith.constant 0 : i32
    %dma_start3A_40 = tpu.memref_slice %arg6[%dma_start3A_38, %dma_start3A_39] : memref<100000x512xf32, #tpu.memory_space<hbm>> -> memref<100000x512xf32, #tpu.memory_space<hbm>>
    tpu.enqueue_indirect_dma source(%dma_start3A_40 : memref<100000x512xf32, #tpu.memory_space<hbm>>) target(%arg16 : memref<64x512xf32, #tpu.memory_space<vmem>>) offsets(%arg12 : memref<64xi32, #tpu.memory_space<vmem>>) semaphore(%arg17 : memref<!tpu.dma_semaphore, #tpu.memory_space<semaphore_mem>>)
    %dma_wait3A_41 = arith.constant 0 : i32
    %dma_wait3A_42 = arith.constant 0 : i32
    %dma_wait3A_43 = tpu.memref_slice %arg4[%dma_wait3A_41, %dma_wait3A_42] : memref<100000x128xf32, #tpu.memory_space<hbm>> -> memref<100000x128xf32, #tpu.memory_space<hbm>>
    tpu.wait_indirect_dma semaphore(%arg17 : memref<!tpu.dma_semaphore, #tpu.memory_space<semaphore_mem>>) src(%dma_wait3A_43 : memref<100000x128xf32, #tpu.memory_space<hbm>>) dst(%arg13 : memref<64x128xf32, #tpu.memory_space<vmem>>)
    %dma_wait3A_44 = arith.constant 0 : i32
    %dma_wait3A_45 = arith.constant 0 : i32
    %dma_wait3A_46 = tpu.memref_slice %arg4[%dma_wait3A_44, %dma_wait3A_45] : memref<100000x128xf32, #tpu.memory_space<hbm>> -> memref<100000x128xf32, #tpu.memory_space<hbm>>
    tpu.wait_indirect_dma semaphore(%arg17 : memref<!tpu.dma_semaphore, #tpu.memory_space<semaphore_mem>>) src(%dma_wait3A_46 : memref<100000x128xf32, #tpu.memory_space<hbm>>) dst(%arg14 : memref<64x128xf32, #tpu.memory_space<vmem>>)
    %dma_wait3A_47 = arith.constant 0 : i32
    %dma_wait3A_48 = arith.constant 0 : i32
    %dma_wait3A_49 = tpu.memref_slice %arg5[%dma_wait3A_47, %dma_wait3A_48] : memref<100000x512xf32, #tpu.memory_space<hbm>> -> memref<100000x512xf32, #tpu.memory_space<hbm>>
    tpu.wait_indirect_dma semaphore(%arg17 : memref<!tpu.dma_semaphore, #tpu.memory_space<semaphore_mem>>) src(%dma_wait3A_49 : memref<100000x512xf32, #tpu.memory_space<hbm>>) dst(%arg15 : memref<64x512xf32, #tpu.memory_space<vmem>>)
    %dma_wait3A_50 = arith.constant 0 : i32
    %dma_wait3A_51 = arith.constant 0 : i32
    %dma_wait3A_52 = tpu.memref_slice %arg6[%dma_wait3A_50, %dma_wait3A_51] : memref<100000x512xf32, #tpu.memory_space<hbm>> -> memref<100000x512xf32, #tpu.memory_space<hbm>>
    tpu.wait_indirect_dma semaphore(%arg17 : memref<!tpu.dma_semaphore, #tpu.memory_space<semaphore_mem>>) src(%dma_wait3A_52 : memref<100000x512xf32, #tpu.memory_space<hbm>>) dst(%arg16 : memref<64x512xf32, #tpu.memory_space<vmem>>)
    "tpu.region"() ({
      %run_scoped3A = tpu.sem_alloc : memref<!tpu.dma_semaphore, #tpu.memory_space<semaphore_mem>>
      %dma_start3A_53 = arith.constant 0 : i32
      %dma_start3A_54 = tpu.memref_slice %arg7[%add3A_28, %dma_start3A_53] : memref<4096x128xf32, #tpu.memory_space<hbm>> -> memref<64x128xf32, #tpu.memory_space<hbm>>
      %dma_start3A_55 = arith.constant 0 : i32
      %dma_start3A_56 = tpu.memref_slice %arg7[%add3A_28, %dma_start3A_55] : memref<4096x128xf32, #tpu.memory_space<hbm>> -> memref<64x128xf32, #tpu.memory_space<hbm>>
      tpu.enqueue_dma source(%arg13 : memref<64x128xf32, #tpu.memory_space<vmem>>) target(%dma_start3A_56 : memref<64x128xf32, #tpu.memory_space<hbm>>) target_semaphore(%run_scoped3A : memref<!tpu.dma_semaphore, #tpu.memory_space<semaphore_mem>>)
      %dma_wait3A_57 = arith.constant 0 : i32
      %dma_wait3A_58 = tpu.memref_slice %arg7[%add3A_28, %dma_wait3A_57] : memref<4096x128xf32, #tpu.memory_space<hbm>> -> memref<64x128xf32, #tpu.memory_space<hbm>>
      %dma_wait3A_59 = arith.constant 0 : i32
      %dma_wait3A_60 = tpu.memref_slice %arg7[%add3A_28, %dma_wait3A_59] : memref<4096x128xf32, #tpu.memory_space<hbm>> -> memref<64x128xf32, #tpu.memory_space<hbm>>
      tpu.wait_dma2 semaphore(%run_scoped3A : memref<!tpu.dma_semaphore, #tpu.memory_space<semaphore_mem>>) src(%arg13 : memref<64x128xf32, #tpu.memory_space<vmem>>) dst(%dma_wait3A_60 : memref<64x128xf32, #tpu.memory_space<hbm>>)
      tpu.yield
    }) : () -> ()
    "tpu.region"() ({
      %run_scoped3A = tpu.sem_alloc : memref<!tpu.dma_semaphore, #tpu.memory_space<semaphore_mem>>
      %dma_start3A_53 = arith.constant 0 : i32
      %dma_start3A_54 = tpu.memref_slice %arg8[%add3A_28, %dma_start3A_53] : memref<4096x128xf32, #tpu.memory_space<hbm>> -> memref<64x128xf32, #tpu.memory_space<hbm>>
      %dma_start3A_55 = arith.constant 0 : i32
      %dma_start3A_56 = tpu.memref_slice %arg8[%add3A_28, %dma_start3A_55] : memref<4096x128xf32, #tpu.memory_space<hbm>> -> memref<64x128xf32, #tpu.memory_space<hbm>>
      tpu.enqueue_dma source(%arg14 : memref<64x128xf32, #tpu.memory_space<vmem>>) target(%dma_start3A_56 : memref<64x128xf32, #tpu.memory_space<hbm>>) target_semaphore(%run_scoped3A : memref<!tpu.dma_semaphore, #tpu.memory_space<semaphore_mem>>)
      %dma_wait3A_57 = arith.constant 0 : i32
      %dma_wait3A_58 = tpu.memref_slice %arg8[%add3A_28, %dma_wait3A_57] : memref<4096x128xf32, #tpu.memory_space<hbm>> -> memref<64x128xf32, #tpu.memory_space<hbm>>
      %dma_wait3A_59 = arith.constant 0 : i32
      %dma_wait3A_60 = tpu.memref_slice %arg8[%add3A_28, %dma_wait3A_59] : memref<4096x128xf32, #tpu.memory_space<hbm>> -> memref<64x128xf32, #tpu.memory_space<hbm>>
      tpu.wait_dma2 semaphore(%run_scoped3A : memref<!tpu.dma_semaphore, #tpu.memory_space<semaphore_mem>>) src(%arg14 : memref<64x128xf32, #tpu.memory_space<vmem>>) dst(%dma_wait3A_60 : memref<64x128xf32, #tpu.memory_space<hbm>>)
      tpu.yield
    }) : () -> ()
    "tpu.region"() ({
      %run_scoped3A = tpu.sem_alloc : memref<!tpu.dma_semaphore, #tpu.memory_space<semaphore_mem>>
      %dma_start3A_53 = arith.constant 0 : i32
      %dma_start3A_54 = tpu.memref_slice %arg9[%add3A_28, %dma_start3A_53] : memref<4096x512xf32, #tpu.memory_space<hbm>> -> memref<64x512xf32, #tpu.memory_space<hbm>>
      %dma_start3A_55 = arith.constant 0 : i32
      %dma_start3A_56 = tpu.memref_slice %arg9[%add3A_28, %dma_start3A_55] : memref<4096x512xf32, #tpu.memory_space<hbm>> -> memref<64x512xf32, #tpu.memory_space<hbm>>
      tpu.enqueue_dma source(%arg15 : memref<64x512xf32, #tpu.memory_space<vmem>>) target(%dma_start3A_56 : memref<64x512xf32, #tpu.memory_space<hbm>>) target_semaphore(%run_scoped3A : memref<!tpu.dma_semaphore, #tpu.memory_space<semaphore_mem>>)
      %dma_wait3A_57 = arith.constant 0 : i32
      %dma_wait3A_58 = tpu.memref_slice %arg9[%add3A_28, %dma_wait3A_57] : memref<4096x512xf32, #tpu.memory_space<hbm>> -> memref<64x512xf32, #tpu.memory_space<hbm>>
      %dma_wait3A_59 = arith.constant 0 : i32
      %dma_wait3A_60 = tpu.memref_slice %arg9[%add3A_28, %dma_wait3A_59] : memref<4096x512xf32, #tpu.memory_space<hbm>> -> memref<64x512xf32, #tpu.memory_space<hbm>>
      tpu.wait_dma2 semaphore(%run_scoped3A : memref<!tpu.dma_semaphore, #tpu.memory_space<semaphore_mem>>) src(%arg15 : memref<64x512xf32, #tpu.memory_space<vmem>>) dst(%dma_wait3A_60 : memref<64x512xf32, #tpu.memory_space<hbm>>)
      tpu.yield
    }) : () -> ()
    "tpu.region"() ({
      %run_scoped3A = tpu.sem_alloc : memref<!tpu.dma_semaphore, #tpu.memory_space<semaphore_mem>>
      %dma_start3A_53 = arith.constant 0 : i32
      %dma_start3A_54 = tpu.memref_slice %arg10[%add3A_28, %dma_start3A_53] : memref<4096x512xf32, #tpu.memory_space<hbm>> -> memref<64x512xf32, #tpu.memory_space<hbm>>
      %dma_start3A_55 = arith.constant 0 : i32
      %dma_start3A_56 = tpu.memref_slice %arg10[%add3A_28, %dma_start3A_55] : memref<4096x512xf32, #tpu.memory_space<hbm>> -> memref<64x512xf32, #tpu.memory_space<hbm>>
      tpu.enqueue_dma source(%arg16 : memref<64x512xf32, #tpu.memory_space<vmem>>) target(%dma_start3A_56 : memref<64x512xf32, #tpu.memory_space<hbm>>) target_semaphore(%run_scoped3A : memref<!tpu.dma_semaphore, #tpu.memory_space<semaphore_mem>>)
      %dma_wait3A_57 = arith.constant 0 : i32
      %dma_wait3A_58 = tpu.memref_slice %arg10[%add3A_28, %dma_wait3A_57] : memref<4096x512xf32, #tpu.memory_space<hbm>> -> memref<64x512xf32, #tpu.memory_space<hbm>>
      %dma_wait3A_59 = arith.constant 0 : i32
      %dma_wait3A_60 = tpu.memref_slice %arg10[%add3A_28, %dma_wait3A_59] : memref<4096x512xf32, #tpu.memory_space<hbm>> -> memref<64x512xf32, #tpu.memory_space<hbm>>
      tpu.wait_dma2 semaphore(%run_scoped3A : memref<!tpu.dma_semaphore, #tpu.memory_space<semaphore_mem>>) src(%arg16 : memref<64x512xf32, #tpu.memory_space<vmem>>) dst(%dma_wait3A_60 : memref<64x512xf32, #tpu.memory_space<hbm>>)
      tpu.yield
    }) : () -> ()
    return
  }
}

#map = affine_map<(d0, d1) -> (0)>
#map1 = affine_map<(d0, d1) -> (0, 0)>
module attributes {stable_mosaic.version = 14 : i64} {
  func.func @k(%arg0: i32, %arg1: i32, %arg2: memref<4096xi32, #tpu.memory_space<hbm>>, %arg3: memref<4096xi32, #tpu.memory_space<hbm>>, %arg4: memref<100000x128xf32, #tpu.memory_space<hbm>>, %arg5: memref<100000x512xf32, #tpu.memory_space<hbm>>, %arg6: memref<100000x512xf32, #tpu.memory_space<hbm>>, %arg7: memref<4096x128xf32, #tpu.memory_space<hbm>>, %arg8: memref<4096x128xf32, #tpu.memory_space<hbm>>, %arg9: memref<4096x512xf32, #tpu.memory_space<hbm>>, %arg10: memref<4096x512xf32, #tpu.memory_space<hbm>>, %arg11: memref<64xi32, #tpu.memory_space<vmem>>, %arg12: memref<64xi32, #tpu.memory_space<vmem>>, %arg13: memref<64x128xf32, #tpu.memory_space<vmem>>, %arg14: memref<64x128xf32, #tpu.memory_space<vmem>>, %arg15: memref<64x512xf32, #tpu.memory_space<vmem>>, %arg16: memref<64x512xf32, #tpu.memory_space<vmem>>, %arg17: memref<!tpu.dma_semaphore, #tpu.memory_space<semaphore_mem>>) attributes {dimension_semantics = [#tpu.dimension_semantics<core_parallel>, #tpu.dimension_semantics<subcore_parallel>], iteration_bounds = array<i64: 2, 16>, scalar_prefetch = 0 : i64, scratch_operands = 7 : i64, tpu.core_type = #tpu.core_type<sc_vector_subcore>, window_params = [{transform_indices = #map}, {transform_indices = #map}, {transform_indices = #map1}, {transform_indices = #map1}, {transform_indices = #map1}, {transform_indices = #map1}, {transform_indices = #map1}, {transform_indices = #map1}, {transform_indices = #map1}]} {
    %mul3A = arith.constant 2 : i32
    %mul3A_0 = arith.muli %arg1, %mul3A : i32
    %add3A = arith.addi %mul3A_0, %arg0 : i32
    %mul3A_1 = arith.constant 128 : i32
    %mul3A_2 = arith.muli %add3A, %mul3A_1 : i32
    %add3A_3 = arith.constant 0 : i32
    %add3A_4 = arith.addi %mul3A_2, %add3A_3 : i32
    "tpu.region"() ({
      %run_scoped3A = tpu.sem_alloc : memref<!tpu.dma_semaphore, #tpu.memory_space<semaphore_mem>>
      %dma_start3A_53 = tpu.memref_slice %arg2[%add3A_4] : memref<4096xi32, #tpu.memory_space<hbm>> -> memref<64xi32, #tpu.memory_space<hbm>>
      %dma_start3A_54 = tpu.memref_slice %arg2[%add3A_4] : memref<4096xi32, #tpu.memory_space<hbm>> -> memref<64xi32, #tpu.memory_space<hbm>>
      tpu.enqueue_dma source(%dma_start3A_54 : memref<64xi32, #tpu.memory_space<hbm>>) target(%arg11 : memref<64xi32, #tpu.memory_space<vmem>>) target_semaphore(%run_scoped3A : memref<!tpu.dma_semaphore, #tpu.memory_space<semaphore_mem>>)
      %dma_wait3A_55 = tpu.memref_slice %arg2[%add3A_4] : memref<4096xi32, #tpu.memory_space<hbm>> -> memref<64xi32, #tpu.memory_space<hbm>>
      %dma_wait3A_56 = tpu.memref_slice %arg2[%add3A_4] : memref<4096xi32, #tpu.memory_space<hbm>> -> memref<64xi32, #tpu.memory_space<hbm>>
      tpu.wait_dma2 semaphore(%run_scoped3A : memref<!tpu.dma_semaphore, #tpu.memory_space<semaphore_mem>>) src(%dma_wait3A_56 : memref<64xi32, #tpu.memory_space<hbm>>) dst(%arg11 : memref<64xi32, #tpu.memory_space<vmem>>)
      tpu.yield
    }) : () -> ()
    "tpu.region"() ({
      %run_scoped3A = tpu.sem_alloc : memref<!tpu.dma_semaphore, #tpu.memory_space<semaphore_mem>>
      %dma_start3A_53 = tpu.memref_slice %arg3[%add3A_4] : memref<4096xi32, #tpu.memory_space<hbm>> -> memref<64xi32, #tpu.memory_space<hbm>>
      %dma_start3A_54 = tpu.memref_slice %arg3[%add3A_4] : memref<4096xi32, #tpu.memory_space<hbm>> -> memref<64xi32, #tpu.memory_space<hbm>>
      tpu.enqueue_dma source(%dma_start3A_54 : memref<64xi32, #tpu.memory_space<hbm>>) target(%arg12 : memref<64xi32, #tpu.memory_space<vmem>>) target_semaphore(%run_scoped3A : memref<!tpu.dma_semaphore, #tpu.memory_space<semaphore_mem>>)
      %dma_wait3A_55 = tpu.memref_slice %arg3[%add3A_4] : memref<4096xi32, #tpu.memory_space<hbm>> -> memref<64xi32, #tpu.memory_space<hbm>>
      %dma_wait3A_56 = tpu.memref_slice %arg3[%add3A_4] : memref<4096xi32, #tpu.memory_space<hbm>> -> memref<64xi32, #tpu.memory_space<hbm>>
      tpu.wait_dma2 semaphore(%run_scoped3A : memref<!tpu.dma_semaphore, #tpu.memory_space<semaphore_mem>>) src(%dma_wait3A_56 : memref<64xi32, #tpu.memory_space<hbm>>) dst(%arg12 : memref<64xi32, #tpu.memory_space<vmem>>)
      tpu.yield
    }) : () -> ()
    %dma_start3A = arith.constant 0 : i32
    %dma_start3A_5 = arith.constant 0 : i32
    %dma_start3A_6 = tpu.memref_slice %arg4[%dma_start3A, %dma_start3A_5] : memref<100000x128xf32, #tpu.memory_space<hbm>> -> memref<100000x128xf32, #tpu.memory_space<hbm>>
    tpu.enqueue_indirect_dma source(%dma_start3A_6 : memref<100000x128xf32, #tpu.memory_space<hbm>>) target(%arg13 : memref<64x128xf32, #tpu.memory_space<vmem>>) offsets(%arg11 : memref<64xi32, #tpu.memory_space<vmem>>) semaphore(%arg17 : memref<!tpu.dma_semaphore, #tpu.memory_space<semaphore_mem>>)
    %dma_start3A_7 = arith.constant 0 : i32
    %dma_start3A_8 = arith.constant 0 : i32
    %dma_start3A_9 = tpu.memref_slice %arg4[%dma_start3A_7, %dma_start3A_8] : memref<100000x128xf32, #tpu.memory_space<hbm>> -> memref<100000x128xf32, #tpu.memory_space<hbm>>
    tpu.enqueue_indirect_dma source(%dma_start3A_9 : memref<100000x128xf32, #tpu.memory_space<hbm>>) target(%arg14 : memref<64x128xf32, #tpu.memory_space<vmem>>) offsets(%arg12 : memref<64xi32, #tpu.memory_space<vmem>>) semaphore(%arg17 : memref<!tpu.dma_semaphore, #tpu.memory_space<semaphore_mem>>)
    %dma_start3A_10 = arith.constant 0 : i32
    %dma_start3A_11 = arith.constant 0 : i32
    %dma_start3A_12 = tpu.memref_slice %arg5[%dma_start3A_10, %dma_start3A_11] : memref<100000x512xf32, #tpu.memory_space<hbm>> -> memref<100000x512xf32, #tpu.memory_space<hbm>>
    tpu.enqueue_indirect_dma source(%dma_start3A_12 : memref<100000x512xf32, #tpu.memory_space<hbm>>) target(%arg15 : memref<64x512xf32, #tpu.memory_space<vmem>>) offsets(%arg11 : memref<64xi32, #tpu.memory_space<vmem>>) semaphore(%arg17 : memref<!tpu.dma_semaphore, #tpu.memory_space<semaphore_mem>>)
    %dma_start3A_13 = arith.constant 0 : i32
    %dma_start3A_14 = arith.constant 0 : i32
    %dma_start3A_15 = tpu.memref_slice %arg6[%dma_start3A_13, %dma_start3A_14] : memref<100000x512xf32, #tpu.memory_space<hbm>> -> memref<100000x512xf32, #tpu.memory_space<hbm>>
    tpu.enqueue_indirect_dma source(%dma_start3A_15 : memref<100000x512xf32, #tpu.memory_space<hbm>>) target(%arg16 : memref<64x512xf32, #tpu.memory_space<vmem>>) offsets(%arg12 : memref<64xi32, #tpu.memory_space<vmem>>) semaphore(%arg17 : memref<!tpu.dma_semaphore, #tpu.memory_space<semaphore_mem>>)
    %dma_wait3A = arith.constant 0 : i32
    %dma_wait3A_16 = arith.constant 0 : i32
    %dma_wait3A_17 = tpu.memref_slice %arg4[%dma_wait3A, %dma_wait3A_16] : memref<100000x128xf32, #tpu.memory_space<hbm>> -> memref<100000x128xf32, #tpu.memory_space<hbm>>
    tpu.wait_indirect_dma semaphore(%arg17 : memref<!tpu.dma_semaphore, #tpu.memory_space<semaphore_mem>>) src(%dma_wait3A_17 : memref<100000x128xf32, #tpu.memory_space<hbm>>) dst(%arg13 : memref<64x128xf32, #tpu.memory_space<vmem>>)
    %dma_wait3A_18 = arith.constant 0 : i32
    %dma_wait3A_19 = arith.constant 0 : i32
    %dma_wait3A_20 = tpu.memref_slice %arg4[%dma_wait3A_18, %dma_wait3A_19] : memref<100000x128xf32, #tpu.memory_space<hbm>> -> memref<100000x128xf32, #tpu.memory_space<hbm>>
    tpu.wait_indirect_dma semaphore(%arg17 : memref<!tpu.dma_semaphore, #tpu.memory_space<semaphore_mem>>) src(%dma_wait3A_20 : memref<100000x128xf32, #tpu.memory_space<hbm>>) dst(%arg14 : memref<64x128xf32, #tpu.memory_space<vmem>>)
    %dma_wait3A_21 = arith.constant 0 : i32
    %dma_wait3A_22 = arith.constant 0 : i32
    %dma_wait3A_23 = tpu.memref_slice %arg5[%dma_wait3A_21, %dma_wait3A_22] : memref<100000x512xf32, #tpu.memory_space<hbm>> -> memref<100000x512xf32, #tpu.memory_space<hbm>>
    tpu.wait_indirect_dma semaphore(%arg17 : memref<!tpu.dma_semaphore, #tpu.memory_space<semaphore_mem>>) src(%dma_wait3A_23 : memref<100000x512xf32, #tpu.memory_space<hbm>>) dst(%arg15 : memref<64x512xf32, #tpu.memory_space<vmem>>)
    %dma_wait3A_24 = arith.constant 0 : i32
    %dma_wait3A_25 = arith.constant 0 : i32
    %dma_wait3A_26 = tpu.memref_slice %arg6[%dma_wait3A_24, %dma_wait3A_25] : memref<100000x512xf32, #tpu.memory_space<hbm>> -> memref<100000x512xf32, #tpu.memory_space<hbm>>
    tpu.wait_indirect_dma semaphore(%arg17 : memref<!tpu.dma_semaphore, #tpu.memory_space<semaphore_mem>>) src(%dma_wait3A_26 : memref<100000x512xf32, #tpu.memory_space<hbm>>) dst(%arg16 : memref<64x512xf32, #tpu.memory_space<vmem>>)
    "tpu.region"() ({
      %run_scoped3A = tpu.sem_alloc : memref<!tpu.dma_semaphore, #tpu.memory_space<semaphore_mem>>
      %dma_start3A_53 = arith.constant 0 : i32
      %dma_start3A_54 = tpu.memref_slice %arg7[%add3A_4, %dma_start3A_53] : memref<4096x128xf32, #tpu.memory_space<hbm>> -> memref<64x128xf32, #tpu.memory_space<hbm>>
      %dma_start3A_55 = arith.constant 0 : i32
      %dma_start3A_56 = tpu.memref_slice %arg7[%add3A_4, %dma_start3A_55] : memref<4096x128xf32, #tpu.memory_space<hbm>> -> memref<64x128xf32, #tpu.memory_space<hbm>>
      tpu.enqueue_dma source(%arg13 : memref<64x128xf32, #tpu.memory_space<vmem>>) target(%dma_start3A_56 : memref<64x128xf32, #tpu.memory_space<hbm>>) target_semaphore(%run_scoped3A : memref<!tpu.dma_semaphore, #tpu.memory_space<semaphore_mem>>)
      %dma_wait3A_57 = arith.constant 0 : i32
      %dma_wait3A_58 = tpu.memref_slice %arg7[%add3A_4, %dma_wait3A_57] : memref<4096x128xf32, #tpu.memory_space<hbm>> -> memref<64x128xf32, #tpu.memory_space<hbm>>
      %dma_wait3A_59 = arith.constant 0 : i32
      %dma_wait3A_60 = tpu.memref_slice %arg7[%add3A_4, %dma_wait3A_59] : memref<4096x128xf32, #tpu.memory_space<hbm>> -> memref<64x128xf32, #tpu.memory_space<hbm>>
      tpu.wait_dma2 semaphore(%run_scoped3A : memref<!tpu.dma_semaphore, #tpu.memory_space<semaphore_mem>>) src(%arg13 : memref<64x128xf32, #tpu.memory_space<vmem>>) dst(%dma_wait3A_60 : memref<64x128xf32, #tpu.memory_space<hbm>>)
      tpu.yield
    }) : () -> ()
    "tpu.region"() ({
      %run_scoped3A = tpu.sem_alloc : memref<!tpu.dma_semaphore, #tpu.memory_space<semaphore_mem>>
      %dma_start3A_53 = arith.constant 0 : i32
      %dma_start3A_54 = tpu.memref_slice %arg8[%add3A_4, %dma_start3A_53] : memref<4096x128xf32, #tpu.memory_space<hbm>> -> memref<64x128xf32, #tpu.memory_space<hbm>>
      %dma_start3A_55 = arith.constant 0 : i32
      %dma_start3A_56 = tpu.memref_slice %arg8[%add3A_4, %dma_start3A_55] : memref<4096x128xf32, #tpu.memory_space<hbm>> -> memref<64x128xf32, #tpu.memory_space<hbm>>
      tpu.enqueue_dma source(%arg14 : memref<64x128xf32, #tpu.memory_space<vmem>>) target(%dma_start3A_56 : memref<64x128xf32, #tpu.memory_space<hbm>>) target_semaphore(%run_scoped3A : memref<!tpu.dma_semaphore, #tpu.memory_space<semaphore_mem>>)
      %dma_wait3A_57 = arith.constant 0 : i32
      %dma_wait3A_58 = tpu.memref_slice %arg8[%add3A_4, %dma_wait3A_57] : memref<4096x128xf32, #tpu.memory_space<hbm>> -> memref<64x128xf32, #tpu.memory_space<hbm>>
      %dma_wait3A_59 = arith.constant 0 : i32
      %dma_wait3A_60 = tpu.memref_slice %arg8[%add3A_4, %dma_wait3A_59] : memref<4096x128xf32, #tpu.memory_space<hbm>> -> memref<64x128xf32, #tpu.memory_space<hbm>>
      tpu.wait_dma2 semaphore(%run_scoped3A : memref<!tpu.dma_semaphore, #tpu.memory_space<semaphore_mem>>) src(%arg14 : memref<64x128xf32, #tpu.memory_space<vmem>>) dst(%dma_wait3A_60 : memref<64x128xf32, #tpu.memory_space<hbm>>)
      tpu.yield
    }) : () -> ()
    "tpu.region"() ({
      %run_scoped3A = tpu.sem_alloc : memref<!tpu.dma_semaphore, #tpu.memory_space<semaphore_mem>>
      %dma_start3A_53 = arith.constant 0 : i32
      %dma_start3A_54 = tpu.memref_slice %arg9[%add3A_4, %dma_start3A_53] : memref<4096x512xf32, #tpu.memory_space<hbm>> -> memref<64x512xf32, #tpu.memory_space<hbm>>
      %dma_start3A_55 = arith.constant 0 : i32
      %dma_start3A_56 = tpu.memref_slice %arg9[%add3A_4, %dma_start3A_55] : memref<4096x512xf32, #tpu.memory_space<hbm>> -> memref<64x512xf32, #tpu.memory_space<hbm>>
      tpu.enqueue_dma source(%arg15 : memref<64x512xf32, #tpu.memory_space<vmem>>) target(%dma_start3A_56 : memref<64x512xf32, #tpu.memory_space<hbm>>) target_semaphore(%run_scoped3A : memref<!tpu.dma_semaphore, #tpu.memory_space<semaphore_mem>>)
      %dma_wait3A_57 = arith.constant 0 : i32
      %dma_wait3A_58 = tpu.memref_slice %arg9[%add3A_4, %dma_wait3A_57] : memref<4096x512xf32, #tpu.memory_space<hbm>> -> memref<64x512xf32, #tpu.memory_space<hbm>>
      %dma_wait3A_59 = arith.constant 0 : i32
      %dma_wait3A_60 = tpu.memref_slice %arg9[%add3A_4, %dma_wait3A_59] : memref<4096x512xf32, #tpu.memory_space<hbm>> -> memref<64x512xf32, #tpu.memory_space<hbm>>
      tpu.wait_dma2 semaphore(%run_scoped3A : memref<!tpu.dma_semaphore, #tpu.memory_space<semaphore_mem>>) src(%arg15 : memref<64x512xf32, #tpu.memory_space<vmem>>) dst(%dma_wait3A_60 : memref<64x512xf32, #tpu.memory_space<hbm>>)
      tpu.yield
    }) : () -> ()
    "tpu.region"() ({
      %run_scoped3A = tpu.sem_alloc : memref<!tpu.dma_semaphore, #tpu.memory_space<semaphore_mem>>
      %dma_start3A_53 = arith.constant 0 : i32
      %dma_start3A_54 = tpu.memref_slice %arg10[%add3A_4, %dma_start3A_53] : memref<4096x512xf32, #tpu.memory_space<hbm>> -> memref<64x512xf32, #tpu.memory_space<hbm>>
      %dma_start3A_55 = arith.constant 0 : i32
      %dma_start3A_56 = tpu.memref_slice %arg10[%add3A_4, %dma_start3A_55] : memref<4096x512xf32, #tpu.memory_space<hbm>> -> memref<64x512xf32, #tpu.memory_space<hbm>>
      tpu.enqueue_dma source(%arg16 : memref<64x512xf32, #tpu.memory_space<vmem>>) target(%dma_start3A_56 : memref<64x512xf32, #tpu.memory_space<hbm>>) target_semaphore(%run_scoped3A : memref<!tpu.dma_semaphore, #tpu.memory_space<semaphore_mem>>)
      %dma_wait3A_57 = arith.constant 0 : i32
      %dma_wait3A_58 = tpu.memref_slice %arg10[%add3A_4, %dma_wait3A_57] : memref<4096x512xf32, #tpu.memory_space<hbm>> -> memref<64x512xf32, #tpu.memory_space<hbm>>
      %dma_wait3A_59 = arith.constant 0 : i32
      %dma_wait3A_60 = tpu.memref_slice %arg10[%add3A_4, %dma_wait3A_59] : memref<4096x512xf32, #tpu.memory_space<hbm>> -> memref<64x512xf32, #tpu.memory_space<hbm>>
      tpu.wait_dma2 semaphore(%run_scoped3A : memref<!tpu.dma_semaphore, #tpu.memory_space<semaphore_mem>>) src(%arg16 : memref<64x512xf32, #tpu.memory_space<vmem>>) dst(%dma_wait3A_60 : memref<64x512xf32, #tpu.memory_space<hbm>>)
      tpu.yield
    }) : () -> ()
    %add3A_27 = arith.constant 64 : i32
    %add3A_28 = arith.addi %mul3A_2, %add3A_27 : i32
    "tpu.region"() ({
      %run_scoped3A = tpu.sem_alloc : memref<!tpu.dma_semaphore, #tpu.memory_space<semaphore_mem>>
      %dma_start3A_53 = tpu.memref_slice %arg2[%add3A_28] : memref<4096xi32, #tpu.memory_space<hbm>> -> memref<64xi32, #tpu.memory_space<hbm>>
      %dma_start3A_54 = tpu.memref_slice %arg2[%add3A_28] : memref<4096xi32, #tpu.memory_space<hbm>> -> memref<64xi32, #tpu.memory_space<hbm>>
      tpu.enqueue_dma source(%dma_start3A_54 : memref<64xi32, #tpu.memory_space<hbm>>) target(%arg11 : memref<64xi32, #tpu.memory_space<vmem>>) target_semaphore(%run_scoped3A : memref<!tpu.dma_semaphore, #tpu.memory_space<semaphore_mem>>)
      %dma_wait3A_55 = tpu.memref_slice %arg2[%add3A_28] : memref<4096xi32, #tpu.memory_space<hbm>> -> memref<64xi32, #tpu.memory_space<hbm>>
      %dma_wait3A_56 = tpu.memref_slice %arg2[%add3A_28] : memref<4096xi32, #tpu.memory_space<hbm>> -> memref<64xi32, #tpu.memory_space<hbm>>
      tpu.wait_dma2 semaphore(%run_scoped3A : memref<!tpu.dma_semaphore, #tpu.memory_space<semaphore_mem>>) src(%dma_wait3A_56 : memref<64xi32, #tpu.memory_space<hbm>>) dst(%arg11 : memref<64xi32, #tpu.memory_space<vmem>>)
      tpu.yield
    }) : () -> ()
    "tpu.region"() ({
      %run_scoped3A = tpu.sem_alloc : memref<!tpu.dma_semaphore, #tpu.memory_space<semaphore_mem>>
      %dma_start3A_53 = tpu.memref_slice %arg3[%add3A_28] : memref<4096xi32, #tpu.memory_space<hbm>> -> memref<64xi32, #tpu.memory_space<hbm>>
      %dma_start3A_54 = tpu.memref_slice %arg3[%add3A_28] : memref<4096xi32, #tpu.memory_space<hbm>> -> memref<64xi32, #tpu.memory_space<hbm>>
      tpu.enqueue_dma source(%dma_start3A_54 : memref<64xi32, #tpu.memory_space<hbm>>) target(%arg12 : memref<64xi32, #tpu.memory_space<vmem>>) target_semaphore(%run_scoped3A : memref<!tpu.dma_semaphore, #tpu.memory_space<semaphore_mem>>)
      %dma_wait3A_55 = tpu.memref_slice %arg3[%add3A_28] : memref<4096xi32, #tpu.memory_space<hbm>> -> memref<64xi32, #tpu.memory_space<hbm>>
      %dma_wait3A_56 = tpu.memref_slice %arg3[%add3A_28] : memref<4096xi32, #tpu.memory_space<hbm>> -> memref<64xi32, #tpu.memory_space<hbm>>
      tpu.wait_dma2 semaphore(%run_scoped3A : memref<!tpu.dma_semaphore, #tpu.memory_space<semaphore_mem>>) src(%dma_wait3A_56 : memref<64xi32, #tpu.memory_space<hbm>>) dst(%arg12 : memref<64xi32, #tpu.memory_space<vmem>>)
      tpu.yield
    }) : () -> ()
    %dma_start3A_29 = arith.constant 0 : i32
    %dma_start3A_30 = arith.constant 0 : i32
    %dma_start3A_31 = tpu.memref_slice %arg4[%dma_start3A_29, %dma_start3A_30] : memref<100000x128xf32, #tpu.memory_space<hbm>> -> memref<100000x128xf32, #tpu.memory_space<hbm>>
    tpu.enqueue_indirect_dma source(%dma_start3A_31 : memref<100000x128xf32, #tpu.memory_space<hbm>>) target(%arg13 : memref<64x128xf32, #tpu.memory_space<vmem>>) offsets(%arg11 : memref<64xi32, #tpu.memory_space<vmem>>) semaphore(%arg17 : memref<!tpu.dma_semaphore, #tpu.memory_space<semaphore_mem>>)
    %dma_start3A_32 = arith.constant 0 : i32
    %dma_start3A_33 = arith.constant 0 : i32
    %dma_start3A_34 = tpu.memref_slice %arg4[%dma_start3A_32, %dma_start3A_33] : memref<100000x128xf32, #tpu.memory_space<hbm>> -> memref<100000x128xf32, #tpu.memory_space<hbm>>
    tpu.enqueue_indirect_dma source(%dma_start3A_34 : memref<100000x128xf32, #tpu.memory_space<hbm>>) target(%arg14 : memref<64x128xf32, #tpu.memory_space<vmem>>) offsets(%arg12 : memref<64xi32, #tpu.memory_space<vmem>>) semaphore(%arg17 : memref<!tpu.dma_semaphore, #tpu.memory_space<semaphore_mem>>)
    %dma_start3A_35 = arith.constant 0 : i32
    %dma_start3A_36 = arith.constant 0 : i32
    %dma_start3A_37 = tpu.memref_slice %arg5[%dma_start3A_35, %dma_start3A_36] : memref<100000x512xf32, #tpu.memory_space<hbm>> -> memref<100000x512xf32, #tpu.memory_space<hbm>>
    tpu.enqueue_indirect_dma source(%dma_start3A_37 : memref<100000x512xf32, #tpu.memory_space<hbm>>) target(%arg15 : memref<64x512xf32, #tpu.memory_space<vmem>>) offsets(%arg11 : memref<64xi32, #tpu.memory_space<vmem>>) semaphore(%arg17 : memref<!tpu.dma_semaphore, #tpu.memory_space<semaphore_mem>>)
    %dma_start3A_38 = arith.constant 0 : i32
    %dma_start3A_39 = arith.constant 0 : i32
    %dma_start3A_40 = tpu.memref_slice %arg6[%dma_start3A_38, %dma_start3A_39] : memref<100000x512xf32, #tpu.memory_space<hbm>> -> memref<100000x512xf32, #tpu.memory_space<hbm>>
    tpu.enqueue_indirect_dma source(%dma_start3A_40 : memref<100000x512xf32, #tpu.memory_space<hbm>>) target(%arg16 : memref<64x512xf32, #tpu.memory_space<vmem>>) offsets(%arg12 : memref<64xi32, #tpu.memory_space<vmem>>) semaphore(%arg17 : memref<!tpu.dma_semaphore, #tpu.memory_space<semaphore_mem>>)
    %dma_wait3A_41 = arith.constant 0 : i32
    %dma_wait3A_42 = arith.constant 0 : i32
    %dma_wait3A_43 = tpu.memref_slice %arg4[%dma_wait3A_41, %dma_wait3A_42] : memref<100000x128xf32, #tpu.memory_space<hbm>> -> memref<100000x128xf32, #tpu.memory_space<hbm>>
    tpu.wait_indirect_dma semaphore(%arg17 : memref<!tpu.dma_semaphore, #tpu.memory_space<semaphore_mem>>) src(%dma_wait3A_43 : memref<100000x128xf32, #tpu.memory_space<hbm>>) dst(%arg13 : memref<64x128xf32, #tpu.memory_space<vmem>>)
    %dma_wait3A_44 = arith.constant 0 : i32
    %dma_wait3A_45 = arith.constant 0 : i32
    %dma_wait3A_46 = tpu.memref_slice %arg4[%dma_wait3A_44, %dma_wait3A_45] : memref<100000x128xf32, #tpu.memory_space<hbm>> -> memref<100000x128xf32, #tpu.memory_space<hbm>>
    tpu.wait_indirect_dma semaphore(%arg17 : memref<!tpu.dma_semaphore, #tpu.memory_space<semaphore_mem>>) src(%dma_wait3A_46 : memref<100000x128xf32, #tpu.memory_space<hbm>>) dst(%arg14 : memref<64x128xf32, #tpu.memory_space<vmem>>)
    %dma_wait3A_47 = arith.constant 0 : i32
    %dma_wait3A_48 = arith.constant 0 : i32
    %dma_wait3A_49 = tpu.memref_slice %arg5[%dma_wait3A_47, %dma_wait3A_48] : memref<100000x512xf32, #tpu.memory_space<hbm>> -> memref<100000x512xf32, #tpu.memory_space<hbm>>
    tpu.wait_indirect_dma semaphore(%arg17 : memref<!tpu.dma_semaphore, #tpu.memory_space<semaphore_mem>>) src(%dma_wait3A_49 : memref<100000x512xf32, #tpu.memory_space<hbm>>) dst(%arg15 : memref<64x512xf32, #tpu.memory_space<vmem>>)
    %dma_wait3A_50 = arith.constant 0 : i32
    %dma_wait3A_51 = arith.constant 0 : i32
    %dma_wait3A_52 = tpu.memref_slice %arg6[%dma_wait3A_50, %dma_wait3A_51] : memref<100000x512xf32, #tpu.memory_space<hbm>> -> memref<100000x512xf32, #tpu.memory_space<hbm>>
    tpu.wait_indirect_dma semaphore(%arg17 : memref<!tpu.dma_semaphore, #tpu.memory_space<semaphore_mem>>) src(%dma_wait3A_52 : memref<100000x512xf32, #tpu.memory_space<hbm>>) dst(%arg16 : memref<64x512xf32, #tpu.memory_space<vmem>>)
    "tpu.region"() ({
      %run_scoped3A = tpu.sem_alloc : memref<!tpu.dma_semaphore, #tpu.memory_space<semaphore_mem>>
      %dma_start3A_53 = arith.constant 0 : i32
      %dma_start3A_54 = tpu.memref_slice %arg7[%add3A_28, %dma_start3A_53] : memref<4096x128xf32, #tpu.memory_space<hbm>> -> memref<64x128xf32, #tpu.memory_space<hbm>>
      %dma_start3A_55 = arith.constant 0 : i32
      %dma_start3A_56 = tpu.memref_slice %arg7[%add3A_28, %dma_start3A_55] : memref<4096x128xf32, #tpu.memory_space<hbm>> -> memref<64x128xf32, #tpu.memory_space<hbm>>
      tpu.enqueue_dma source(%arg13 : memref<64x128xf32, #tpu.memory_space<vmem>>) target(%dma_start3A_56 : memref<64x128xf32, #tpu.memory_space<hbm>>) target_semaphore(%run_scoped3A : memref<!tpu.dma_semaphore, #tpu.memory_space<semaphore_mem>>)
      %dma_wait3A_57 = arith.constant 0 : i32
      %dma_wait3A_58 = tpu.memref_slice %arg7[%add3A_28, %dma_wait3A_57] : memref<4096x128xf32, #tpu.memory_space<hbm>> -> memref<64x128xf32, #tpu.memory_space<hbm>>
      %dma_wait3A_59 = arith.constant 0 : i32
      %dma_wait3A_60 = tpu.memref_slice %arg7[%add3A_28, %dma_wait3A_59] : memref<4096x128xf32, #tpu.memory_space<hbm>> -> memref<64x128xf32, #tpu.memory_space<hbm>>
      tpu.wait_dma2 semaphore(%run_scoped3A : memref<!tpu.dma_semaphore, #tpu.memory_space<semaphore_mem>>) src(%arg13 : memref<64x128xf32, #tpu.memory_space<vmem>>) dst(%dma_wait3A_60 : memref<64x128xf32, #tpu.memory_space<hbm>>)
      tpu.yield
    }) : () -> ()
    "tpu.region"() ({
      %run_scoped3A = tpu.sem_alloc : memref<!tpu.dma_semaphore, #tpu.memory_space<semaphore_mem>>
      %dma_start3A_53 = arith.constant 0 : i32
      %dma_start3A_54 = tpu.memref_slice %arg8[%add3A_28, %dma_start3A_53] : memref<4096x128xf32, #tpu.memory_space<hbm>> -> memref<64x128xf32, #tpu.memory_space<hbm>>
      %dma_start3A_55 = arith.constant 0 : i32
      %dma_start3A_56 = tpu.memref_slice %arg8[%add3A_28, %dma_start3A_55] : memref<4096x128xf32, #tpu.memory_space<hbm>> -> memref<64x128xf32, #tpu.memory_space<hbm>>
      tpu.enqueue_dma source(%arg14 : memref<64x128xf32, #tpu.memory_space<vmem>>) target(%dma_start3A_56 : memref<64x128xf32, #tpu.memory_space<hbm>>) target_semaphore(%run_scoped3A : memref<!tpu.dma_semaphore, #tpu.memory_space<semaphore_mem>>)
      %dma_wait3A_57 = arith.constant 0 : i32
      %dma_wait3A_58 = tpu.memref_slice %arg8[%add3A_28, %dma_wait3A_57] : memref<4096x128xf32, #tpu.memory_space<hbm>> -> memref<64x128xf32, #tpu.memory_space<hbm>>
      %dma_wait3A_59 = arith.constant 0 : i32
      %dma_wait3A_60 = tpu.memref_slice %arg8[%add3A_28, %dma_wait3A_59] : memref<4096x128xf32, #tpu.memory_space<hbm>> -> memref<64x128xf32, #tpu.memory_space<hbm>>
      tpu.wait_dma2 semaphore(%run_scoped3A : memref<!tpu.dma_semaphore, #tpu.memory_space<semaphore_mem>>) src(%arg14 : memref<64x128xf32, #tpu.memory_space<vmem>>) dst(%dma_wait3A_60 : memref<64x128xf32, #tpu.memory_space<hbm>>)
      tpu.yield
    }) : () -> ()
    "tpu.region"() ({
      %run_scoped3A = tpu.sem_alloc : memref<!tpu.dma_semaphore, #tpu.memory_space<semaphore_mem>>
      %dma_start3A_53 = arith.constant 0 : i32
      %dma_start3A_54 = tpu.memref_slice %arg9[%add3A_28, %dma_start3A_53] : memref<4096x512xf32, #tpu.memory_space<hbm>> -> memref<64x512xf32, #tpu.memory_space<hbm>>
      %dma_start3A_55 = arith.constant 0 : i32
      %dma_start3A_56 = tpu.memref_slice %arg9[%add3A_28, %dma_start3A_55] : memref<4096x512xf32, #tpu.memory_space<hbm>> -> memref<64x512xf32, #tpu.memory_space<hbm>>
      tpu.enqueue_dma source(%arg15 : memref<64x512xf32, #tpu.memory_space<vmem>>) target(%dma_start3A_56 : memref<64x512xf32, #tpu.memory_space<hbm>>) target_semaphore(%run_scoped3A : memref<!tpu.dma_semaphore, #tpu.memory_space<semaphore_mem>>)
      %dma_wait3A_57 = arith.constant 0 : i32
      %dma_wait3A_58 = tpu.memref_slice %arg9[%add3A_28, %dma_wait3A_57] : memref<4096x512xf32, #tpu.memory_space<hbm>> -> memref<64x512xf32, #tpu.memory_space<hbm>>
      %dma_wait3A_59 = arith.constant 0 : i32
      %dma_wait3A_60 = tpu.memref_slice %arg9[%add3A_28, %dma_wait3A_59] : memref<4096x512xf32, #tpu.memory_space<hbm>> -> memref<64x512xf32, #tpu.memory_space<hbm>>
      tpu.wait_dma2 semaphore(%run_scoped3A : memref<!tpu.dma_semaphore, #tpu.memory_space<semaphore_mem>>) src(%arg15 : memref<64x512xf32, #tpu.memory_space<vmem>>) dst(%dma_wait3A_60 : memref<64x512xf32, #tpu.memory_space<hbm>>)
      tpu.yield
    }) : () -> ()
    "tpu.region"() ({
      %run_scoped3A = tpu.sem_alloc : memref<!tpu.dma_semaphore, #tpu.memory_space<semaphore_mem>>
      %dma_start3A_53 = arith.constant 0 : i32
      %dma_start3A_54 = tpu.memref_slice %arg10[%add3A_28, %dma_start3A_53] : memref<4096x512xf32, #tpu.memory_space<hbm>> -> memref<64x512xf32, #tpu.memory_space<hbm>>
      %dma_start3A_55 = arith.constant 0 : i32
      %dma_start3A_56 = tpu.memref_slice %arg10[%add3A_28, %dma_start3A_55] : memref<4096x512xf32, #tpu.memory_space<hbm>> -> memref<64x512xf32, #tpu.memory_space<hbm>>
      tpu.enqueue_dma source(%arg16 : memref<64x512xf32, #tpu.memory_space<vmem>>) target(%dma_start3A_56 : memref<64x512xf32, #tpu.memory_space<hbm>>) target_semaphore(%run_scoped3A : memref<!tpu.dma_semaphore, #tpu.memory_space<semaphore_mem>>)
      %dma_wait3A_57 = arith.constant 0 : i32
      %dma_wait3A_58 = tpu.memref_slice %arg10[%add3A_28, %dma_wait3A_57] : memref<4096x512xf32, #tpu.memory_space<hbm>> -> memref<64x512xf32, #tpu.memory_space<hbm>>
      %dma_wait3A_59 = arith.constant 0 : i32
      %dma_wait3A_60 = tpu.memref_slice %arg10[%add3A_28, %dma_wait3A_59] : memref<4096x512xf32, #tpu.memory_space<hbm>> -> memref<64x512xf32, #tpu.memory_space<hbm>>
      tpu.wait_dma2 semaphore(%run_scoped3A : memref<!tpu.dma_semaphore, #tpu.memory_space<semaphore_mem>>) src(%arg16 : memref<64x512xf32, #tpu.memory_space<vmem>>) dst(%dma_wait3A_60 : memref<64x512xf32, #tpu.memory_space<hbm>>)
      tpu.yield
    }) : () -> ()
    return
  }
}

module attributes {stable_mosaic.version = 14 : i64} {
  func.func @_tc_body(%arg0: i32, %arg1: memref<1024x128xf32, #tpu.memory_space<vmem>>, %arg2: memref<1024x128xf32, #tpu.memory_space<vmem>>, %arg3: memref<1024x512xf32, #tpu.memory_space<vmem>>, %arg4: memref<1024x512xf32, #tpu.memory_space<vmem>>, %arg5: memref<1x1x1024xf32, #tpu.memory_space<vmem>>, %arg6: memref<512x512xf32, #tpu.memory_space<vmem>>, %arg7: memref<512x512xf32, #tpu.memory_space<vmem>>, %arg8: memref<512x256xf32, #tpu.memory_space<vmem>>, %arg9: memref<256x128xf32, #tpu.memory_space<vmem>>, %arg10: memref<128x64xf32, #tpu.memory_space<vmem>>, %arg11: memref<1x512xf32, #tpu.memory_space<vmem>>, %arg12: memref<1x256xf32, #tpu.memory_space<vmem>>, %arg13: memref<1x128xf32, #tpu.memory_space<vmem>>, %arg14: memref<1x64xf32, #tpu.memory_space<vmem>>, %arg15: memref<1x64xf32, #tpu.memory_space<vmem>>, %arg16: memref<1x64xf32, #tpu.memory_space<vmem>>, %arg17: memref<1x2xf32, #tpu.memory_space<vmem>>, %arg18: memref<1x1x1024xf32, #tpu.memory_space<vmem>>) attributes {dimension_semantics = [#tpu.dimension_semantics<arbitrary>], iteration_bounds = array<i64: 4>, scalar_prefetch = 0 : i64, scratch_operands = 0 : i64, tpu.core_type = #tpu.core_type<tc>, window_params = [{transform_indices = @transform_0, window_bounds = array<i64: 1024, 128>}, {transform_indices = @transform_1, window_bounds = array<i64: 1024, 128>}, {transform_indices = @transform_2, window_bounds = array<i64: 1024, 512>}, {transform_indices = @transform_3, window_bounds = array<i64: 1024, 512>}, {transform_indices = @transform_4, window_bounds = array<i64: 1, 1, 1024>}, {pipeline_mode = #tpu.pipeline_mode<synchronous>, transform_indices = @transform_5, window_bounds = array<i64: 512, 512>}, {pipeline_mode = #tpu.pipeline_mode<synchronous>, transform_indices = @transform_6, window_bounds = array<i64: 512, 512>}, {pipeline_mode = #tpu.pipeline_mode<synchronous>, transform_indices = @transform_7, window_bounds = array<i64: 512, 256>}, {pipeline_mode = #tpu.pipeline_mode<synchronous>, transform_indices = @transform_8, window_bounds = array<i64: 256, 128>}, {pipeline_mode = #tpu.pipeline_mode<synchronous>, transform_indices = @transform_9, window_bounds = array<i64: 128, 64>}, {pipeline_mode = #tpu.pipeline_mode<synchronous>, transform_indices = @transform_10, window_bounds = array<i64: 1, 512>}, {pipeline_mode = #tpu.pipeline_mode<synchronous>, transform_indices = @transform_11, window_bounds = array<i64: 1, 256>}, {pipeline_mode = #tpu.pipeline_mode<synchronous>, transform_indices = @transform_12, window_bounds = array<i64: 1, 128>}, {pipeline_mode = #tpu.pipeline_mode<synchronous>, transform_indices = @transform_13, window_bounds = array<i64: 1, 64>}, {pipeline_mode = #tpu.pipeline_mode<synchronous>, transform_indices = @transform_14, window_bounds = array<i64: 1, 64>}, {pipeline_mode = #tpu.pipeline_mode<synchronous>, transform_indices = @transform_15, window_bounds = array<i64: 1, 64>}, {pipeline_mode = #tpu.pipeline_mode<synchronous>, transform_indices = @transform_16, window_bounds = array<i64: 1, 2>}, {transform_indices = @transform_17, window_bounds = array<i64: 1, 1, 1024>}]} {
    %get3A = arith.constant 0 : index
    %get3A_0 = arith.constant 0 : index
    %get3A_1 = vector.load %arg3[%get3A, %get3A_0] : memref<1024x512xf32, #tpu.memory_space<vmem>>, vector<1024x512xf32>
    %get3A_2 = arith.constant 0 : index
    %get3A_3 = arith.constant 0 : index
    %get3A_4 = vector.load %arg6[%get3A_2, %get3A_3] : memref<512x512xf32, #tpu.memory_space<vmem>>, vector<512x512xf32>
    %dot_general3A = arith.constant dense<0.000000e+00> : vector<1024x512xf32>
    %dot_general3A_5 = tpu.matmul %get3A_1, %get3A_4, %dot_general3A {dimension_numbers = #tpu.dot_dimension_numbers<[1], [0], [0], [1], [0, 0, 1, 1], [], []>, transpose_lhs_hint = false} : vector<1024x512xf32>, vector<512x512xf32>, vector<1024x512xf32> -> vector<1024x512xf32>
    %get3A_6 = arith.constant 0 : index
    %get3A_7 = arith.constant 0 : index
    %get3A_8 = vector.load %arg4[%get3A_6, %get3A_7] : memref<1024x512xf32, #tpu.memory_space<vmem>>, vector<1024x512xf32>
    %get3A_9 = arith.constant 0 : index
    %get3A_10 = arith.constant 0 : index
    %get3A_11 = vector.load %arg7[%get3A_9, %get3A_10] : memref<512x512xf32, #tpu.memory_space<vmem>>, vector<512x512xf32>
    %dot_general3A_12 = arith.constant dense<0.000000e+00> : vector<1024x512xf32>
    %dot_general3A_13 = tpu.matmul %get3A_8, %get3A_11, %dot_general3A_12 {dimension_numbers = #tpu.dot_dimension_numbers<[1], [0], [0], [1], [0, 0, 1, 1], [], []>, transpose_lhs_hint = false} : vector<1024x512xf32>, vector<512x512xf32>, vector<1024x512xf32> -> vector<1024x512xf32>
    %add3A = arith.addf %dot_general3A_5, %dot_general3A_13 : vector<1024x512xf32>
    %get3A_14 = arith.constant 0 : index
    %get3A_15 = arith.constant 0 : index
    %get3A_16 = vector.load %arg11[%get3A_14, %get3A_15] : memref<1x512xf32, #tpu.memory_space<vmem>>, vector<1x512xf32>
    %add3A_17 = vector.broadcast %get3A_16 : vector<1x512xf32> to vector<1024x512xf32>
    %add3A_18 = arith.addf %add3A, %add3A_17 : vector<1024x512xf32>
    %max3A = arith.constant 0.000000e+00 : f32
    %max3A_19 = vector.broadcast %max3A : f32 to vector<1024x512xf32>
    %max3A_20 = arith.maximumf %add3A_18, %max3A_19 : vector<1024x512xf32>
    %get3A_21 = arith.constant 0 : index
    %get3A_22 = arith.constant 0 : index
    %get3A_23 = vector.load %arg8[%get3A_21, %get3A_22] : memref<512x256xf32, #tpu.memory_space<vmem>>, vector<512x256xf32>
    %dot_general3A_24 = arith.constant dense<0.000000e+00> : vector<1024x256xf32>
    %dot_general3A_25 = tpu.matmul %max3A_20, %get3A_23, %dot_general3A_24 {dimension_numbers = #tpu.dot_dimension_numbers<[1], [0], [0], [1], [0, 0, 1, 1], [], []>, transpose_lhs_hint = false} : vector<1024x512xf32>, vector<512x256xf32>, vector<1024x256xf32> -> vector<1024x256xf32>
    %get3A_26 = arith.constant 0 : index
    %get3A_27 = arith.constant 0 : index
    %get3A_28 = vector.load %arg12[%get3A_26, %get3A_27] : memref<1x256xf32, #tpu.memory_space<vmem>>, vector<1x256xf32>
    %add3A_29 = vector.broadcast %get3A_28 : vector<1x256xf32> to vector<1024x256xf32>
    %add3A_30 = arith.addf %dot_general3A_25, %add3A_29 : vector<1024x256xf32>
    %max3A_31 = arith.constant 0.000000e+00 : f32
    %max3A_32 = vector.broadcast %max3A_31 : f32 to vector<1024x256xf32>
    %max3A_33 = arith.maximumf %add3A_30, %max3A_32 : vector<1024x256xf32>
    %get3A_34 = arith.constant 0 : index
    %get3A_35 = arith.constant 0 : index
    %get3A_36 = vector.load %arg9[%get3A_34, %get3A_35] : memref<256x128xf32, #tpu.memory_space<vmem>>, vector<256x128xf32>
    %dot_general3A_37 = arith.constant dense<0.000000e+00> : vector<1024x128xf32>
    %dot_general3A_38 = tpu.matmul %max3A_33, %get3A_36, %dot_general3A_37 {dimension_numbers = #tpu.dot_dimension_numbers<[1], [0], [0], [1], [0, 0, 1, 1], [], []>, transpose_lhs_hint = false} : vector<1024x256xf32>, vector<256x128xf32>, vector<1024x128xf32> -> vector<1024x128xf32>
    %get3A_39 = arith.constant 0 : index
    %get3A_40 = arith.constant 0 : index
    %get3A_41 = vector.load %arg13[%get3A_39, %get3A_40] : memref<1x128xf32, #tpu.memory_space<vmem>>, vector<1x128xf32>
    %add3A_42 = vector.broadcast %get3A_41 : vector<1x128xf32> to vector<1024x128xf32>
    %add3A_43 = arith.addf %dot_general3A_38, %add3A_42 : vector<1024x128xf32>
    %max3A_44 = arith.constant 0.000000e+00 : f32
    %max3A_45 = vector.broadcast %max3A_44 : f32 to vector<1024x128xf32>
    %max3A_46 = arith.maximumf %add3A_43, %max3A_45 : vector<1024x128xf32>
    %get3A_47 = arith.constant 0 : index
    %get3A_48 = arith.constant 0 : index
    %get3A_49 = vector.load %arg10[%get3A_47, %get3A_48] : memref<128x64xf32, #tpu.memory_space<vmem>>, vector<128x64xf32>
    %dot_general3A_50 = arith.constant dense<0.000000e+00> : vector<1024x64xf32>
    %dot_general3A_51 = tpu.matmul %max3A_46, %get3A_49, %dot_general3A_50 {dimension_numbers = #tpu.dot_dimension_numbers<[1], [0], [0], [1], [0, 0, 1, 1], [], []>, transpose_lhs_hint = false} : vector<1024x128xf32>, vector<128x64xf32>, vector<1024x64xf32> -> vector<1024x64xf32>
    %get3A_52 = arith.constant 0 : index
    %get3A_53 = arith.constant 0 : index
    %get3A_54 = vector.load %arg14[%get3A_52, %get3A_53] : memref<1x64xf32, #tpu.memory_space<vmem>>, vector<1x64xf32>
    %add3A_55 = vector.broadcast %get3A_54 : vector<1x64xf32> to vector<1024x64xf32>
    %add3A_56 = arith.addf %dot_general3A_51, %add3A_55 : vector<1024x64xf32>
    %max3A_57 = arith.constant 0.000000e+00 : f32
    %max3A_58 = vector.broadcast %max3A_57 : f32 to vector<1024x64xf32>
    %max3A_59 = arith.maximumf %add3A_56, %max3A_58 : vector<1024x64xf32>
    %get3A_60 = arith.constant 0 : index
    %get3A_61 = arith.constant 0 : index
    %get3A_62 = vector.load %arg1[%get3A_60, %get3A_61] : memref<1024x128xf32, #tpu.memory_space<vmem>>, vector<1024x128xf32>
    %slice3A = vector.extract_strided_slice %get3A_62 {offsets = [0, 0], sizes = [1024, 64], strides = [1, 1]} : vector<1024x128xf32> to vector<1024x64xf32>
    %get3A_63 = arith.constant 0 : index
    %get3A_64 = arith.constant 0 : index
    %get3A_65 = vector.load %arg2[%get3A_63, %get3A_64] : memref<1024x128xf32, #tpu.memory_space<vmem>>, vector<1024x128xf32>
    %slice3A_66 = vector.extract_strided_slice %get3A_65 {offsets = [0, 64], sizes = [1024, 64], strides = [1, 1]} : vector<1024x128xf32> to vector<1024x64xf32>
    %mul3A = arith.mulf %slice3A, %slice3A_66 : vector<1024x64xf32>
    %get3A_67 = arith.constant 0 : index
    %get3A_68 = arith.constant 0 : index
    %get3A_69 = vector.load %arg15[%get3A_67, %get3A_68] : memref<1x64xf32, #tpu.memory_space<vmem>>, vector<1x64xf32>
    %mul3A_70 = vector.broadcast %get3A_69 : vector<1x64xf32> to vector<1024x64xf32>
    %mul3A_71 = arith.mulf %mul3A, %mul3A_70 : vector<1024x64xf32>
    %reduce_sum3A = arith.constant dense<0.000000e+00> : vector<1024xf32>
    %reduce_sum3A_72 = vector.multi_reduction <add>, %mul3A_71, %reduce_sum3A [1] : vector<1024x64xf32> to vector<1024xf32>
    %get3A_73 = arith.constant 0 : index
    %get3A_74 = arith.constant 0 : index
    %get3A_75 = vector.load %arg16[%get3A_73, %get3A_74] : memref<1x64xf32, #tpu.memory_space<vmem>>, vector<1x64xf32>
    %mul3A_76 = vector.broadcast %get3A_75 : vector<1x64xf32> to vector<1024x64xf32>
    %mul3A_77 = arith.mulf %max3A_59, %mul3A_76 : vector<1024x64xf32>
    %reduce_sum3A_78 = arith.constant dense<0.000000e+00> : vector<1024xf32>
    %reduce_sum3A_79 = vector.multi_reduction <add>, %mul3A_77, %reduce_sum3A_78 [1] : vector<1024x64xf32> to vector<1024xf32>
    %add3A_80 = arith.addf %reduce_sum3A_72, %reduce_sum3A_79 : vector<1024xf32>
    %get3A_81 = arith.constant 0 : index
    %get3A_82 = arith.constant 0 : index
    %get3A_83 = arith.constant 0 : index
    %get3A_84 = vector.load %arg5[%get3A_81, %get3A_82, %get3A_83] : memref<1x1x1024xf32, #tpu.memory_space<vmem>>, vector<1x1x1024xf32>
    %get3A_85 = vector.shape_cast %get3A_84 : vector<1x1x1024xf32> to vector<1024xf32>
    %get3A_86 = arith.constant 0 : index
    %get3A_87 = arith.constant 0 : index
    %get3A_88 = vector.load %arg17[%get3A_86, %get3A_87] : memref<1x2xf32, #tpu.memory_space<vmem>>, vector<1x1xf32>
    %get3A_89 = vector.extract %get3A_88[0, 0] : f32 from vector<1x1xf32>
    %mul3A_90 = vector.broadcast %get3A_89 : f32 to vector<1024xf32>
    %mul3A_91 = arith.mulf %get3A_85, %mul3A_90 : vector<1024xf32>
    %add3A_92 = arith.addf %add3A_80, %mul3A_91 : vector<1024xf32>
    %get3A_93 = arith.constant 0 : index
    %get3A_94 = arith.constant 1 : index
    %get3A_95 = vector.load %arg17[%get3A_93, %get3A_94] : memref<1x2xf32, #tpu.memory_space<vmem>>, vector<1x1xf32>
    %get3A_96 = vector.extract %get3A_95[0, 0] : f32 from vector<1x1xf32>
    %add3A_97 = vector.broadcast %get3A_96 : f32 to vector<1024xf32>
    %add3A_98 = arith.addf %add3A_92, %add3A_97 : vector<1024xf32>
    %swap3A = arith.constant 0 : index
    %swap3A_99 = arith.constant 0 : index
    %swap3A_100 = arith.constant 0 : index
    %swap3A_101 = vector.load %arg18[%swap3A, %swap3A_99, %swap3A_100] : memref<1x1x1024xf32, #tpu.memory_space<vmem>>, vector<1x1x1024xf32>
    %swap3A_102 = vector.shape_cast %swap3A_101 : vector<1x1x1024xf32> to vector<1024xf32>
    %swap3A_103 = vector.shape_cast %add3A_98 : vector<1024xf32> to vector<1x1x1024xf32>
    tpu.vector_store %arg18[%swap3A, %swap3A_99, %swap3A_100], %swap3A_103 {strides = array<i32>} : memref<1x1x1024xf32, #tpu.memory_space<vmem>>, vector<1x1x1024xf32>,
    return
  }
  func.func @transform_0(%arg0: i32) -> (i32, i32) {
    %c0_i32 = arith.constant 0 : i32
    %c0_i32_0 = arith.constant 0 : i32
    return %arg0, %c0_i32 : i32, i32
  }
  func.func @transform_1(%arg0: i32) -> (i32, i32) {
    %c0_i32 = arith.constant 0 : i32
    %c0_i32_0 = arith.constant 0 : i32
    return %arg0, %c0_i32 : i32, i32
  }
  func.func @transform_2(%arg0: i32) -> (i32, i32) {
    %c0_i32 = arith.constant 0 : i32
    %c0_i32_0 = arith.constant 0 : i32
    return %arg0, %c0_i32 : i32, i32
  }
  func.func @transform_3(%arg0: i32) -> (i32, i32) {
    %c0_i32 = arith.constant 0 : i32
    %c0_i32_0 = arith.constant 0 : i32
    return %arg0, %c0_i32 : i32, i32
  }
  func.func @transform_4(%arg0: i32) -> (i32, i32, i32) {
    %c0_i32 = arith.constant 0 : i32
    %c0_i32_0 = arith.constant 0 : i32
    %c0_i32_1 = arith.constant 0 : i32
    return %arg0, %c0_i32, %c0_i32_0 : i32, i32, i32
  }
  func.func @transform_5(%arg0: i32) -> (i32, i32) {
    %c0_i32 = arith.constant 0 : i32
    %c0_i32_0 = arith.constant 0 : i32
    %c0_i32_1 = arith.constant 0 : i32
    return %c0_i32, %c0_i32_0 : i32, i32
  }
  func.func @transform_6(%arg0: i32) -> (i32, i32) {
    %c0_i32 = arith.constant 0 : i32
    %c0_i32_0 = arith.constant 0 : i32
    %c0_i32_1 = arith.constant 0 : i32
    return %c0_i32, %c0_i32_0 : i32, i32
  }
  func.func @transform_7(%arg0: i32) -> (i32, i32) {
    %c0_i32 = arith.constant 0 : i32
    %c0_i32_0 = arith.constant 0 : i32
    %c0_i32_1 = arith.constant 0 : i32
    return %c0_i32, %c0_i32_0 : i32, i32
  }
  func.func @transform_8(%arg0: i32) -> (i32, i32) {
    %c0_i32 = arith.constant 0 : i32
    %c0_i32_0 = arith.constant 0 : i32
    %c0_i32_1 = arith.constant 0 : i32
    return %c0_i32, %c0_i32_0 : i32, i32
  }
  func.func @transform_9(%arg0: i32) -> (i32, i32) {
    %c0_i32 = arith.constant 0 : i32
    %c0_i32_0 = arith.constant 0 : i32
    %c0_i32_1 = arith.constant 0 : i32
    return %c0_i32, %c0_i32_0 : i32, i32
  }
  func.func @transform_10(%arg0: i32) -> (i32, i32) {
    %c0_i32 = arith.constant 0 : i32
    %c0_i32_0 = arith.constant 0 : i32
    %c0_i32_1 = arith.constant 0 : i32
    return %c0_i32, %c0_i32_0 : i32, i32
  }
  func.func @transform_11(%arg0: i32) -> (i32, i32) {
    %c0_i32 = arith.constant 0 : i32
    %c0_i32_0 = arith.constant 0 : i32
    %c0_i32_1 = arith.constant 0 : i32
    return %c0_i32, %c0_i32_0 : i32, i32
  }
  func.func @transform_12(%arg0: i32) -> (i32, i32) {
    %c0_i32 = arith.constant 0 : i32
    %c0_i32_0 = arith.constant 0 : i32
    %c0_i32_1 = arith.constant 0 : i32
    return %c0_i32, %c0_i32_0 : i32, i32
  }
  func.func @transform_13(%arg0: i32) -> (i32, i32) {
    %c0_i32 = arith.constant 0 : i32
    %c0_i32_0 = arith.constant 0 : i32
    %c0_i32_1 = arith.constant 0 : i32
    return %c0_i32, %c0_i32_0 : i32, i32
  }
  func.func @transform_14(%arg0: i32) -> (i32, i32) {
    %c0_i32 = arith.constant 0 : i32
    %c0_i32_0 = arith.constant 0 : i32
    %c0_i32_1 = arith.constant 0 : i32
    return %c0_i32, %c0_i32_0 : i32, i32
  }
  func.func @transform_15(%arg0: i32) -> (i32, i32) {
    %c0_i32 = arith.constant 0 : i32
    %c0_i32_0 = arith.constant 0 : i32
    %c0_i32_1 = arith.constant 0 : i32
    return %c0_i32, %c0_i32_0 : i32, i32
  }
  func.func @transform_16(%arg0: i32) -> (i32, i32) {
    %c0_i32 = arith.constant 0 : i32
    %c0_i32_0 = arith.constant 0 : i32
    %c0_i32_1 = arith.constant 0 : i32
    return %c0_i32, %c0_i32_0 : i32, i32
  }
  func.func @transform_17(%arg0: i32) -> (i32, i32, i32) {
    %c0_i32 = arith.constant 0 : i32
    %c0_i32_0 = arith.constant 0 : i32
    %c0_i32_1 = arith.constant 0 : i32
    return %arg0, %c0_i32, %c0_i32_0 : i32, i32, i32
  }
}

</mosaic_0001>

<sc_bundles>
// kernel: kernel.10.cloned.1.call-start
scs
__scs_entry_jumppad:
0x0: {  	(pc) =	sbr.rel $0x88, $3  }
0x1: {  	(tag) =	ssettag $0x0;
	lr =	simm.s32 $0x1  }
0x2: {  	[smem:$0x3F90] =	sst lr;
	_ =	strace $0xD0000000  }
0x3: {  	_ = 	snop  }
0x4: {  	_ = 	snop  }
0x5: {  	_ = 	snop  }
0x6: {  	_ = 	snop  }
0x7: {  	_ = 	snop  }
__scs_overlays_trampoline_lowered:
0x8: {  	[smem:$0x3F9F] =	sst s0  }
0x9: {  	[smem:$0x3FA0] =	sst s1  }
0xa: {  	[smem:$0x3FA1] =	sst s2  }
0xb: {  	[smem:$0x3FA2] =	sst s3  }
0xc: {  	[smem:$0x3FA3] =	sst s4  }
0xd: {  	[smem:$0x3FA4] =	sst s5  }
0xe: {  	[smem:$0x3FA5] =	sst s6  }
0xf: {  	[smem:$0x3FA6] =	sst s7  }
0x10: {  	[smem:$0x3FA7] =	sst s8  }
0x11: {  	[smem:$0x3FA8] =	sst s9;
	s0 =	simm.s32 @!p0 $0x0  }
0x12: {  	s1 =	sld [smem:$0x3F8E];
	s0 =	simm.s32 @p0 $0x1  }
0x13: {  	[smem:$0x3FA9] =	sst s0;
	s0 =	simm.s32 @!p1 $0x0  }
0x14: {  	s2 =	sld [smem:$0x3F8D];
	s0 =	simm.s32 @p1 $0x1  }
0x15: {  	[smem:$0x3FAA] =	sst s0;
	s0 =	simm.s32 @!p2 $0x0  }
0x16: {  	s3 =	sld [smem:$0x3FDB];
	s0 =	simm.s32 @p2 $0x1  }
0x17: {  	s4 =	simm.s32 $0x1BF5;
	[smem:$0x3FAC] =	sst s0  }
0x18: {  	s0 =	sld [smem:$0x3F8F];
	_ =	swait.ge [sflag:s4], $0x0  }
0x19: {  	s7 =	sld [smem:$0x3F90]  }
0x1a: {  	s8 =	sadd.s32 $0xFFFFE003, lr  }
0x1b: {  	s9 =	sadd.s32 $0xFFFFFEF7, lr;
	s5 =	simm.s32 $0xFFFFFFFF;
	p2 =	slt.u32 s8, $0xFFFFF086  }
0x1c: {  	p1 =	slt.u32 s9, $0xF7A;
	s5 =	simm.s32 @!p2 $0x0  }
0x1d: {  	s5 =	simm.s32 @p1 $0x1;
	p0 =	seq.s32 s7, s2  }
0x1e: {  	s7 =	smul.u32 @!p0 $0xF7A, s2;
	p2 =	seq.s32 @!p0 s5, $0x0  }
0x1f: {  	s9 =	smul.u32 $0xF7A, s1;
	s8 =	simm.s32 @!p0 $0x1BF5;
	p2 =	por !p2, p0  }
0x20: {  	[sflag:s8] =	ssyncset.s32 @!p0 $0xFFFFF086;
	s6 =	sadd.s32 @!p0 s3, s7;
	s7 =	simm.s32 @!p0 $0x108  }
0x21: {  	s3 =	sadd.s32 s3, s9;
	s6 =	sadd.s32 @!p0 $0x88, s6;
	s7 =	simm.s32 @p2 $0x1082  }
0x22: {  	[simem:s7], [sflag:s8] =	dma.local @!p0 [hbm:s6], $0xF7A  }
0x23: {  	s9 =	sor.u32 $0xD0000000, s2;
	s6 =	simm.s32 $0x108;
	_ =	swait.ge @!p0 [sflag:s8], $0x0  }
0x24: {  	s3 =	sadd.s32 $0x88, s3;
	s6 =	simm.s32 @!p1 $0x1082;
	[sflag:s4] =	ssyncset.s32 $0xFFFFF086  }
0x25: {  	[simem:s6], [sflag:s4] =	dma.local [hbm:s3], $0xF7A  }
0x26: {  	[smem:$0x3F90] =	sst s1;
	(tag) =	ssettag s2;
	_ =	strace s9  }
0x27: {  	s1 =	sld [smem:$0x3FA0]  }
0x28: {  	s2 =	sld [smem:$0x3FA1]  }
0x29: {  	s4 =	sld [smem:$0x3FA3]  }
0x2a: {  	p0 =	seq.s32 s5, $0x0;
	s5 =	sld [smem:$0x3FA4]  }
0x2b: {  	s6 =	sld [smem:$0x3FA5]  }
0x2c: {  	s7 =	sld [smem:$0x3FA6]  }
0x2d: {  	s3 =	simm.s32 $0x108;
	s8 =	sld [smem:$0x3FA7]  }
0x2e: {  	s3 =	simm.s32 @!p0 $0x1082;
	s9 =	sld [smem:$0x3FA8]  }
0x2f: {  	lr =	sadd.s32 s0, s3;
	s0 =	sld [smem:$0x3F9F]  }
0x30: {  	s3 =	sld [smem:$0x3FA2]  }
0x31: {  	[smem:$0x3FAB] =	sst s10  }
0x32: {  	s10 =	sld [smem:$0x3FA9];
	_ =	sdelay $0x3  }
0x33: {  	p0 =	seq.s32 s10, $0x1;
	s10 =	sld [smem:$0x3FAB];
	_ =	sdelay $0x3  }
0x34: {  	[smem:$0x3FAB] =	sst s10  }
0x35: {  	s10 =	sld [smem:$0x3FAA];
	_ =	sdelay $0x3  }
0x36: {  	p1 =	seq.s32 s10, $0x1;
	s10 =	sld [smem:$0x3FAB];
	_ =	sdelay $0x3  }
0x37: {  	[smem:$0x3FAB] =	sst s10  }
0x38: {  	s10 =	sld [smem:$0x3FAC]  }
0x39: {  	_ = 	snop;
	(pc) =	sbr.ind lr, $3  }
0x3a: {  	_ = 	snop  }
0x3b: {  	_ = 	snop  }
0x3c: {  	p2 =	seq.s32 s10, $0x1;
	s10 =	sld [smem:$0x3FAB]  }
0x3d: {  	_ =	shalt  }
0x3e: {  	_ =	shalt  }
0x3f: {  	_ =	shalt  }
0x40: {  	_ =	shalt  }
0x41: {  	_ =	shalt  }
0x42: {  	_ =	shalt  }
0x43: {  	_ =	shalt  }
0x44: {  	_ =	shalt  }
0x45: {  	_ =	shalt  }
0x46: {  	_ =	shalt  }
0x47: {  	_ =	shalt  }
0x48: {  	_ =	shalt  }
0x49: {  	_ =	shalt  }
0x4a: {  	_ =	shalt  }
0x4b: {  	_ =	shalt  }
0x4c: {  	_ =	shalt  }
0x4d: {  	_ =	shalt  }
0x4e: {  	_ =	shalt  }
0x4f: {  	_ =	shalt  }
0x50: {  	_ =	shalt  }
0x51: {  	_ =	shalt  }
0x52: {  	_ =	shalt  }
0x53: {  	_ =	shalt  }
0x54: {  	_ =	shalt  }
0x55: {  	_ =	shalt  }
0x56: {  	_ =	shalt  }
0x57: {  	_ =	shalt  }
0x58: {  	_ =	shalt  }
0x59: {  	_ =	shalt  }
0x5a: {  	_ =	shalt  }
0x5b: {  	_ =	shalt  }
0x5c: {  	_ =	shalt  }
0x5d: {  	_ =	shalt  }
0x5e: {  	_ =	shalt  }
0x5f: {  	_ =	shalt  }
0x60: {  	_ =	shalt  }
0x61: {  	_ =	shalt  }
0x62: {  	_ =	shalt  }
0x63: {  	_ =	shalt  }
0x64: {  	_ =	shalt  }
0x65: {  	_ =	shalt  }
0x66: {  	_ =	shalt  }
0x67: {  	_ =	shalt  }
0x68: {  	_ =	shalt  }
0x69: {  	_ =	shalt  }
0x6a: {  	_ =	shalt  }
0x6b: {  	_ =	shalt  }
0x6c: {  	_ =	shalt  }
0x6d: {  	_ =	shalt  }
0x6e: {  	_ =	shalt  }
0x6f: {  	_ =	shalt  }
0x70: {  	_ =	shalt  }
0x71: {  	_ =	shalt  }
0x72: {  	_ =	shalt  }
0x73: {  	_ =	shalt  }
0x74: {  	_ =	shalt  }
0x75: {  	_ =	shalt  }
0x76: {  	_ =	shalt  }
0x77: {  	_ =	shalt  }
0x78: {  	_ =	shalt  }
0x79: {  	_ =	shalt  }
0x7a: {  	_ =	shalt  }
0x7b: {  	_ =	shalt  }
0x7c: {  	_ =	shalt  }
0x7d: {  	_ =	shalt  }
0x7e: {  	_ =	shalt  }
0x7f: {  	_ =	shalt  }
0x80: {  	_ =	shalt  }
0x81: {  	_ =	shalt  }
0x82: {  	_ =	shalt  }
0x83: {  	_ =	shalt  }
0x84: {  	_ =	shalt  }
0x85: {  	_ =	shalt  }
0x86: {  	_ =	shalt  }
0x87: {  	_ =	shalt  }
.Lfunc_end0:
.L_simem_size_0:
called_computation_lowered:
.L_overlay_start_0:
0x88: {  	s2 =	sld [smem:$0x3FD9]  }
0x89: {  	s3 =	sld [smem:$0x3FFE];
	_ =	sdelay $0x1  }
0x8a: {  	s1 =	srdreg.scid  }
0x8b: {  	s0 =	sand.u32 $0x1, s1  }
0x8c: {  	s17 =	sshll.u32 s0, $0xA;
	s2 =	sadd.s32 s3, s2  }
0x8d: {  	s2 =	sadd.s32 s2, s17  }
0x8e: {  	[smem:$0x3FB7] =	sst s2  }
0x8f: {  	_ = 	snop  }
0x90: {  	s2 =	sld [smem:$0x3FC4]  }
0x91: {  	s18 =	sld [smem:$0x3FC3]  }
0x92: {  	s4 =	sld [smem:$0x3FD0];
	(tm) =	ssettm $0x1  }
0x93: {  	s5 =	sld [smem:$0x3FFB];
	_ =	sdelay $0x3  }
0x94: {  	_ =	strace s5  }
0x95: {  	s5 =	sld [smem:$0x3FFC];
	_ =	sdelay $0x3  }
0x96: {  	_ =	strace s5  }
0x97: {  	s5 =	sld [smem:$0x3FFD];
	_ =	sdelay $0x3  }
0x98: {  	_ =	strace s5  }
0x99: {  	_ =	strace $0x8FFFFFFF  }
0x9a: {  	s19 =	sld [smem:$0x3FDB];
	_ =	sdelay $0x1  }
0x9b: {  	s6 =	simm.s32 $_scs_section_size  }
0x9c: {  	s7 =	simm.s32 $_size__tile_overlayer_lowered;
	s8 =	simm.s32 $_tile_overlayer_lowered  }
0x9d: {  	s22 =	simm.s32 $0x1BFF;
	s21 =	sshll.u32 s8, $0x1;
	s5 =	sadd.s32 s6, s19  }
0x9e: {  	s9 =	simm.s32 $0x0;
	s20 =	sshll.u32 s7, $0x1;
	s7 =	sadd.s32 s21, s5  }
0x9f: {  	[timem:s9], [sflag:s22] =	dma.local [hbm:s7], s20  }
0xa0: {  	_ =	swait.ge [sflag:s22], s20  }
0xa1: {  	s6 =	ssub.s32 $0x0, s20;
	[sflag:s22] =	ssyncset.done $0x0  }
0xa2: {  	[sflag:s22] =	ssyncadd.s32 s6;
	_ =	sdelay $0x1  }
0xa3: {  	s23 =	simm.s32 $0x1B8B  }
0xa4: {  	_ =	swait.ge [sflag:s23], $0x1  }
0xa5: {  	[sflag:s23] =	ssyncset.done $0x0  }
0xa6: {  	s25 =	simm.s32 $0x1B8E;
	s24 =	sld [smem:$0x3FFE];
	[sflag:s23] =	ssyncadd.s32 $0xFFFFFFFF  }
0xa7: {  	s26 =	simm.s32 $execute0_lowered;
	[smem:$0x3FD2] =	sst s25  }
0xa8: {  	s7 =	sshll.u32 s26, $0x1;
	_ =	strace $0x80000046;
	[dreg:$0x1] =	wrdreg $0xFFFFFFFF  }
0xa9: {  	s28 =	simm.s32 $_size_execute0_lowered;
	s5 =	sadd.s32 s5, s7;
	[dreg:$0x0] =	wrdreg $0x0  }
0xaa: {  	s7 =	sshll.u32 s28, $0x1;
	[dreg:$0x2] =	wrdreg s5  }
0xab: {  	[dreg:$0x3] =	wrdreg s7  }
0xac: {  	[dreg:$0x4] =	wrdreg $0xC0  }
0xad: {  	_ =	task [dreg:s9], $0x5FFFF  }
0xae: {  	[dreg:$0x1] =	wrdreg $0xFFFFFFFF  }
0xaf: {  	[dreg:$0x0] =	wrdreg $0x60  }
0xb0: {  	[dreg:$0x2] =	wrdreg s24  }
0xb1: {  	[dreg:$0x3] =	wrdreg s4  }
0xb2: {  	[dreg:$0x4] =	wrdreg s2  }
0xb3: {  	[dreg:$0x5] =	wrdreg s18  }
0xb4: {  	[dreg:$0x6] =	wrdreg $0x9  }
0xb5: {  	_ =	task.clear_ibuf [dreg:s9], $0x7FFFF;
	_ =	strace $0x90000046  }
0xb6: {  	s29 =	simm.s32 $0x9;
	_ =	strace $0x80000048  }
0xb7: {  	_ =	swait.ge [sflag:s29], $0x1  }
0xb8: {  	[sflag:s29] =	ssyncadd.s32 $0xFFFFFFFF  }
0xb9: {  	_ =	strace $0x90000048  }
0xba: {  	_ =	sfence  }
0xbb: {  	s30 =	sld [smem:$0x0];
	_ =	sdelay $0x2  }
0xbc: {  	s31 =	sshll.u32 s1, $0xD;
	s1 =	sshrl.u32 s1, $0x2  }
0xbd: {  	s3 =	sand.u32 $0x4000, s31;
	s1 =	sadd.s32 s1, s30  }
0xbe: {  	s0 =	sor.u32 s3, s0;
	s1 =	sshll.u32 s1, $0x11  }
0xbf: {  	s0 =	sor.u32 s1, s0  }
0xc0: {  	s0 =	sadd.s32 $0x8F2B, s0  }
0xc1: {  	[sflag:s0] =	ssyncadd.remote.s32 $0x1  }
0xc2: {  	_ =	sfence.sel $0xFFFF  }
0xc3: {  	[dreg:$0x0] =	wrdreg $0xFFFFFFFF;
	(pc) =	sbr.abs _section_cstart, $3  }
0xc4: {  	[dreg:$0x1] =	wrdreg $0xFFFFFFFF  }
0xc5: {  	_ =	task.clear_ibuf [dreg:s9], $0x2FFFF;
	_ =	strace $0x9FFFFFFF  }
0xc6: {  	(tm) =	ssettm $0x7FFFFFFF  }
0xc7: {  	_ =	shalt  }
tec
execute0_lowered:
.L_overlay_start_1:
0x0: {  	(tag) =	ssettag $0x1  }
0x1: {  	s0 =	rddreg [dreg:$0x0]  }
0x2: {  	s2 =	rddreg [dreg:$0x1]  }
0x3: {  	s1 =	rddreg [dreg:$0x2]  }
0x4: {  	s3 =	rddreg [dreg:$0x3]  }
0x5: {  	s5 =	srdreg.scid;
	s4 =	simm.s32 $0x0;
	s7 =	stileid.u32  }
0x6: {  	s29 =	simm.s32 $0x1;
	s28 =	simm.s32 $0xB900;
	s31 =	simm.s32 $0xD900  }
0x7: {  	s6 =	sand.u32 $0x1, s5;
	[smem:$0x7FF] =	sst s4;
	s21 =	sshll.u32 s7, $0x8  }
0x8: {  	s23 =	sadd.s32 $0x312E00, s0;
	s8 =	sadd.s32 $0x45A00, s0;
	s22 =	sshll.u32 s6, $0x7  }
0x9: {  	s15 =	sadd.s32 $0x55A00, s0;
	s11 =	sadd.s32 $0x5A00, s0;
	s5 =	sor.u32 s22, s21  }
0xa: {  	s10 =	sadd.s32 $0x65A00, s0;
	s7 =	sadd.s32 $0x100, s3;
	s9 =	sshrl.u32 s5, $0x3  }
0xb: {  	_ =	strace $0x80000047;
	s6 =	ssub.s32 $0x2, s6;
	s12 =	sadd.s32 s23, s9  }
0xc: {  	s24 =	sshll.u32 s5, $0x4;
	s9 =	sadd.s32 s2, s9;
	[dreg:$0x5] =	wrdreg s12  }
0xd: {  	s30 =	sshll.u32 s5, $0x6;
	s25 =	sadd.s32 s8, s24;
	[dreg:$0x6] =	wrdreg s9  }
0xe: {  	s14 =	sor.u32 $0x40, s5;
	s26 =	sadd.s32 s15, s24;
	[dreg:$0x7] =	wrdreg s25  }
0xf: {  	s13 =	sadd.s32 s11, s30;
	s16 =	sadd.s32 s10, s30;
	[dreg:$0x8] =	wrdreg s26  }
0x10: {  	s17 =	sshrl.u32 s14, $0x3;
	s20 =	sshll.u32 s14, $0x4;
	[dreg:$0x9] =	wrdreg s13  }
0x11: {  	s24 =	sshrl.u32 s6, $0x1;
	s13 =	sadd.s32 $0x313C00, s0;
	[dreg:$0xa] =	wrdreg s16  }
0x12: {  	s18 =	sadd.s32 s23, s17;
	s19 =	sadd.s32 s2, s17;
	s21 =	sadd.s32 s8, s20  }
0x13: {  	s22 =	sadd.s32 s15, s20;
	s23 =	sshll.u32 s14, $0x6;
	s26 =	ssub.s32 s6, s24  }
0x14: {  	s6 =	sadd.s32 $0x100, s1;
	s9 =	simm.s32 $0x2;
	s12 =	simm.s32 $0x40  }
0x15: {  	s15 =	simm.s32 $0x5900;
	s16 =	simm.s32 $0x6100;
	[dreg:$0xb] =	wrdreg s18  }
0x16: {  	s17 =	simm.s32 $0x6900;
	s20 =	simm.s32 $0x8100;
	[dreg:$0xc] =	wrdreg s19  }
0x17: {  	s24 =	simm.s32 $0xA100;
	s2 =	simm.s32 $0xC100;
	[dreg:$0xd] =	wrdreg s21  }
0x18: {  	s14 =	simm.s32 $0xD100;
	[dreg:$0xe] =	wrdreg s22;
	s25 =	sadd.s32 s11, s23  }
0x19: {  	s30 =	sadd.s32 s10, s23;
	s8 =	smax.u32 s26, $0x1;
	s18 =	simm.s32 $0x7100  }
0x1a: {  	v2 =	vlaneseq.u32;
	s19 =	simm.s32 $0x7900;
	s21 =	simm.s32 $0x8900;
	s22 =	simm.s32 $0x9100  }
0x1b: {  	vm0 =	vmmov $0xffff;
	v1 =	vshrl.u32 v2, $0x3;
	s23 =	simm.s32 $0x9900;
	s26 =	simm.s32 $0xB100;
	[dreg:$0xf] =	wrdreg s25  }
0x1c: {  	v0 =	vand.u32 $0x7, v2;
	v2 =	vor.u32 $0x8, v2;
	v1 =	vmul.u32 $0x8, v1;
	s10 =	simm.s32 $0x4100;
	[dreg:$0x10] =	wrdreg s30;
	s25 =	simm.s32 $0xA900  }
.LBB2_1:
0x1d: {  	s30 =	rddreg [dreg:$0x5]  }
0x1e: {  	[tilespmem:s4], [sflag:$0x2] =	stream.linear.gather [hbm4b:s30+s4], $0x40, $0x38;
	[tilespmem:$0x14100] =	vst v63  }
0x1f: {  	_ =	swait.ge [sflag:s9], $0x40  }
0x20: {  	[sflag:s9] =	ssyncset.done $0x0  }
0x21: {  	s11 =	simm.s32 $0x80;
	s5 =	rddreg [dreg:$0x6];
	[sflag:s9] =	ssyncadd.s32 $0xFFFFFFC0  }
0x22: {  	[tilespmem:s11], [sflag:$0x2] =	stream.linear.gather [hbm4b:s5+s4], $0x40, $0x38;
	[tilespmem:$0x14100] =	vst v63  }
0x23: {  	_ =	swait.ge [sflag:s9], $0x40  }
0x24: {  	[sflag:s9] =	ssyncset.done $0x0  }
0x25: {  	s0 =	simm.s32 $0x100;
	[sflag:s9] =	ssyncadd.s32 $0xFFFFFFC0  }
0x26: {  	[tilespmem:s0], [sflag:$0x1] =	stream.indirect.gather [hbm4b:s13+s12], $0x80, s4, s12, $0xb8;
	[tilespmem:$0x14100] =	vst v63  }
0x27: {  	s30 =	simm.s32 $0x2100  }
0x28: {  	[tilespmem:s30], [sflag:$0x1] =	stream.indirect.gather [hbm4b:s13+s12], $0x80, s11, s12, $0xb8;
	[tilespmem:$0x14100] =	vst v63  }
0x29: {  	v3 =	vld [tilespmem:$0x0];
	_ =	sdelay $0x4  }
0x2a: {  	v4 =	vshll.u32 v3, $0x2  }
0x2b: {  	v3 =	vand.u32 $0x7, v3;
	v4 =	vand.u32 $0xFFFFFFE0, v4  }
0x2c: {  	v3 =	vor.u32 v3, v4  }
0x2d: {  	v4 =	vperm.xlane v3, v0;
	_ =	sdelay $0x1  }
0x2e: {  	v4 =	vadd.s32 v1, v4;
	_ =	sdelay $0x1  }
0x2f: {  	v3 =	vperm.xlane v3, v2;
	_ =	sdelay $0x1  }
0x30: {  	s5 =	simm.s32 $0x4100;
	v3 =	vadd.s32 v1, v3  }
0x31: {  	[tilespmem:s5], [sflag:$0x1] =	stream.indirect_vreg.gather [hbm4b:s1+s4], $0x80, v4, vm0, $0xb8;
	[tilespmem:$0x14100] =	vst v63  }
0x32: {  	s30 =	simm.s32 $0x4900  }
0x33: {  	[tilespmem:s30], [sflag:$0x1] =	stream.indirect_vreg.gather [hbm4b:s6+s4], $0x80, v4, vm0, $0xb8;
	[tilespmem:$0x14100] =	vst v63  }
0x34: {  	s5 =	simm.s32 $0x5100  }
0x35: {  	[tilespmem:s5], [sflag:$0x1] =	stream.indirect_vreg.gather [hbm4b:s1+s4], $0x80, v3, vm0, $0xb8;
	[tilespmem:$0x14100] =	vst v63  }
0x36: {  	_ = 	snop  }
0x37: {  	[tilespmem:s15], [sflag:$0x1] =	stream.indirect_vreg.gather [hbm4b:s6+s4], $0x80, v3, vm0, $0xb8;
	[tilespmem:$0x14100] =	vst v63  }
0x38: {  	v3 =	vld [tilespmem:$0x10];
	_ =	sdelay $0x4  }
0x39: {  	v49 =	vshll.u32 v3, $0x2  }
0x3a: {  	v3 =	vand.u32 $0x7, v3;
	v4 =	vand.u32 $0xFFFFFFE0, v49  }
0x3b: {  	v3 =	vor.u32 v3, v4  }
0x3c: {  	v4 =	vperm.xlane v3, v0;
	_ =	sdelay $0x1  }
0x3d: {  	v4 =	vadd.s32 v1, v4;
	_ =	sdelay $0x1  }
0x3e: {  	v3 =	vperm.xlane v3, v2;
	_ =	sdelay $0x1  }
0x3f: {  	v3 =	vadd.s32 v1, v3  }
0x40: {  	[tilespmem:s16], [sflag:$0x1] =	stream.indirect_vreg.gather [hbm4b:s1+s4], $0x80, v4, vm0, $0xb8;
	[tilespmem:$0x14100] =	vst v63  }
0x41: {  	_ = 	snop  }
0x42: {  	[tilespmem:s17], [sflag:$0x1] =	stream.indirect_vreg.gather [hbm4b:s6+s4], $0x80, v4, vm0, $0xb8;
	[tilespmem:$0x14100] =	vst v63  }
0x43: {  	_ = 	snop  }
0x44: {  	[tilespmem:s18], [sflag:$0x1] =	stream.indirect_vreg.gather [hbm4b:s1+s4], $0x80, v3, vm0, $0xb8;
	[tilespmem:$0x14100] =	vst v63  }
0x45: {  	_ = 	snop  }
0x46: {  	[tilespmem:s19], [sflag:$0x1] =	stream.indirect_vreg.gather [hbm4b:s6+s4], $0x80, v3, vm0, $0xb8;
	[tilespmem:$0x14100] =	vst v63  }
0x47: {  	v3 =	vld [tilespmem:$0x20];
	_ =	sdelay $0x4  }
0x48: {  	v50 =	vshll.u32 v3, $0x2  }
0x49: {  	v3 =	vand.u32 $0x7, v3;
	v4 =	vand.u32 $0xFFFFFFE0, v50  }
0x4a: {  	v3 =	vor.u32 v3, v4  }
0x4b: {  	v4 =	vperm.xlane v3, v0;
	_ =	sdelay $0x1  }
0x4c: {  	v4 =	vadd.s32 v1, v4;
	_ =	sdelay $0x1  }
0x4d: {  	v3 =	vperm.xlane v3, v2;
	_ =	sdelay $0x1  }
0x4e: {  	v3 =	vadd.s32 v1, v3  }
0x4f: {  	[tilespmem:s20], [sflag:$0x1] =	stream.indirect_vreg.gather [hbm4b:s1+s4], $0x80, v4, vm0, $0xb8;
	[tilespmem:$0x14100] =	vst v63  }
0x50: {  	_ = 	snop  }
0x51: {  	[tilespmem:s21], [sflag:$0x1] =	stream.indirect_vreg.gather [hbm4b:s6+s4], $0x80, v4, vm0, $0xb8;
	[tilespmem:$0x14100] =	vst v63  }
0x52: {  	_ = 	snop  }
0x53: {  	[tilespmem:s22], [sflag:$0x1] =	stream.indirect_vreg.gather [hbm4b:s1+s4], $0x80, v3, vm0, $0xb8;
	[tilespmem:$0x14100] =	vst v63  }
0x54: {  	_ = 	snop  }
0x55: {  	[tilespmem:s23], [sflag:$0x1] =	stream.indirect_vreg.gather [hbm4b:s6+s4], $0x80, v3, vm0, $0xb8;
	[tilespmem:$0x14100] =	vst v63  }
0x56: {  	v3 =	vld [tilespmem:$0x30];
	_ =	sdelay $0x4  }
0x57: {  	v51 =	vshll.u32 v3, $0x2  }
0x58: {  	v3 =	vand.u32 $0x7, v3;
	v4 =	vand.u32 $0xFFFFFFE0, v51  }
0x59: {  	v3 =	vor.u32 v3, v4  }
0x5a: {  	v4 =	vperm.xlane v3, v0;
	_ =	sdelay $0x1  }
0x5b: {  	v4 =	vadd.s32 v1, v4;
	_ =	sdelay $0x1  }
0x5c: {  	v3 =	vperm.xlane v3, v2;
	_ =	sdelay $0x1  }
0x5d: {  	v3 =	vadd.s32 v1, v3  }
0x5e: {  	[tilespmem:s24], [sflag:$0x1] =	stream.indirect_vreg.gather [hbm4b:s1+s4], $0x80, v4, vm0, $0xb8;
	[tilespmem:$0x14100] =	vst v63  }
0x5f: {  	_ = 	snop  }
0x60: {  	[tilespmem:s25], [sflag:$0x1] =	stream.indirect_vreg.gather [hbm4b:s6+s4], $0x80, v4, vm0, $0xb8;
	[tilespmem:$0x14100] =	vst v63  }
0x61: {  	_ = 	snop  }
0x62: {  	[tilespmem:s26], [sflag:$0x1] =	stream.indirect_vreg.gather [hbm4b:s1+s4], $0x80, v3, vm0, $0xb8;
	[tilespmem:$0x14100] =	vst v63  }
0x63: {  	_ = 	snop  }
0x64: {  	[tilespmem:s28], [sflag:$0x1] =	stream.indirect_vreg.gather [hbm4b:s6+s4], $0x80, v3, vm0, $0xb8;
	[tilespmem:$0x14100] =	vst v63  }
0x65: {  	v3 =	vld [tilespmem:$0x80];
	_ =	sdelay $0x4  }
0x66: {  	v52 =	vshll.u32 v3, $0x2  }
0x67: {  	v3 =	vand.u32 $0x7, v3;
	v4 =	vand.u32 $0xFFFFFFE0, v52  }
0x68: {  	v3 =	vor.u32 v3, v4  }
0x69: {  	v4 =	vperm.xlane v3, v0;
	_ =	sdelay $0x1  }
0x6a: {  	v4 =	vadd.s32 v1, v4;
	_ =	sdelay $0x1  }
0x6b: {  	v3 =	vperm.xlane v3, v2;
	_ =	sdelay $0x1  }
0x6c: {  	v3 =	vadd.s32 v1, v3  }
0x6d: {  	[tilespmem:s2], [sflag:$0x1] =	stream.indirect_vreg.gather [hbm4b:s3+s4], $0x80, v4, vm0, $0xb8;
	[tilespmem:$0x14100] =	vst v63  }
0x6e: {  	s30 =	simm.s32 $0xC900  }
0x6f: {  	[tilespmem:s30], [sflag:$0x1] =	stream.indirect_vreg.gather [hbm4b:s7+s4], $0x80, v4, vm0, $0xb8;
	[tilespmem:$0x14100] =	vst v63  }
0x70: {  	_ = 	snop  }
0x71: {  	[tilespmem:s14], [sflag:$0x1] =	stream.indirect_vreg.gather [hbm4b:s3+s4], $0x80, v3, vm0, $0xb8;
	[tilespmem:$0x14100] =	vst v63  }
0x72: {  	_ = 	snop  }
0x73: {  	[tilespmem:s31], [sflag:$0x1] =	stream.indirect_vreg.gather [hbm4b:s7+s4], $0x80, v3, vm0, $0xb8;
	[tilespmem:$0x14100] =	vst v63  }
0x74: {  	v3 =	vld [tilespmem:$0x90];
	_ =	sdelay $0x4  }
0x75: {  	v53 =	vshll.u32 v3, $0x2  }
0x76: {  	v3 =	vand.u32 $0x7, v3;
	v4 =	vand.u32 $0xFFFFFFE0, v53  }
0x77: {  	v3 =	vor.u32 v3, v4  }
0x78: {  	v4 =	vperm.xlane v3, v0;
	_ =	sdelay $0x1  }
0x79: {  	v4 =	vadd.s32 v1, v4;
	_ =	sdelay $0x1  }
0x7a: {  	v3 =	vperm.xlane v3, v2;
	_ =	sdelay $0x1  }
0x7b: {  	s5 =	simm.s32 $0xE100;
	v3 =	vadd.s32 v1, v3  }
0x7c: {  	[tilespmem:s5], [sflag:$0x1] =	stream.indirect_vreg.gather [hbm4b:s3+s4], $0x80, v4, vm0, $0xb8;
	[tilespmem:$0x14100] =	vst v63  }
0x7d: {  	s30 =	simm.s32 $0xE900  }
0x7e: {  	[tilespmem:s30], [sflag:$0x1] =	stream.indirect_vreg.gather [hbm4b:s7+s4], $0x80, v4, vm0, $0xb8;
	[tilespmem:$0x14100] =	vst v63  }
0x7f: {  	s5 =	simm.s32 $0xF100  }
0x80: {  	[tilespmem:s5], [sflag:$0x1] =	stream.indirect_vreg.gather [hbm4b:s3+s4], $0x80, v3, vm0, $0xb8;
	[tilespmem:$0x14100] =	vst v63  }
0x81: {  	s30 =	simm.s32 $0xF900  }
0x82: {  	[tilespmem:s30], [sflag:$0x1] =	stream.indirect_vreg.gather [hbm4b:s7+s4], $0x80, v3, vm0, $0xb8;
	[tilespmem:$0x14100] =	vst v63  }
0x83: {  	v3 =	vld [tilespmem:$0xA0];
	_ =	sdelay $0x4  }
0x84: {  	v54 =	vshll.u32 v3, $0x2  }
0x85: {  	v3 =	vand.u32 $0x7, v3;
	v4 =	vand.u32 $0xFFFFFFE0, v54  }
0x86: {  	v3 =	vor.u32 v3, v4  }
0x87: {  	v4 =	vperm.xlane v3, v0;
	_ =	sdelay $0x1  }
0x88: {  	v4 =	vadd.s32 v1, v4;
	_ =	sdelay $0x1  }
0x89: {  	v3 =	vperm.xlane v3, v2;
	_ =	sdelay $0x1  }
0x8a: {  	s5 =	simm.s32 $0x10100;
	v3 =	vadd.s32 v1, v3  }
0x8b: {  	[tilespmem:s5], [sflag:$0x1] =	stream.indirect_vreg.gather [hbm4b:s3+s4], $0x80, v4, vm0, $0xb8;
	[tilespmem:$0x14100] =	vst v63  }
0x8c: {  	s30 =	simm.s32 $0x10900  }
0x8d: {  	[tilespmem:s30], [sflag:$0x1] =	stream.indirect_vreg.gather [hbm4b:s7+s4], $0x80, v4, vm0, $0xb8;
	[tilespmem:$0x14100] =	vst v63  }
0x8e: {  	s5 =	simm.s32 $0x11100  }
0x8f: {  	[tilespmem:s5], [sflag:$0x1] =	stream.indirect_vreg.gather [hbm4b:s3+s4], $0x80, v3, vm0, $0xb8;
	[tilespmem:$0x14100] =	vst v63  }
0x90: {  	s30 =	simm.s32 $0x11900  }
0x91: {  	[tilespmem:s30], [sflag:$0x1] =	stream.indirect_vreg.gather [hbm4b:s7+s4], $0x80, v3, vm0, $0xb8;
	[tilespmem:$0x14100] =	vst v63  }
0x92: {  	v3 =	vld [tilespmem:$0xB0];
	_ =	sdelay $0x4  }
0x93: {  	v55 =	vshll.u32 v3, $0x2  }
0x94: {  	v3 =	vand.u32 $0x7, v3;
	v4 =	vand.u32 $0xFFFFFFE0, v55  }
0x95: {  	v3 =	vor.u32 v3, v4  }
0x96: {  	v4 =	vperm.xlane v3, v0;
	_ =	sdelay $0x1  }
0x97: {  	v4 =	vadd.s32 v1, v4;
	_ =	sdelay $0x1  }
0x98: {  	v3 =	vperm.xlane v3, v2;
	_ =	sdelay $0x1  }
0x99: {  	s5 =	simm.s32 $0x12100;
	v3 =	vadd.s32 v1, v3  }
0x9a: {  	[tilespmem:s5], [sflag:$0x1] =	stream.indirect_vreg.gather [hbm4b:s3+s4], $0x80, v4, vm0, $0xb8;
	[tilespmem:$0x14100] =	vst v63  }
0x9b: {  	s30 =	simm.s32 $0x12900  }
0x9c: {  	[tilespmem:s30], [sflag:$0x1] =	stream.indirect_vreg.gather [hbm4b:s7+s4], $0x80, v4, vm0, $0xb8;
	[tilespmem:$0x14100] =	vst v63  }
0x9d: {  	s5 =	simm.s32 $0x13100  }
0x9e: {  	[tilespmem:s5], [sflag:$0x1] =	stream.indirect_vreg.gather [hbm4b:s3+s4], $0x80, v3, vm0, $0xb8;
	[tilespmem:$0x14100] =	vst v63  }
0x9f: {  	s30 =	simm.s32 $0x13900  }
0xa0: {  	[tilespmem:s30], [sflag:$0x1] =	stream.indirect_vreg.gather [hbm4b:s7+s4], $0x80, v3, vm0, $0xb8;
	[tilespmem:$0x14100] =	vst v63  }
0xa1: {  	_ =	swait.ge [sflag:s29], $0x2000  }
0xa2: {  	[sflag:s29] =	ssyncset.done $0x0  }
0xa3: {  	[sflag:s29] =	ssyncadd.s32 $0xFFFFE000  }
0xa4: {  	_ =	swait.ge [sflag:s29], $0x2000  }
0xa5: {  	[sflag:s29] =	ssyncset.done $0x0  }
0xa6: {  	[sflag:s29] =	ssyncadd.s32 $0xFFFFE000  }
0xa7: {  	_ =	swait.ge [sflag:s29], $0x8000  }
0xa8: {  	[sflag:s29] =	ssyncset.done $0x0  }
0xa9: {  	[sflag:s29] =	ssyncadd.s32 $0xFFFF8000  }
0xaa: {  	_ =	swait.ge [sflag:s29], $0x8000  }
0xab: {  	[sflag:s29] =	ssyncset.done $0x0  }
0xac: {  	s5 =	simm.s32 $0x100;
	s0 =	rddreg [dreg:$0x7];
	[sflag:s29] =	ssyncadd.s32 $0xFFFF8000  }
0xad: {  	[hbm4b:s0+s4] =	stream.linear.scatter [tilespmem:s5], [sflag:$0x2], $0x2000, $0x38;
	[tilespmem:$0x14100] =	vst v63  }
0xae: {  	_ =	swait.ge [sflag:s9], $0x2000  }
0xaf: {  	[sflag:s9] =	ssyncset.done $0x0  }
0xb0: {  	s0 =	simm.s32 $0x2100;
	s30 =	rddreg [dreg:$0x8];
	[sflag:s9] =	ssyncadd.s32 $0xFFFFE000  }
0xb1: {  	[hbm4b:s30+s4] =	stream.linear.scatter [tilespmem:s0], [sflag:$0x2], $0x2000, $0x38;
	[tilespmem:$0x14100] =	vst v63  }
0xb2: {  	_ =	swait.ge [sflag:s9], $0x2000  }
0xb3: {  	[sflag:s9] =	ssyncset.done $0x0  }
0xb4: {  	s30 =	rddreg [dreg:$0x9];
	[sflag:s9] =	ssyncadd.s32 $0xFFFFE000  }
0xb5: {  	[hbm4b:s30+s4] =	stream.linear.scatter [tilespmem:s10], [sflag:$0x2], $0x8000, $0x38;
	[tilespmem:$0x14100] =	vst v63  }
0xb6: {  	_ =	swait.ge [sflag:s9], $0x8000  }
0xb7: {  	[sflag:s9] =	ssyncset.done $0x0  }
0xb8: {  	s30 =	rddreg [dreg:$0xa];
	[sflag:s9] =	ssyncadd.s32 $0xFFFF8000  }
0xb9: {  	[hbm4b:s30+s4] =	stream.linear.scatter [tilespmem:s2], [sflag:$0x2], $0x8000, $0x38;
	[tilespmem:$0x14100] =	vst v63  }
0xba: {  	_ =	swait.ge [sflag:s9], $0x8000  }
0xbb: {  	[sflag:s9] =	ssyncset.done $0x0  }
0xbc: {  	s30 =	rddreg [dreg:$0xb];
	[sflag:s9] =	ssyncadd.s32 $0xFFFF8000  }
0xbd: {  	[tilespmem:s4], [sflag:$0x2] =	stream.linear.gather [hbm4b:s30+s4], $0x40, $0x38;
	[tilespmem:$0x14100] =	vst v63  }
0xbe: {  	_ =	swait.ge [sflag:s9], $0x40  }
0xbf: {  	[sflag:s9] =	ssyncset.done $0x0  }
0xc0: {  	s30 =	rddreg [dreg:$0xc];
	[sflag:s9] =	ssyncadd.s32 $0xFFFFFFC0  }
0xc1: {  	[tilespmem:s11], [sflag:$0x2] =	stream.linear.gather [hbm4b:s30+s4], $0x40, $0x38;
	[tilespmem:$0x14100] =	vst v63  }
0xc2: {  	_ =	swait.ge [sflag:s9], $0x40  }
0xc3: {  	[sflag:s9] =	ssyncset.done $0x0  }
0xc4: {  	[sflag:s9] =	ssyncadd.s32 $0xFFFFFFC0  }
0xc5: {  	[tilespmem:s5], [sflag:$0x1] =	stream.indirect.gather [hbm4b:s13+s12], $0x80, s4, s12, $0xb8;
	[tilespmem:$0x14100] =	vst v63  }
0xc6: {  	_ = 	snop  }
0xc7: {  	[tilespmem:s0], [sflag:$0x1] =	stream.indirect.gather [hbm4b:s13+s12], $0x80, s11, s12, $0xb8;
	[tilespmem:$0x14100] =	vst v63  }
0xc8: {  	v3 =	vld [tilespmem:$0x0];
	_ =	sdelay $0x4  }
0xc9: {  	v56 =	vshll.u32 v3, $0x2  }
0xca: {  	v3 =	vand.u32 $0x7, v3;
	v4 =	vand.u32 $0xFFFFFFE0, v56  }
0xcb: {  	v3 =	vor.u32 v3, v4  }
0xcc: {  	v4 =	vperm.xlane v3, v0;
	_ =	sdelay $0x1  }
0xcd: {  	v4 =	vadd.s32 v1, v4;
	_ =	sdelay $0x1  }
0xce: {  	v3 =	vperm.xlane v3, v2;
	_ =	sdelay $0x1  }
0xcf: {  	v3 =	vadd.s32 v1, v3  }
0xd0: {  	[tilespmem:s10], [sflag:$0x1] =	stream.indirect_vreg.gather [hbm4b:s1+s4], $0x80, v4, vm0, $0xb8;
	[tilespmem:$0x14100] =	vst v63  }
0xd1: {  	s30 =	simm.s32 $0x4900  }
0xd2: {  	[tilespmem:s30], [sflag:$0x1] =	stream.indirect_vreg.gather [hbm4b:s6+s4], $0x80, v4, vm0, $0xb8;
	[tilespmem:$0x14100] =	vst v63  }
0xd3: {  	s30 =	simm.s32 $0x5100  }
0xd4: {  	[tilespmem:s30], [sflag:$0x1] =	stream.indirect_vreg.gather [hbm4b:s1+s4], $0x80, v3, vm0, $0xb8;
	[tilespmem:$0x14100] =	vst v63  }
0xd5: {  	_ = 	snop  }
0xd6: {  	[tilespmem:s15], [sflag:$0x1] =	stream.indirect_vreg.gather [hbm4b:s6+s4], $0x80, v3, vm0, $0xb8;
	[tilespmem:$0x14100] =	vst v63  }
0xd7: {  	v3 =	vld [tilespmem:$0x10];
	_ =	sdelay $0x4  }
0xd8: {  	v57 =	vshll.u32 v3, $0x2  }
0xd9: {  	v3 =	vand.u32 $0x7, v3;
	v4 =	vand.u32 $0xFFFFFFE0, v57  }
0xda: {  	v3 =	vor.u32 v3, v4  }
0xdb: {  	v4 =	vperm.xlane v3, v0;
	_ =	sdelay $0x1  }
0xdc: {  	v4 =	vadd.s32 v1, v4;
	_ =	sdelay $0x1  }
0xdd: {  	v3 =	vperm.xlane v3, v2;
	_ =	sdelay $0x1  }
0xde: {  	v3 =	vadd.s32 v1, v3  }
0xdf: {  	[tilespmem:s16], [sflag:$0x1] =	stream.indirect_vreg.gather [hbm4b:s1+s4], $0x80, v4, vm0, $0xb8;
	[tilespmem:$0x14100] =	vst v63  }
0xe0: {  	_ = 	snop  }
0xe1: {  	[tilespmem:s17], [sflag:$0x1] =	stream.indirect_vreg.gather [hbm4b:s6+s4], $0x80, v4, vm0, $0xb8;
	[tilespmem:$0x14100] =	vst v63  }
0xe2: {  	_ = 	snop  }
0xe3: {  	[tilespmem:s18], [sflag:$0x1] =	stream.indirect_vreg.gather [hbm4b:s1+s4], $0x80, v3, vm0, $0xb8;
	[tilespmem:$0x14100] =	vst v63  }
0xe4: {  	_ = 	snop  }
0xe5: {  	[tilespmem:s19], [sflag:$0x1] =	stream.indirect_vreg.gather [hbm4b:s6+s4], $0x80, v3, vm0, $0xb8;
	[tilespmem:$0x14100] =	vst v63  }
0xe6: {  	v3 =	vld [tilespmem:$0x20];
	_ =	sdelay $0x4  }
0xe7: {  	v58 =	vshll.u32 v3, $0x2  }
0xe8: {  	v3 =	vand.u32 $0x7, v3;
	v4 =	vand.u32 $0xFFFFFFE0, v58  }
0xe9: {  	v3 =	vor.u32 v3, v4  }
0xea: {  	v4 =	vperm.xlane v3, v0;
	_ =	sdelay $0x1  }
0xeb: {  	v4 =	vadd.s32 v1, v4;
	_ =	sdelay $0x1  }
0xec: {  	v3 =	vperm.xlane v3, v2;
	_ =	sdelay $0x1  }
0xed: {  	v3 =	vadd.s32 v1, v3  }
0xee: {  	[tilespmem:s20], [sflag:$0x1] =	stream.indirect_vreg.gather [hbm4b:s1+s4], $0x80, v4, vm0, $0xb8;
	[tilespmem:$0x14100] =	vst v63  }
0xef: {  	_ = 	snop  }
0xf0: {  	[tilespmem:s21], [sflag:$0x1] =	stream.indirect_vreg.gather [hbm4b:s6+s4], $0x80, v4, vm0, $0xb8;
	[tilespmem:$0x14100] =	vst v63  }
0xf1: {  	_ = 	snop  }
0xf2: {  	[tilespmem:s22], [sflag:$0x1] =	stream.indirect_vreg.gather [hbm4b:s1+s4], $0x80, v3, vm0, $0xb8;
	[tilespmem:$0x14100] =	vst v63  }
0xf3: {  	_ = 	snop  }
0xf4: {  	[tilespmem:s23], [sflag:$0x1] =	stream.indirect_vreg.gather [hbm4b:s6+s4], $0x80, v3, vm0, $0xb8;
	[tilespmem:$0x14100] =	vst v63  }
0xf5: {  	v3 =	vld [tilespmem:$0x30];
	_ =	sdelay $0x4  }
0xf6: {  	v59 =	vshll.u32 v3, $0x2  }
0xf7: {  	v3 =	vand.u32 $0x7, v3;
	v4 =	vand.u32 $0xFFFFFFE0, v59  }
0xf8: {  	v3 =	vor.u32 v3, v4  }
0xf9: {  	v4 =	vperm.xlane v3, v0;
	_ =	sdelay $0x1  }
0xfa: {  	v4 =	vadd.s32 v1, v4;
	_ =	sdelay $0x1  }
0xfb: {  	v3 =	vperm.xlane v3, v2;
	_ =	sdelay $0x1  }
0xfc: {  	v3 =	vadd.s32 v1, v3  }
0xfd: {  	[tilespmem:s24], [sflag:$0x1] =	stream.indirect_vreg.gather [hbm4b:s1+s4], $0x80, v4, vm0, $0xb8;
	[tilespmem:$0x14100] =	vst v63  }
0xfe: {  	_ = 	snop  }
0xff: {  	[tilespmem:s25], [sflag:$0x1] =	stream.indirect_vreg.gather [hbm4b:s6+s4], $0x80, v4, vm0, $0xb8;
	[tilespmem:$0x14100] =	vst v63  }
0x100: {  	_ = 	snop  }
0x101: {  	[tilespmem:s26], [sflag:$0x1] =	stream.indirect_vreg.gather [hbm4b:s1+s4], $0x80, v3, vm0, $0xb8;
	[tilespmem:$0x14100] =	vst v63  }
0x102: {  	_ = 	snop  }
0x103: {  	[tilespmem:s28], [sflag:$0x1] =	stream.indirect_vreg.gather [hbm4b:s6+s4], $0x80, v3, vm0, $0xb8;
	[tilespmem:$0x14100] =	vst v63  }
0x104: {  	v3 =	vld [tilespmem:$0x80];
	_ =	sdelay $0x4  }
0x105: {  	v60 =	vshll.u32 v3, $0x2  }
0x106: {  	v3 =	vand.u32 $0x7, v3;
	v4 =	vand.u32 $0xFFFFFFE0, v60  }
0x107: {  	v3 =	vor.u32 v3, v4  }
0x108: {  	v4 =	vperm.xlane v3, v0;
	_ =	sdelay $0x1  }
0x109: {  	v4 =	vadd.s32 v1, v4;
	_ =	sdelay $0x1  }
0x10a: {  	v3 =	vperm.xlane v3, v2;
	_ =	sdelay $0x1  }
0x10b: {  	v3 =	vadd.s32 v1, v3  }
0x10c: {  	[tilespmem:s2], [sflag:$0x1] =	stream.indirect_vreg.gather [hbm4b:s3+s4], $0x80, v4, vm0, $0xb8;
	[tilespmem:$0x14100] =	vst v63  }
0x10d: {  	s30 =	simm.s32 $0xC900  }
0x10e: {  	[tilespmem:s30], [sflag:$0x1] =	stream.indirect_vreg.gather [hbm4b:s7+s4], $0x80, v4, vm0, $0xb8;
	[tilespmem:$0x14100] =	vst v63  }
0x10f: {  	_ = 	snop  }
0x110: {  	[tilespmem:s14], [sflag:$0x1] =	stream.indirect_vreg.gather [hbm4b:s3+s4], $0x80, v3, vm0, $0xb8;
	[tilespmem:$0x14100] =	vst v63  }
0x111: {  	_ = 	snop  }
0x112: {  	[tilespmem:s31], [sflag:$0x1] =	stream.indirect_vreg.gather [hbm4b:s7+s4], $0x80, v3, vm0, $0xb8;
	[tilespmem:$0x14100] =	vst v63  }
0x113: {  	v3 =	vld [tilespmem:$0x90];
	_ =	sdelay $0x4  }
0x114: {  	v61 =	vshll.u32 v3, $0x2  }
0x115: {  	v3 =	vand.u32 $0x7, v3;
	v4 =	vand.u32 $0xFFFFFFE0, v61  }
0x116: {  	v3 =	vor.u32 v3, v4  }
0x117: {  	v4 =	vperm.xlane v3, v0;
	_ =	sdelay $0x1  }
0x118: {  	v4 =	vadd.s32 v1, v4;
	_ =	sdelay $0x1  }
0x119: {  	v3 =	vperm.xlane v3, v2;
	_ =	sdelay $0x1  }
0x11a: {  	s30 =	simm.s32 $0xE100;
	v3 =	vadd.s32 v1, v3  }
0x11b: {  	[tilespmem:s30], [sflag:$0x1] =	stream.indirect_vreg.gather [hbm4b:s3+s4], $0x80, v4, vm0, $0xb8;
	[tilespmem:$0x14100] =	vst v63  }
0x11c: {  	s30 =	simm.s32 $0xE900  }
0x11d: {  	[tilespmem:s30], [sflag:$0x1] =	stream.indirect_vreg.gather [hbm4b:s7+s4], $0x80, v4, vm0, $0xb8;
	[tilespmem:$0x14100] =	vst v63  }
0x11e: {  	s30 =	simm.s32 $0xF100  }
0x11f: {  	[tilespmem:s30], [sflag:$0x1] =	stream.indirect_vreg.gather [hbm4b:s3+s4], $0x80, v3, vm0, $0xb8;
	[tilespmem:$0x14100] =	vst v63  }
0x120: {  	s30 =	simm.s32 $0xF900  }
0x121: {  	[tilespmem:s30], [sflag:$0x1] =	stream.indirect_vreg.gather [hbm4b:s7+s4], $0x80, v3, vm0, $0xb8;
	[tilespmem:$0x14100] =	vst v63  }
0x122: {  	v3 =	vld [tilespmem:$0xA0];
	_ =	sdelay $0x4  }
0x123: {  	v62 =	vshll.u32 v3, $0x2  }
0x124: {  	v3 =	vand.u32 $0x7, v3;
	v4 =	vand.u32 $0xFFFFFFE0, v62  }
0x125: {  	v3 =	vor.u32 v3, v4  }
0x126: {  	v4 =	vperm.xlane v3, v0;
	_ =	sdelay $0x1  }
0x127: {  	v4 =	vadd.s32 v1, v4;
	_ =	sdelay $0x1  }
0x128: {  	v3 =	vperm.xlane v3, v2;
	_ =	sdelay $0x1  }
0x129: {  	s30 =	simm.s32 $0x10100;
	v3 =	vadd.s32 v1, v3  }
0x12a: {  	[tilespmem:s30], [sflag:$0x1] =	stream.indirect_vreg.gather [hbm4b:s3+s4], $0x80, v4, vm0, $0xb8;
	[tilespmem:$0x14100] =	vst v63  }
0x12b: {  	s30 =	simm.s32 $0x10900  }
0x12c: {  	[tilespmem:s30], [sflag:$0x1] =	stream.indirect_vreg.gather [hbm4b:s7+s4], $0x80, v4, vm0, $0xb8;
	[tilespmem:$0x14100] =	vst v63  }
0x12d: {  	s30 =	simm.s32 $0x11100  }
0x12e: {  	[tilespmem:s30], [sflag:$0x1] =	stream.indirect_vreg.gather [hbm4b:s3+s4], $0x80, v3, vm0, $0xb8;
	[tilespmem:$0x14100] =	vst v63  }
0x12f: {  	s30 =	simm.s32 $0x11900  }
0x130: {  	[tilespmem:s30], [sflag:$0x1] =	stream.indirect_vreg.gather [hbm4b:s7+s4], $0x80, v3, vm0, $0xb8;
	[tilespmem:$0x14100] =	vst v63  }
0x131: {  	v3 =	vld [tilespmem:$0xB0];
	_ =	sdelay $0x4  }
0x132: {  	v63 =	vshll.u32 v3, $0x2  }
0x133: {  	v3 =	vand.u32 $0x7, v3;
	v4 =	vand.u32 $0xFFFFFFE0, v63  }
0x134: {  	v3 =	vor.u32 v3, v4  }
0x135: {  	v4 =	vperm.xlane v3, v0;
	_ =	sdelay $0x1  }
0x136: {  	v4 =	vadd.s32 v1, v4;
	_ =	sdelay $0x1  }
0x137: {  	v3 =	vperm.xlane v3, v2;
	_ =	sdelay $0x1  }
0x138: {  	s30 =	simm.s32 $0x12100;
	v3 =	vadd.s32 v1, v3  }
0x139: {  	[tilespmem:s30], [sflag:$0x1] =	stream.indirect_vreg.gather [hbm4b:s3+s4], $0x80, v4, vm0, $0xb8;
	[tilespmem:$0x14100] =	vst v63  }
0x13a: {  	s30 =	simm.s32 $0x12900  }
0x13b: {  	[tilespmem:s30], [sflag:$0x1] =	stream.indirect_vreg.gather [hbm4b:s7+s4], $0x80, v4, vm0, $0xb8;
	[tilespmem:$0x14100] =	vst v63  }
0x13c: {  	s30 =	simm.s32 $0x13100  }
0x13d: {  	[tilespmem:s30], [sflag:$0x1] =	stream.indirect_vreg.gather [hbm4b:s3+s4], $0x80, v3, vm0, $0xb8;
	[tilespmem:$0x14100] =	vst v63  }
0x13e: {  	s30 =	simm.s32 $0x13900  }
0x13f: {  	[tilespmem:s30], [sflag:$0x1] =	stream.indirect_vreg.gather [hbm4b:s7+s4], $0x80, v3, vm0, $0xb8;
	[tilespmem:$0x14100] =	vst v63  }
0x140: {  	_ =	swait.ge [sflag:s29], $0x2000  }
0x141: {  	[sflag:s29] =	ssyncset.done $0x0  }
0x142: {  	[sflag:s29] =	ssyncadd.s32 $0xFFFFE000  }
0x143: {  	_ =	swait.ge [sflag:s29], $0x2000  }
0x144: {  	[sflag:s29] =	ssyncset.done $0x0  }
0x145: {  	[sflag:s29] =	ssyncadd.s32 $0xFFFFE000  }
0x146: {  	_ =	swait.ge [sflag:s29], $0x8000  }
0x147: {  	[sflag:s29] =	ssyncset.done $0x0  }
0x148: {  	[sflag:s29] =	ssyncadd.s32 $0xFFFF8000  }
0x149: {  	_ =	swait.ge [sflag:s29], $0x8000  }
0x14a: {  	[sflag:s29] =	ssyncset.done $0x0  }
0x14b: {  	s5 =	simm.s32 $0x100;
	s30 =	rddreg [dreg:$0xd];
	[sflag:s29] =	ssyncadd.s32 $0xFFFF8000  }
0x14c: {  	[hbm4b:s30+s4] =	stream.linear.scatter [tilespmem:s5], [sflag:$0x2], $0x2000, $0x38;
	[tilespmem:$0x14100] =	vst v63  }
0x14d: {  	_ =	swait.ge [sflag:s9], $0x2000  }
0x14e: {  	[sflag:s9] =	ssyncset.done $0x0  }
0x14f: {  	s11 =	simm.s32 $0x2100;
	s5 =	rddreg [dreg:$0xe];
	[sflag:s9] =	ssyncadd.s32 $0xFFFFE000  }
0x150: {  	[hbm4b:s5+s4] =	stream.linear.scatter [tilespmem:s11], [sflag:$0x2], $0x2000, $0x38;
	[tilespmem:$0x14100] =	vst v63  }
0x151: {  	_ =	swait.ge [sflag:s9], $0x2000  }
0x152: {  	[sflag:s9] =	ssyncset.done $0x0  }
0x153: {  	s0 =	simm.s32 $0x4100;
	s5 =	rddreg [dreg:$0xf];
	[sflag:s9] =	ssyncadd.s32 $0xFFFFE000  }
0x154: {  	[hbm4b:s5+s4] =	stream.linear.scatter [tilespmem:s0], [sflag:$0x2], $0x8000, $0x38;
	[tilespmem:$0x14100] =	vst v63  }
0x155: {  	_ =	swait.ge [sflag:s9], $0x8000  }
0x156: {  	p0 =	sne.s32 s8, $0x1;
	[sflag:s9] =	ssyncset.done $0x0  }
.Ltmp0:
0x157: {  	s11 =	rddreg [dreg:$0x10];
	[sflag:s9] =	ssyncadd.s32 $0xFFFF8000;
	(pc) =	sbr.rel @p0 .LBB2_1-.Ltmp0, $4  }
0x158: {  	[hbm4b:s11+s4] =	stream.linear.scatter [tilespmem:s2], [sflag:$0x2], $0x8000, $0x38;
	[tilespmem:$0x14100] =	vst v63  }
0x159: {  	_ =	swait.ge [sflag:s9], $0x8000  }
0x15a: {  	[sflag:s9] =	ssyncset.done $0x0  }
0x15b: {  	s8 =	sadd.s32 $0xFFFFFFFF, s8;
	[sflag:s9] =	ssyncadd.s32 $0xFFFF8000  }
0x15c: {  	_ =	sfence.sel $0x180000  }
0x15d: {  	[bflag:$0x0] =	sbarrier.arrive $0xFFFF  }
0x15e: {  	_ =	strace $0x90000047  }
0x15f: {  	s0 =	stileid.u32;
	[bflag:$0x2] =	sbarrier.arrive $0xFFFF  }
0x160: {  	p0 =	sne.s32 s0, $0x0;
	s0 =	rddreg [dreg:$0x4]  }
0x161: {  	s0 =	sadd.s32 @!p0 $0x100000, s0  }
0x162: {  	[sflag:s0] =	ssyncadd.tile.s32 @!p0 $0x1;
	_ =	shalt  }
.Lfunc_end2:
_tile_overlayer_lowered:
.L_overlay_start_2:
0x163: {  	(tag) =	ssettag $0x2  }
0x164: {  	s0 =	rddreg [dreg:$0x0];
	s2 =	stileid.u32  }
0x165: {  	s1 =	rddreg [dreg:$0x1];
	p0 =	sne.s32 s2, $0x0  }
0x166: {  	s3 =	rddreg [dreg:$0x2];
	[bflag:$0x3] =	sbarrier.arrive $0xFFFF;
	s2 =	simm.s32 @!p0 $0x1C02  }
0x167: {  	[timem:s3], [sflag:s2] =	dma.local @!p0 [hbm:s0], s1  }
0x168: {  	s0 =	simm.s32 @!p0 $0x2  }
0x169: {  	_ =	swait.ge @!p0 [sflag:s0], s1  }
0x16a: {  	s1 =	ssub.s32 @!p0 $0x0, s1;
	[sflag:s0] =	ssyncset.done @!p0 $0x0  }
0x16b: {  	[sflag:s0] =	ssyncadd.s32 @!p0 s1  }
0x16c: {  	[bflag:$0x3] =	sbarrier.arrive $0xFFFF  }
0x16d: {  	_ =	shalt  }

// kernel: kernel.13.cloned.1.call-start
scs
__scs_entry_jumppad:
0x0: {  	(pc) =	sbr.rel $0x88, $3  }
0x1: {  	(tag) =	ssettag $0x0;
	lr =	simm.s32 $0x1  }
0x2: {  	[smem:$0x3F90] =	sst lr;
	_ =	strace $0xD0000000  }
0x3: {  	_ = 	snop  }
0x4: {  	_ = 	snop  }
0x5: {  	_ = 	snop  }
0x6: {  	_ = 	snop  }
0x7: {  	_ = 	snop  }
__scs_overlays_trampoline_lowered:
0x8: {  	[smem:$0x3F9F] =	sst s0  }
0x9: {  	[smem:$0x3FA0] =	sst s1  }
0xa: {  	[smem:$0x3FA1] =	sst s2  }
0xb: {  	[smem:$0x3FA2] =	sst s3  }
0xc: {  	[smem:$0x3FA3] =	sst s4  }
0xd: {  	[smem:$0x3FA4] =	sst s5  }
0xe: {  	[smem:$0x3FA5] =	sst s6  }
0xf: {  	[smem:$0x3FA6] =	sst s7  }
0x10: {  	[smem:$0x3FA7] =	sst s8  }
0x11: {  	[smem:$0x3FA8] =	sst s9;
	s0 =	simm.s32 @!p0 $0x0  }
0x12: {  	s1 =	sld [smem:$0x3F8E];
	s0 =	simm.s32 @p0 $0x1  }
0x13: {  	[smem:$0x3FA9] =	sst s0;
	s0 =	simm.s32 @!p1 $0x0  }
0x14: {  	s2 =	sld [smem:$0x3F8D];
	s0 =	simm.s32 @p1 $0x1  }
0x15: {  	[smem:$0x3FAA] =	sst s0;
	s0 =	simm.s32 @!p2 $0x0  }
0x16: {  	s3 =	sld [smem:$0x3FDB];
	s0 =	simm.s32 @p2 $0x1  }
0x17: {  	s4 =	simm.s32 $0x1BF5;
	[smem:$0x3FAC] =	sst s0  }
0x18: {  	s0 =	sld [smem:$0x3F8F];
	_ =	swait.ge [sflag:s4], $0x0  }
0x19: {  	s7 =	sld [smem:$0x3F90]  }
0x1a: {  	s8 =	sadd.s32 $0xFFFFE003, lr  }
0x1b: {  	s9 =	sadd.s32 $0xFFFFFEF7, lr;
	s5 =	simm.s32 $0xFFFFFFFF;
	p2 =	slt.u32 s8, $0xFFFFF086  }
0x1c: {  	p1 =	slt.u32 s9, $0xF7A;
	s5 =	simm.s32 @!p2 $0x0  }
0x1d: {  	s5 =	simm.s32 @p1 $0x1;
	p0 =	seq.s32 s7, s2  }
0x1e: {  	s7 =	smul.u32 @!p0 $0xF7A, s2;
	p2 =	seq.s32 @!p0 s5, $0x0  }
0x1f: {  	s9 =	smul.u32 $0xF7A, s1;
	s8 =	simm.s32 @!p0 $0x1BF5;
	p2 =	por !p2, p0  }
0x20: {  	[sflag:s8] =	ssyncset.s32 @!p0 $0xFFFFF086;
	s6 =	sadd.s32 @!p0 s3, s7;
	s7 =	simm.s32 @!p0 $0x108  }
0x21: {  	s3 =	sadd.s32 s3, s9;
	s6 =	sadd.s32 @!p0 $0x88, s6;
	s7 =	simm.s32 @p2 $0x1082  }
0x22: {  	[simem:s7], [sflag:s8] =	dma.local @!p0 [hbm:s6], $0xF7A  }
0x23: {  	s9 =	sor.u32 $0xD0000000, s2;
	s6 =	simm.s32 $0x108;
	_ =	swait.ge @!p0 [sflag:s8], $0x0  }
0x24: {  	s3 =	sadd.s32 $0x88, s3;
	s6 =	simm.s32 @!p1 $0x1082;
	[sflag:s4] =	ssyncset.s32 $0xFFFFF086  }
0x25: {  	[simem:s6], [sflag:s4] =	dma.local [hbm:s3], $0xF7A  }
0x26: {  	[smem:$0x3F90] =	sst s1;
	(tag) =	ssettag s2;
	_ =	strace s9  }
0x27: {  	s1 =	sld [smem:$0x3FA0]  }
0x28: {  	s2 =	sld [smem:$0x3FA1]  }
0x29: {  	s4 =	sld [smem:$0x3FA3]  }
0x2a: {  	p0 =	seq.s32 s5, $0x0;
	s5 =	sld [smem:$0x3FA4]  }
0x2b: {  	s6 =	sld [smem:$0x3FA5]  }
0x2c: {  	s7 =	sld [smem:$0x3FA6]  }
0x2d: {  	s3 =	simm.s32 $0x108;
	s8 =	sld [smem:$0x3FA7]  }
0x2e: {  	s3 =	simm.s32 @!p0 $0x1082;
	s9 =	sld [smem:$0x3FA8]  }
0x2f: {  	lr =	sadd.s32 s0, s3;
	s0 =	sld [smem:$0x3F9F]  }
0x30: {  	s3 =	sld [smem:$0x3FA2]  }
0x31: {  	[smem:$0x3FAB] =	sst s10  }
0x32: {  	s10 =	sld [smem:$0x3FA9];
	_ =	sdelay $0x3  }
0x33: {  	p0 =	seq.s32 s10, $0x1;
	s10 =	sld [smem:$0x3FAB];
	_ =	sdelay $0x3  }
0x34: {  	[smem:$0x3FAB] =	sst s10  }
0x35: {  	s10 =	sld [smem:$0x3FAA];
	_ =	sdelay $0x3  }
0x36: {  	p1 =	seq.s32 s10, $0x1;
	s10 =	sld [smem:$0x3FAB];
	_ =	sdelay $0x3  }
0x37: {  	[smem:$0x3FAB] =	sst s10  }
0x38: {  	s10 =	sld [smem:$0x3FAC]  }
0x39: {  	_ = 	snop;
	(pc) =	sbr.ind lr, $3  }
0x3a: {  	_ = 	snop  }
0x3b: {  	_ = 	snop  }
0x3c: {  	p2 =	seq.s32 s10, $0x1;
	s10 =	sld [smem:$0x3FAB]  }
0x3d: {  	_ =	shalt  }
0x3e: {  	_ =	shalt  }
0x3f: {  	_ =	shalt  }
0x40: {  	_ =	shalt  }
0x41: {  	_ =	shalt  }
0x42: {  	_ =	shalt  }
0x43: {  	_ =	shalt  }
0x44: {  	_ =	shalt  }
0x45: {  	_ =	shalt  }
0x46: {  	_ =	shalt  }
0x47: {  	_ =	shalt  }
0x48: {  	_ =	shalt  }
0x49: {  	_ =	shalt  }
0x4a: {  	_ =	shalt  }
0x4b: {  	_ =	shalt  }
0x4c: {  	_ =	shalt  }
0x4d: {  	_ =	shalt  }
0x4e: {  	_ =	shalt  }
0x4f: {  	_ =	shalt  }
0x50: {  	_ =	shalt  }
0x51: {  	_ =	shalt  }
0x52: {  	_ =	shalt  }
0x53: {  	_ =	shalt  }
0x54: {  	_ =	shalt  }
0x55: {  	_ =	shalt  }
0x56: {  	_ =	shalt  }
0x57: {  	_ =	shalt  }
0x58: {  	_ =	shalt  }
0x59: {  	_ =	shalt  }
0x5a: {  	_ =	shalt  }
0x5b: {  	_ =	shalt  }
0x5c: {  	_ =	shalt  }
0x5d: {  	_ =	shalt  }
0x5e: {  	_ =	shalt  }
0x5f: {  	_ =	shalt  }
0x60: {  	_ =	shalt  }
0x61: {  	_ =	shalt  }
0x62: {  	_ =	shalt  }
0x63: {  	_ =	shalt  }
0x64: {  	_ =	shalt  }
0x65: {  	_ =	shalt  }
0x66: {  	_ =	shalt  }
0x67: {  	_ =	shalt  }
0x68: {  	_ =	shalt  }
0x69: {  	_ =	shalt  }
0x6a: {  	_ =	shalt  }
0x6b: {  	_ =	shalt  }
0x6c: {  	_ =	shalt  }
0x6d: {  	_ =	shalt  }
0x6e: {  	_ =	shalt  }
0x6f: {  	_ =	shalt  }
0x70: {  	_ =	shalt  }
0x71: {  	_ =	shalt  }
0x72: {  	_ =	shalt  }
0x73: {  	_ =	shalt  }
0x74: {  	_ =	shalt  }
0x75: {  	_ =	shalt  }
0x76: {  	_ =	shalt  }
0x77: {  	_ =	shalt  }
0x78: {  	_ =	shalt  }
0x79: {  	_ =	shalt  }
0x7a: {  	_ =	shalt  }
0x7b: {  	_ =	shalt  }
0x7c: {  	_ =	shalt  }
0x7d: {  	_ =	shalt  }
0x7e: {  	_ =	shalt  }
0x7f: {  	_ =	shalt  }
0x80: {  	_ =	shalt  }
0x81: {  	_ =	shalt  }
0x82: {  	_ =	shalt  }
0x83: {  	_ =	shalt  }
0x84: {  	_ =	shalt  }
0x85: {  	_ =	shalt  }
0x86: {  	_ =	shalt  }
0x87: {  	_ =	shalt  }
.Lfunc_end0:
.L_simem_size_0:
called_computation.1_lowered:
.L_overlay_start_0:
0x88: {  	s2 =	sld [smem:$0x3FD9]  }
0x89: {  	s3 =	sld [smem:$0x3FFE];
	_ =	sdelay $0x1  }
0x8a: {  	s1 =	srdreg.scid  }
0x8b: {  	s0 =	sand.u32 $0x1, s1  }
0x8c: {  	s17 =	sshll.u32 s0, $0xA;
	s2 =	sadd.s32 s3, s2  }
0x8d: {  	s2 =	sadd.s32 s2, s17  }
0x8e: {  	[smem:$0x3FB7] =	sst s2  }
0x8f: {  	_ = 	snop  }
0x90: {  	s18 =	sld [smem:$0x3FC4]  }
0x91: {  	s4 =	sld [smem:$0x3FC3];
	(tm) =	ssettm $0x1  }
0x92: {  	s19 =	sld [smem:$0x3FFB];
	_ =	sdelay $0x3  }
0x93: {  	_ =	strace s19  }
0x94: {  	s2 =	sld [smem:$0x3FFC];
	_ =	sdelay $0x3  }
0x95: {  	_ =	strace s2  }
0x96: {  	s2 =	sld [smem:$0x3FFD];
	_ =	sdelay $0x3  }
0x97: {  	_ =	strace s2  }
0x98: {  	_ =	strace $0x8FFFFFFF  }
0x99: {  	s20 =	sld [smem:$0x3FDB];
	_ =	sdelay $0x1  }
0x9a: {  	s5 =	simm.s32 $_scs_section_size  }
0x9b: {  	s6 =	simm.s32 $_size__tile_overlayer_lowered;
	s7 =	simm.s32 $_tile_overlayer_lowered  }
0x9c: {  	s8 =	simm.s32 $0x1BFF;
	s21 =	sshll.u32 s7, $0x1;
	s5 =	sadd.s32 s5, s20  }
0x9d: {  	s22 =	simm.s32 $0x0;
	s6 =	sshll.u32 s6, $0x1;
	s7 =	sadd.s32 s21, s5  }
0x9e: {  	[timem:s22], [sflag:s8] =	dma.local [hbm:s7], s6  }
0x9f: {  	_ =	swait.ge [sflag:s8], s6  }
0xa0: {  	s6 =	ssub.s32 $0x0, s6;
	[sflag:s8] =	ssyncset.done $0x0  }
0xa1: {  	[sflag:s8] =	ssyncadd.s32 s6;
	_ =	sdelay $0x1  }
0xa2: {  	s23 =	simm.s32 $0x1B8B  }
0xa3: {  	_ =	swait.ge [sflag:s23], $0x1  }
0xa4: {  	[sflag:s23] =	ssyncset.done $0x0  }
0xa5: {  	[sflag:s23] =	ssyncadd.s32 $0xFFFFFFFF  }
0xa6: {  	s6 =	sld [smem:$0x0]  }
0xa7: {  	s7 =	sand.u32 $0xFFFFFFFE, s1  }
0xa8: {  	p0 =	sne.s32 s1, s7  }
0xa9: {  	s7 =	sshll.u32 @p0 s7, $0xE  }
0xaa: {  	s7 =	sadd.s32 @p0 $0x11B8D, s7;
	s8 =	sshll.u32 @p0 s6, $0x11  }
0xab: {  	s7 =	sor.u32 @p0 s8, s7  }
0xac: {  	[sflag:s7] =	ssyncadd.remote.s32 @p0 $0x1;
	_ =	sdelay $0x1  }
0xad: {  	s7 =	simm.s32 @p0 $0x1B8D  }
0xae: {  	_ =	swait.eq @p0 [sflag:s7], $0x1  }
0xaf: {  	[sflag:s7] =	ssyncadd.s32 @p0 $0xFFFFFFFF  }
0xb0: {  	s8 =	sshll.u32 @!p0 s1, $0xE  }
0xb1: {  	s8 =	sor.u32 @!p0 $0x4000, s8;
	s7 =	simm.s32 @!p0 $0x1B8D  }
0xb2: {  	s6 =	sshll.u32 @!p0 s6, $0x11;
	s8 =	sadd.s32 @!p0 $0x11B8D, s8;
	_ =	swait.eq @!p0 [sflag:s7], $0x1  }
0xb3: {  	s6 =	sor.u32 @!p0 s6, s8;
	[sflag:s7] =	ssyncadd.s32 @!p0 $0xFFFFFFFF  }
0xb4: {  	s25 =	simm.s32 $0x1B8E;
	s24 =	sld [smem:$0x3FFE];
	[sflag:s6] =	ssyncadd.remote.s32 @!p0 $0x1  }
0xb5: {  	s26 =	simm.s32 $execute0_lowered;
	[smem:$0x3FD2] =	sst s25  }
0xb6: {  	s7 =	sshll.u32 s26, $0x1;
	_ =	strace $0x80000049;
	[dreg:$0x1] =	wrdreg $0xFFFFFFFF  }
0xb7: {  	s28 =	simm.s32 $_size_execute0_lowered;
	s5 =	sadd.s32 s5, s7;
	[dreg:$0x0] =	wrdreg $0x0  }
0xb8: {  	s7 =	sshll.u32 s28, $0x1;
	[dreg:$0x2] =	wrdreg s5  }
0xb9: {  	[dreg:$0x3] =	wrdreg s7  }
0xba: {  	[dreg:$0x4] =	wrdreg $0xC0  }
0xbb: {  	_ =	task [dreg:s22], $0x5FFFF  }
0xbc: {  	[dreg:$0x1] =	wrdreg $0xFFFFFFFF  }
0xbd: {  	[dreg:$0x0] =	wrdreg $0x60  }
0xbe: {  	[dreg:$0x2] =	wrdreg s24  }
0xbf: {  	[dreg:$0x3] =	wrdreg s18  }
0xc0: {  	[dreg:$0x4] =	wrdreg s4  }
0xc1: {  	[dreg:$0x5] =	wrdreg $0xA  }
0xc2: {  	_ =	task.clear_ibuf [dreg:s22], $0x6FFFF;
	_ =	strace $0x90000049  }
0xc3: {  	s29 =	simm.s32 $0xA;
	_ =	strace $0x8000004B  }
0xc4: {  	_ =	swait.ge [sflag:s29], $0x1  }
0xc5: {  	[sflag:s29] =	ssyncadd.s32 $0xFFFFFFFF  }
0xc6: {  	_ =	strace $0x9000004B  }
0xc7: {  	_ =	sfence  }
0xc8: {  	s30 =	sld [smem:$0x0];
	_ =	sdelay $0x2  }
0xc9: {  	s31 =	sshll.u32 s1, $0xD;
	s1 =	sshrl.u32 s1, $0x2  }
0xca: {  	s4 =	sand.u32 $0x4000, s31;
	s1 =	sadd.s32 s1, s30  }
0xcb: {  	s0 =	sor.u32 s4, s0;
	s1 =	sshll.u32 s1, $0x11  }
0xcc: {  	s0 =	sor.u32 s1, s0  }
0xcd: {  	s0 =	sadd.s32 $0x8F2B, s0  }
0xce: {  	[sflag:s0] =	ssyncadd.remote.s32 $0x1  }
0xcf: {  	_ =	sfence.sel $0xFFFF  }
0xd0: {  	[dreg:$0x0] =	wrdreg $0xFFFFFFFF;
	(pc) =	sbr.abs _section_cstart, $3  }
0xd1: {  	[dreg:$0x1] =	wrdreg $0xFFFFFFFF  }
0xd2: {  	_ =	task.clear_ibuf [dreg:s22], $0x2FFFF;
	_ =	strace $0x9FFFFFFF  }
0xd3: {  	(tm) =	ssettm $0x7FFFFFFF  }
tec
execute0_lowered:
.L_overlay_start_1:
0x0: {  	(tag) =	ssettag $0x1  }
0x1: {  	s0 =	rddreg [dreg:$0x0]  }
0x2: {  	s1 =	rddreg [dreg:$0x1]  }
0x3: {  	s3 =	rddreg [dreg:$0x2];
	s2 =	srdreg.scid  }
0x4: {  	s4 =	simm.s32 $0x0;
	s5 =	stileid.u32;
	s29 =	simm.s32 $0x1  }
0x5: {  	s28 =	simm.s32 $0xB900;
	s31 =	simm.s32 $0xD900;
	s2 =	sand.u32 $0x1, s2  }
0x6: {  	[smem:$0x7FF] =	sst s4;
	s5 =	sshll.u32 s5, $0x8;
	s7 =	sadd.s32 $0x313200, s0  }
0x7: {  	s25 =	sadd.s32 $0x313000, s0;
	s8 =	sadd.s32 $0xE5A00, s0;
	s15 =	sadd.s32 $0xF5A00, s0  }
0x8: {  	s11 =	sadd.s32 $0xA5A00, s0;
	s10 =	sadd.s32 $0x105A00, s0;
	s6 =	sshll.u32 s2, $0x7  }
0x9: {  	_ =	strace $0x8000004A;
	s2 =	ssub.s32 $0x2, s2;
	s5 =	sor.u32 s6, s5  }
0xa: {  	s6 =	sadd.s32 $0x100, s1;
	s9 =	sshrl.u32 s5, $0x3;
	s26 =	sshll.u32 s5, $0x4  }
0xb: {  	s13 =	sshll.u32 s5, $0x6;
	s14 =	sor.u32 $0x40, s5;
	s12 =	sadd.s32 s7, s9  }
0xc: {  	s9 =	sadd.s32 s25, s9;
	s30 =	sadd.s32 s8, s26;
	[dreg:$0x4] =	wrdreg s12  }
0xd: {  	s16 =	sadd.s32 s11, s13;
	s17 =	sadd.s32 s10, s13;
	[dreg:$0x5] =	wrdreg s9  }
0xe: {  	s18 =	sshrl.u32 s14, $0x3;
	s13 =	sadd.s32 $0x313C00, s0;
	[dreg:$0x6] =	wrdreg s30  }
0xf: {  	s21 =	sshll.u32 s14, $0x4;
	s24 =	sshll.u32 s14, $0x6;
	[dreg:$0x8] =	wrdreg s16  }
0x10: {  	s14 =	simm.s32 $0xD100;
	s12 =	sadd.s32 s15, s26;
	[dreg:$0x9] =	wrdreg s17  }
0x11: {  	s19 =	sadd.s32 s7, s18;
	s20 =	sadd.s32 s25, s18;
	s22 =	sadd.s32 s8, s21  }
0x12: {  	s23 =	sadd.s32 s15, s21;
	s25 =	sshrl.u32 s2, $0x1;
	[dreg:$0x7] =	wrdreg s12  }
0x13: {  	s26 =	sadd.s32 s11, s24;
	s30 =	sadd.s32 s10, s24;
	[dreg:$0xa] =	wrdreg s19  }
0x14: {  	s7 =	sadd.s32 $0x100, s3;
	s9 =	simm.s32 $0x2;
	[dreg:$0xb] =	wrdreg s20  }
0x15: {  	s15 =	simm.s32 $0x5900;
	s16 =	simm.s32 $0x6100;
	[dreg:$0xc] =	wrdreg s22  }
0x16: {  	s17 =	simm.s32 $0x6900;
	s18 =	simm.s32 $0x7100;
	[dreg:$0xd] =	wrdreg s23  }
0x17: {  	s21 =	simm.s32 $0x8900;
	s24 =	simm.s32 $0xA100;
	[dreg:$0xe] =	wrdreg s26  }
0x18: {  	s10 =	simm.s32 $0x4100;
	s2 =	ssub.s32 s2, s25;
	[dreg:$0xf] =	wrdreg s30  }
0x19: {  	v2 =	vlaneseq.u32;
	s12 =	simm.s32 $0x40;
	s19 =	simm.s32 $0x7900;
	s20 =	simm.s32 $0x8100  }
0x1a: {  	vm0 =	vmmov $0xffff;
	v1 =	vshrl.u32 v2, $0x3;
	s22 =	simm.s32 $0x9100;
	s23 =	simm.s32 $0x9900;
	s25 =	simm.s32 $0xA900  }
0x1b: {  	v0 =	vand.u32 $0x7, v2;
	v2 =	vor.u32 $0x8, v2;
	v1 =	vmul.u32 $0x8, v1;
	s26 =	simm.s32 $0xB100;
	s8 =	smax.u32 s2, $0x1;
	s2 =	simm.s32 $0xC100  }
.LBB2_1:
0x1c: {  	s30 =	rddreg [dreg:$0x4]  }
0x1d: {  	[tilespmem:s4], [sflag:$0x2] =	stream.linear.gather [hbm4b:s30+s4], $0x40, $0x38;
	[tilespmem:$0x14100] =	vst v63  }
0x1e: {  	_ =	swait.ge [sflag:s9], $0x40  }
0x1f: {  	[sflag:s9] =	ssyncset.done $0x0  }
0x20: {  	s11 =	simm.s32 $0x80;
	s5 =	rddreg [dreg:$0x5];
	[sflag:s9] =	ssyncadd.s32 $0xFFFFFFC0  }
0x21: {  	[tilespmem:s11], [sflag:$0x2] =	stream.linear.gather [hbm4b:s5+s4], $0x40, $0x38;
	[tilespmem:$0x14100] =	vst v63  }
0x22: {  	_ =	swait.ge [sflag:s9], $0x40  }
0x23: {  	[sflag:s9] =	ssyncset.done $0x0  }
0x24: {  	s0 =	simm.s32 $0x100;
	[sflag:s9] =	ssyncadd.s32 $0xFFFFFFC0  }
0x25: {  	[tilespmem:s0], [sflag:$0x1] =	stream.indirect.gather [hbm4b:s13+s12], $0x80, s4, s12, $0xb8;
	[tilespmem:$0x14100] =	vst v63  }
0x26: {  	s30 =	simm.s32 $0x2100  }
0x27: {  	[tilespmem:s30], [sflag:$0x1] =	stream.indirect.gather [hbm4b:s13+s12], $0x80, s11, s12, $0xb8;
	[tilespmem:$0x14100] =	vst v63  }
0x28: {  	v3 =	vld [tilespmem:$0x0];
	_ =	sdelay $0x4  }
0x29: {  	v4 =	vshll.u32 v3, $0x2  }
0x2a: {  	v3 =	vand.u32 $0x7, v3;
	v4 =	vand.u32 $0xFFFFFFE0, v4  }
0x2b: {  	v3 =	vor.u32 v3, v4  }
0x2c: {  	v4 =	vperm.xlane v3, v0;
	_ =	sdelay $0x1  }
0x2d: {  	v4 =	vadd.s32 v1, v4;
	_ =	sdelay $0x1  }
0x2e: {  	v3 =	vperm.xlane v3, v2;
	_ =	sdelay $0x1  }
0x2f: {  	s5 =	simm.s32 $0x4100;
	v3 =	vadd.s32 v1, v3  }
0x30: {  	[tilespmem:s5], [sflag:$0x1] =	stream.indirect_vreg.gather [hbm4b:s1+s4], $0x80, v4, vm0, $0xb8;
	[tilespmem:$0x14100] =	vst v63  }
0x31: {  	s30 =	simm.s32 $0x4900  }
0x32: {  	[tilespmem:s30], [sflag:$0x1] =	stream.indirect_vreg.gather [hbm4b:s6+s4], $0x80, v4, vm0, $0xb8;
	[tilespmem:$0x14100] =	vst v63  }
0x33: {  	s5 =	simm.s32 $0x5100  }
0x34: {  	[tilespmem:s5], [sflag:$0x1] =	stream.indirect_vreg.gather [hbm4b:s1+s4], $0x80, v3, vm0, $0xb8;
	[tilespmem:$0x14100] =	vst v63  }
0x35: {  	_ = 	snop  }
0x36: {  	[tilespmem:s15], [sflag:$0x1] =	stream.indirect_vreg.gather [hbm4b:s6+s4], $0x80, v3, vm0, $0xb8;
	[tilespmem:$0x14100] =	vst v63  }
0x37: {  	v3 =	vld [tilespmem:$0x10];
	_ =	sdelay $0x4  }
0x38: {  	v49 =	vshll.u32 v3, $0x2  }
0x39: {  	v3 =	vand.u32 $0x7, v3;
	v4 =	vand.u32 $0xFFFFFFE0, v49  }
0x3a: {  	v3 =	vor.u32 v3, v4  }
0x3b: {  	v4 =	vperm.xlane v3, v0;
	_ =	sdelay $0x1  }
0x3c: {  	v4 =	vadd.s32 v1, v4;
	_ =	sdelay $0x1  }
0x3d: {  	v3 =	vperm.xlane v3, v2;
	_ =	sdelay $0x1  }
0x3e: {  	v3 =	vadd.s32 v1, v3  }
0x3f: {  	[tilespmem:s16], [sflag:$0x1] =	stream.indirect_vreg.gather [hbm4b:s1+s4], $0x80, v4, vm0, $0xb8;
	[tilespmem:$0x14100] =	vst v63  }
0x40: {  	_ = 	snop  }
0x41: {  	[tilespmem:s17], [sflag:$0x1] =	stream.indirect_vreg.gather [hbm4b:s6+s4], $0x80, v4, vm0, $0xb8;
	[tilespmem:$0x14100] =	vst v63  }
0x42: {  	_ = 	snop  }
0x43: {  	[tilespmem:s18], [sflag:$0x1] =	stream.indirect_vreg.gather [hbm4b:s1+s4], $0x80, v3, vm0, $0xb8;
	[tilespmem:$0x14100] =	vst v63  }
0x44: {  	_ = 	snop  }
0x45: {  	[tilespmem:s19], [sflag:$0x1] =	stream.indirect_vreg.gather [hbm4b:s6+s4], $0x80, v3, vm0, $0xb8;
	[tilespmem:$0x14100] =	vst v63  }
0x46: {  	v3 =	vld [tilespmem:$0x20];
	_ =	sdelay $0x4  }
0x47: {  	v50 =	vshll.u32 v3, $0x2  }
0x48: {  	v3 =	vand.u32 $0x7, v3;
	v4 =	vand.u32 $0xFFFFFFE0, v50  }
0x49: {  	v3 =	vor.u32 v3, v4  }
0x4a: {  	v4 =	vperm.xlane v3, v0;
	_ =	sdelay $0x1  }
0x4b: {  	v4 =	vadd.s32 v1, v4;
	_ =	sdelay $0x1  }
0x4c: {  	v3 =	vperm.xlane v3, v2;
	_ =	sdelay $0x1  }
0x4d: {  	v3 =	vadd.s32 v1, v3  }
0x4e: {  	[tilespmem:s20], [sflag:$0x1] =	stream.indirect_vreg.gather [hbm4b:s1+s4], $0x80, v4, vm0, $0xb8;
	[tilespmem:$0x14100] =	vst v63  }
0x4f: {  	_ = 	snop  }
0x50: {  	[tilespmem:s21], [sflag:$0x1] =	stream.indirect_vreg.gather [hbm4b:s6+s4], $0x80, v4, vm0, $0xb8;
	[tilespmem:$0x14100] =	vst v63  }
0x51: {  	_ = 	snop  }
0x52: {  	[tilespmem:s22], [sflag:$0x1] =	stream.indirect_vreg.gather [hbm4b:s1+s4], $0x80, v3, vm0, $0xb8;
	[tilespmem:$0x14100] =	vst v63  }
0x53: {  	_ = 	snop  }
0x54: {  	[tilespmem:s23], [sflag:$0x1] =	stream.indirect_vreg.gather [hbm4b:s6+s4], $0x80, v3, vm0, $0xb8;
	[tilespmem:$0x14100] =	vst v63  }
0x55: {  	v3 =	vld [tilespmem:$0x30];
	_ =	sdelay $0x4  }
0x56: {  	v51 =	vshll.u32 v3, $0x2  }
0x57: {  	v3 =	vand.u32 $0x7, v3;
	v4 =	vand.u32 $0xFFFFFFE0, v51  }
0x58: {  	v3 =	vor.u32 v3, v4  }
0x59: {  	v4 =	vperm.xlane v3, v0;
	_ =	sdelay $0x1  }
0x5a: {  	v4 =	vadd.s32 v1, v4;
	_ =	sdelay $0x1  }
0x5b: {  	v3 =	vperm.xlane v3, v2;
	_ =	sdelay $0x1  }
0x5c: {  	v3 =	vadd.s32 v1, v3  }
0x5d: {  	[tilespmem:s24], [sflag:$0x1] =	stream.indirect_vreg.gather [hbm4b:s1+s4], $0x80, v4, vm0, $0xb8;
	[tilespmem:$0x14100] =	vst v63  }
0x5e: {  	_ = 	snop  }
0x5f: {  	[tilespmem:s25], [sflag:$0x1] =	stream.indirect_vreg.gather [hbm4b:s6+s4], $0x80, v4, vm0, $0xb8;
	[tilespmem:$0x14100] =	vst v63  }
0x60: {  	_ = 	snop  }
0x61: {  	[tilespmem:s26], [sflag:$0x1] =	stream.indirect_vreg.gather [hbm4b:s1+s4], $0x80, v3, vm0, $0xb8;
	[tilespmem:$0x14100] =	vst v63  }
0x62: {  	_ = 	snop  }
0x63: {  	[tilespmem:s28], [sflag:$0x1] =	stream.indirect_vreg.gather [hbm4b:s6+s4], $0x80, v3, vm0, $0xb8;
	[tilespmem:$0x14100] =	vst v63  }
0x64: {  	v3 =	vld [tilespmem:$0x80];
	_ =	sdelay $0x4  }
0x65: {  	v52 =	vshll.u32 v3, $0x2  }
0x66: {  	v3 =	vand.u32 $0x7, v3;
	v4 =	vand.u32 $0xFFFFFFE0, v52  }
0x67: {  	v3 =	vor.u32 v3, v4  }
0x68: {  	v4 =	vperm.xlane v3, v0;
	_ =	sdelay $0x1  }
0x69: {  	v4 =	vadd.s32 v1, v4;
	_ =	sdelay $0x1  }
0x6a: {  	v3 =	vperm.xlane v3, v2;
	_ =	sdelay $0x1  }
0x6b: {  	v3 =	vadd.s32 v1, v3  }
0x6c: {  	[tilespmem:s2], [sflag:$0x1] =	stream.indirect_vreg.gather [hbm4b:s3+s4], $0x80, v4, vm0, $0xb8;
	[tilespmem:$0x14100] =	vst v63  }
0x6d: {  	s30 =	simm.s32 $0xC900  }
0x6e: {  	[tilespmem:s30], [sflag:$0x1] =	stream.indirect_vreg.gather [hbm4b:s7+s4], $0x80, v4, vm0, $0xb8;
	[tilespmem:$0x14100] =	vst v63  }
0x6f: {  	_ = 	snop  }
0x70: {  	[tilespmem:s14], [sflag:$0x1] =	stream.indirect_vreg.gather [hbm4b:s3+s4], $0x80, v3, vm0, $0xb8;
	[tilespmem:$0x14100] =	vst v63  }
0x71: {  	_ = 	snop  }
0x72: {  	[tilespmem:s31], [sflag:$0x1] =	stream.indirect_vreg.gather [hbm4b:s7+s4], $0x80, v3, vm0, $0xb8;
	[tilespmem:$0x14100] =	vst v63  }
0x73: {  	v3 =	vld [tilespmem:$0x90];
	_ =	sdelay $0x4  }
0x74: {  	v53 =	vshll.u32 v3, $0x2  }
0x75: {  	v3 =	vand.u32 $0x7, v3;
	v4 =	vand.u32 $0xFFFFFFE0, v53  }
0x76: {  	v3 =	vor.u32 v3, v4  }
0x77: {  	v4 =	vperm.xlane v3, v0;
	_ =	sdelay $0x1  }
0x78: {  	v4 =	vadd.s32 v1, v4;
	_ =	sdelay $0x1  }
0x79: {  	v3 =	vperm.xlane v3, v2;
	_ =	sdelay $0x1  }
0x7a: {  	s5 =	simm.s32 $0xE100;
	v3 =	vadd.s32 v1, v3  }
0x7b: {  	[tilespmem:s5], [sflag:$0x1] =	stream.indirect_vreg.gather [hbm4b:s3+s4], $0x80, v4, vm0, $0xb8;
	[tilespmem:$0x14100] =	vst v63  }
0x7c: {  	s30 =	simm.s32 $0xE900  }
0x7d: {  	[tilespmem:s30], [sflag:$0x1] =	stream.indirect_vreg.gather [hbm4b:s7+s4], $0x80, v4, vm0, $0xb8;
	[tilespmem:$0x14100] =	vst v63  }
0x7e: {  	s5 =	simm.s32 $0xF100  }
0x7f: {  	[tilespmem:s5], [sflag:$0x1] =	stream.indirect_vreg.gather [hbm4b:s3+s4], $0x80, v3, vm0, $0xb8;
	[tilespmem:$0x14100] =	vst v63  }
0x80: {  	s30 =	simm.s32 $0xF900  }
0x81: {  	[tilespmem:s30], [sflag:$0x1] =	stream.indirect_vreg.gather [hbm4b:s7+s4], $0x80, v3, vm0, $0xb8;
	[tilespmem:$0x14100] =	vst v63  }
0x82: {  	v3 =	vld [tilespmem:$0xA0];
	_ =	sdelay $0x4  }
0x83: {  	v54 =	vshll.u32 v3, $0x2  }
0x84: {  	v3 =	vand.u32 $0x7, v3;
	v4 =	vand.u32 $0xFFFFFFE0, v54  }
0x85: {  	v3 =	vor.u32 v3, v4  }
0x86: {  	v4 =	vperm.xlane v3, v0;
	_ =	sdelay $0x1  }
0x87: {  	v4 =	vadd.s32 v1, v4;
	_ =	sdelay $0x1  }
0x88: {  	v3 =	vperm.xlane v3, v2;
	_ =	sdelay $0x1  }
0x89: {  	s5 =	simm.s32 $0x10100;
	v3 =	vadd.s32 v1, v3  }
0x8a: {  	[tilespmem:s5], [sflag:$0x1] =	stream.indirect_vreg.gather [hbm4b:s3+s4], $0x80, v4, vm0, $0xb8;
	[tilespmem:$0x14100] =	vst v63  }
0x8b: {  	s30 =	simm.s32 $0x10900  }
0x8c: {  	[tilespmem:s30], [sflag:$0x1] =	stream.indirect_vreg.gather [hbm4b:s7+s4], $0x80, v4, vm0, $0xb8;
	[tilespmem:$0x14100] =	vst v63  }
0x8d: {  	s5 =	simm.s32 $0x11100  }
0x8e: {  	[tilespmem:s5], [sflag:$0x1] =	stream.indirect_vreg.gather [hbm4b:s3+s4], $0x80, v3, vm0, $0xb8;
	[tilespmem:$0x14100] =	vst v63  }
0x8f: {  	s30 =	simm.s32 $0x11900  }
0x90: {  	[tilespmem:s30], [sflag:$0x1] =	stream.indirect_vreg.gather [hbm4b:s7+s4], $0x80, v3, vm0, $0xb8;
	[tilespmem:$0x14100] =	vst v63  }
0x91: {  	v3 =	vld [tilespmem:$0xB0];
	_ =	sdelay $0x4  }
0x92: {  	v55 =	vshll.u32 v3, $0x2  }
0x93: {  	v3 =	vand.u32 $0x7, v3;
	v4 =	vand.u32 $0xFFFFFFE0, v55  }
0x94: {  	v3 =	vor.u32 v3, v4  }
0x95: {  	v4 =	vperm.xlane v3, v0;
	_ =	sdelay $0x1  }
0x96: {  	v4 =	vadd.s32 v1, v4;
	_ =	sdelay $0x1  }
0x97: {  	v3 =	vperm.xlane v3, v2;
	_ =	sdelay $0x1  }
0x98: {  	s5 =	simm.s32 $0x12100;
	v3 =	vadd.s32 v1, v3  }
0x99: {  	[tilespmem:s5], [sflag:$0x1] =	stream.indirect_vreg.gather [hbm4b:s3+s4], $0x80, v4, vm0, $0xb8;
	[tilespmem:$0x14100] =	vst v63  }
0x9a: {  	s30 =	simm.s32 $0x12900  }
0x9b: {  	[tilespmem:s30], [sflag:$0x1] =	stream.indirect_vreg.gather [hbm4b:s7+s4], $0x80, v4, vm0, $0xb8;
	[tilespmem:$0x14100] =	vst v63  }
0x9c: {  	s5 =	simm.s32 $0x13100  }
0x9d: {  	[tilespmem:s5], [sflag:$0x1] =	stream.indirect_vreg.gather [hbm4b:s3+s4], $0x80, v3, vm0, $0xb8;
	[tilespmem:$0x14100] =	vst v63  }
0x9e: {  	s30 =	simm.s32 $0x13900  }
0x9f: {  	[tilespmem:s30], [sflag:$0x1] =	stream.indirect_vreg.gather [hbm4b:s7+s4], $0x80, v3, vm0, $0xb8;
	[tilespmem:$0x14100] =	vst v63  }
0xa0: {  	_ =	swait.ge [sflag:s29], $0x2000  }
0xa1: {  	[sflag:s29] =	ssyncset.done $0x0  }
0xa2: {  	[sflag:s29] =	ssyncadd.s32 $0xFFFFE000  }
0xa3: {  	_ =	swait.ge [sflag:s29], $0x2000  }
0xa4: {  	[sflag:s29] =	ssyncset.done $0x0  }
0xa5: {  	[sflag:s29] =	ssyncadd.s32 $0xFFFFE000  }
0xa6: {  	_ =	swait.ge [sflag:s29], $0x8000  }
0xa7: {  	[sflag:s29] =	ssyncset.done $0x0  }
0xa8: {  	[sflag:s29] =	ssyncadd.s32 $0xFFFF8000  }
0xa9: {  	_ =	swait.ge [sflag:s29], $0x8000  }
0xaa: {  	[sflag:s29] =	ssyncset.done $0x0  }
0xab: {  	s5 =	simm.s32 $0x100;
	s0 =	rddreg [dreg:$0x6];
	[sflag:s29] =	ssyncadd.s32 $0xFFFF8000  }
0xac: {  	[hbm4b:s0+s4] =	stream.linear.scatter [tilespmem:s5], [sflag:$0x2], $0x2000, $0x38;
	[tilespmem:$0x14100] =	vst v63  }
0xad: {  	_ =	swait.ge [sflag:s9], $0x2000  }
0xae: {  	[sflag:s9] =	ssyncset.done $0x0  }
0xaf: {  	s0 =	simm.s32 $0x2100;
	s30 =	rddreg [dreg:$0x7];
	[sflag:s9] =	ssyncadd.s32 $0xFFFFE000  }
0xb0: {  	[hbm4b:s30+s4] =	stream.linear.scatter [tilespmem:s0], [sflag:$0x2], $0x2000, $0x38;
	[tilespmem:$0x14100] =	vst v63  }
0xb1: {  	_ =	swait.ge [sflag:s9], $0x2000  }
0xb2: {  	[sflag:s9] =	ssyncset.done $0x0  }
0xb3: {  	s30 =	rddreg [dreg:$0x8];
	[sflag:s9] =	ssyncadd.s32 $0xFFFFE000  }
0xb4: {  	[hbm4b:s30+s4] =	stream.linear.scatter [tilespmem:s10], [sflag:$0x2], $0x8000, $0x38;
	[tilespmem:$0x14100] =	vst v63  }
0xb5: {  	_ =	swait.ge [sflag:s9], $0x8000  }
0xb6: {  	[sflag:s9] =	ssyncset.done $0x0  }
0xb7: {  	s30 =	rddreg [dreg:$0x9];
	[sflag:s9] =	ssyncadd.s32 $0xFFFF8000  }
0xb8: {  	[hbm4b:s30+s4] =	stream.linear.scatter [tilespmem:s2], [sflag:$0x2], $0x8000, $0x38;
	[tilespmem:$0x14100] =	vst v63  }
0xb9: {  	_ =	swait.ge [sflag:s9], $0x8000  }
0xba: {  	[sflag:s9] =	ssyncset.done $0x0  }
0xbb: {  	s30 =	rddreg [dreg:$0xa];
	[sflag:s9] =	ssyncadd.s32 $0xFFFF8000  }
0xbc: {  	[tilespmem:s4], [sflag:$0x2] =	stream.linear.gather [hbm4b:s30+s4], $0x40, $0x38;
	[tilespmem:$0x14100] =	vst v63  }
0xbd: {  	_ =	swait.ge [sflag:s9], $0x40  }
0xbe: {  	[sflag:s9] =	ssyncset.done $0x0  }
0xbf: {  	s30 =	rddreg [dreg:$0xb];
	[sflag:s9] =	ssyncadd.s32 $0xFFFFFFC0  }
0xc0: {  	[tilespmem:s11], [sflag:$0x2] =	stream.linear.gather [hbm4b:s30+s4], $0x40, $0x38;
	[tilespmem:$0x14100] =	vst v63  }
0xc1: {  	_ =	swait.ge [sflag:s9], $0x40  }
0xc2: {  	[sflag:s9] =	ssyncset.done $0x0  }
0xc3: {  	[sflag:s9] =	ssyncadd.s32 $0xFFFFFFC0  }
0xc4: {  	[tilespmem:s5], [sflag:$0x1] =	stream.indirect.gather [hbm4b:s13+s12], $0x80, s4, s12, $0xb8;
	[tilespmem:$0x14100] =	vst v63  }
0xc5: {  	_ = 	snop  }
0xc6: {  	[tilespmem:s0], [sflag:$0x1] =	stream.indirect.gather [hbm4b:s13+s12], $0x80, s11, s12, $0xb8;
	[tilespmem:$0x14100] =	vst v63  }
0xc7: {  	v3 =	vld [tilespmem:$0x0];
	_ =	sdelay $0x4  }
0xc8: {  	v56 =	vshll.u32 v3, $0x2  }
0xc9: {  	v3 =	vand.u32 $0x7, v3;
	v4 =	vand.u32 $0xFFFFFFE0, v56  }
0xca: {  	v3 =	vor.u32 v3, v4  }
0xcb: {  	v4 =	vperm.xlane v3, v0;
	_ =	sdelay $0x1  }
0xcc: {  	v4 =	vadd.s32 v1, v4;
	_ =	sdelay $0x1  }
0xcd: {  	v3 =	vperm.xlane v3, v2;
	_ =	sdelay $0x1  }
0xce: {  	v3 =	vadd.s32 v1, v3  }
0xcf: {  	[tilespmem:s10], [sflag:$0x1] =	stream.indirect_vreg.gather [hbm4b:s1+s4], $0x80, v4, vm0, $0xb8;
	[tilespmem:$0x14100] =	vst v63  }
0xd0: {  	s30 =	simm.s32 $0x4900  }
0xd1: {  	[tilespmem:s30], [sflag:$0x1] =	stream.indirect_vreg.gather [hbm4b:s6+s4], $0x80, v4, vm0, $0xb8;
	[tilespmem:$0x14100] =	vst v63  }
0xd2: {  	s30 =	simm.s32 $0x5100  }
0xd3: {  	[tilespmem:s30], [sflag:$0x1] =	stream.indirect_vreg.gather [hbm4b:s1+s4], $0x80, v3, vm0, $0xb8;
	[tilespmem:$0x14100] =	vst v63  }
0xd4: {  	_ = 	snop  }
0xd5: {  	[tilespmem:s15], [sflag:$0x1] =	stream.indirect_vreg.gather [hbm4b:s6+s4], $0x80, v3, vm0, $0xb8;
	[tilespmem:$0x14100] =	vst v63  }
0xd6: {  	v3 =	vld [tilespmem:$0x10];
	_ =	sdelay $0x4  }
0xd7: {  	v57 =	vshll.u32 v3, $0x2  }
0xd8: {  	v3 =	vand.u32 $0x7, v3;
	v4 =	vand.u32 $0xFFFFFFE0, v57  }
0xd9: {  	v3 =	vor.u32 v3, v4  }
0xda: {  	v4 =	vperm.xlane v3, v0;
	_ =	sdelay $0x1  }
0xdb: {  	v4 =	vadd.s32 v1, v4;
	_ =	sdelay $0x1  }
0xdc: {  	v3 =	vperm.xlane v3, v2;
	_ =	sdelay $0x1  }
0xdd: {  	v3 =	vadd.s32 v1, v3  }
0xde: {  	[tilespmem:s16], [sflag:$0x1] =	stream.indirect_vreg.gather [hbm4b:s1+s4], $0x80, v4, vm0, $0xb8;
	[tilespmem:$0x14100] =	vst v63  }
0xdf: {  	_ = 	snop  }
0xe0: {  	[tilespmem:s17], [sflag:$0x1] =	stream.indirect_vreg.gather [hbm4b:s6+s4], $0x80, v4, vm0, $0xb8;
	[tilespmem:$0x14100] =	vst v63  }
0xe1: {  	_ = 	snop  }
0xe2: {  	[tilespmem:s18], [sflag:$0x1] =	stream.indirect_vreg.gather [hbm4b:s1+s4], $0x80, v3, vm0, $0xb8;
	[tilespmem:$0x14100] =	vst v63  }
0xe3: {  	_ = 	snop  }
0xe4: {  	[tilespmem:s19], [sflag:$0x1] =	stream.indirect_vreg.gather [hbm4b:s6+s4], $0x80, v3, vm0, $0xb8;
	[tilespmem:$0x14100] =	vst v63  }
0xe5: {  	v3 =	vld [tilespmem:$0x20];
	_ =	sdelay $0x4  }
0xe6: {  	v58 =	vshll.u32 v3, $0x2  }
0xe7: {  	v3 =	vand.u32 $0x7, v3;
	v4 =	vand.u32 $0xFFFFFFE0, v58  }
0xe8: {  	v3 =	vor.u32 v3, v4  }
0xe9: {  	v4 =	vperm.xlane v3, v0;
	_ =	sdelay $0x1  }
0xea: {  	v4 =	vadd.s32 v1, v4;
	_ =	sdelay $0x1  }
0xeb: {  	v3 =	vperm.xlane v3, v2;
	_ =	sdelay $0x1  }
0xec: {  	v3 =	vadd.s32 v1, v3  }
0xed: {  	[tilespmem:s20], [sflag:$0x1] =	stream.indirect_vreg.gather [hbm4b:s1+s4], $0x80, v4, vm0, $0xb8;
	[tilespmem:$0x14100] =	vst v63  }
0xee: {  	_ = 	snop  }
0xef: {  	[tilespmem:s21], [sflag:$0x1] =	stream.indirect_vreg.gather [hbm4b:s6+s4], $0x80, v4, vm0, $0xb8;
	[tilespmem:$0x14100] =	vst v63  }
0xf0: {  	_ = 	snop  }
0xf1: {  	[tilespmem:s22], [sflag:$0x1] =	stream.indirect_vreg.gather [hbm4b:s1+s4], $0x80, v3, vm0, $0xb8;
	[tilespmem:$0x14100] =	vst v63  }
0xf2: {  	_ = 	snop  }
0xf3: {  	[tilespmem:s23], [sflag:$0x1] =	stream.indirect_vreg.gather [hbm4b:s6+s4], $0x80, v3, vm0, $0xb8;
	[tilespmem:$0x14100] =	vst v63  }
0xf4: {  	v3 =	vld [tilespmem:$0x30];
	_ =	sdelay $0x4  }
0xf5: {  	v59 =	vshll.u32 v3, $0x2  }
0xf6: {  	v3 =	vand.u32 $0x7, v3;
	v4 =	vand.u32 $0xFFFFFFE0, v59  }
0xf7: {  	v3 =	vor.u32 v3, v4  }
0xf8: {  	v4 =	vperm.xlane v3, v0;
	_ =	sdelay $0x1  }
0xf9: {  	v4 =	vadd.s32 v1, v4;
	_ =	sdelay $0x1  }
0xfa: {  	v3 =	vperm.xlane v3, v2;
	_ =	sdelay $0x1  }
0xfb: {  	v3 =	vadd.s32 v1, v3  }
0xfc: {  	[tilespmem:s24], [sflag:$0x1] =	stream.indirect_vreg.gather [hbm4b:s1+s4], $0x80, v4, vm0, $0xb8;
	[tilespmem:$0x14100] =	vst v63  }
0xfd: {  	_ = 	snop  }
0xfe: {  	[tilespmem:s25], [sflag:$0x1] =	stream.indirect_vreg.gather [hbm4b:s6+s4], $0x80, v4, vm0, $0xb8;
	[tilespmem:$0x14100] =	vst v63  }
0xff: {  	_ = 	snop  }
0x100: {  	[tilespmem:s26], [sflag:$0x1] =	stream.indirect_vreg.gather [hbm4b:s1+s4], $0x80, v3, vm0, $0xb8;
	[tilespmem:$0x14100] =	vst v63  }
0x101: {  	_ = 	snop  }
0x102: {  	[tilespmem:s28], [sflag:$0x1] =	stream.indirect_vreg.gather [hbm4b:s6+s4], $0x80, v3, vm0, $0xb8;
	[tilespmem:$0x14100] =	vst v63  }
0x103: {  	v3 =	vld [tilespmem:$0x80];
	_ =	sdelay $0x4  }
0x104: {  	v60 =	vshll.u32 v3, $0x2  }
0x105: {  	v3 =	vand.u32 $0x7, v3;
	v4 =	vand.u32 $0xFFFFFFE0, v60  }
0x106: {  	v3 =	vor.u32 v3, v4  }
0x107: {  	v4 =	vperm.xlane v3, v0;
	_ =	sdelay $0x1  }
0x108: {  	v4 =	vadd.s32 v1, v4;
	_ =	sdelay $0x1  }
0x109: {  	v3 =	vperm.xlane v3, v2;
	_ =	sdelay $0x1  }
0x10a: {  	v3 =	vadd.s32 v1, v3  }
0x10b: {  	[tilespmem:s2], [sflag:$0x1] =	stream.indirect_vreg.gather [hbm4b:s3+s4], $0x80, v4, vm0, $0xb8;
	[tilespmem:$0x14100] =	vst v63  }
0x10c: {  	s30 =	simm.s32 $0xC900  }
0x10d: {  	[tilespmem:s30], [sflag:$0x1] =	stream.indirect_vreg.gather [hbm4b:s7+s4], $0x80, v4, vm0, $0xb8;
	[tilespmem:$0x14100] =	vst v63  }
0x10e: {  	_ = 	snop  }
0x10f: {  	[tilespmem:s14], [sflag:$0x1] =	stream.indirect_vreg.gather [hbm4b:s3+s4], $0x80, v3, vm0, $0xb8;
	[tilespmem:$0x14100] =	vst v63  }
0x110: {  	_ = 	snop  }
0x111: {  	[tilespmem:s31], [sflag:$0x1] =	stream.indirect_vreg.gather [hbm4b:s7+s4], $0x80, v3, vm0, $0xb8;
	[tilespmem:$0x14100] =	vst v63  }
0x112: {  	v3 =	vld [tilespmem:$0x90];
	_ =	sdelay $0x4  }
0x113: {  	v61 =	vshll.u32 v3, $0x2  }
0x114: {  	v3 =	vand.u32 $0x7, v3;
	v4 =	vand.u32 $0xFFFFFFE0, v61  }
0x115: {  	v3 =	vor.u32 v3, v4  }
0x116: {  	v4 =	vperm.xlane v3, v0;
	_ =	sdelay $0x1  }
0x117: {  	v4 =	vadd.s32 v1, v4;
	_ =	sdelay $0x1  }
0x118: {  	v3 =	vperm.xlane v3, v2;
	_ =	sdelay $0x1  }
0x119: {  	s30 =	simm.s32 $0xE100;
	v3 =	vadd.s32 v1, v3  }
0x11a: {  	[tilespmem:s30], [sflag:$0x1] =	stream.indirect_vreg.gather [hbm4b:s3+s4], $0x80, v4, vm0, $0xb8;
	[tilespmem:$0x14100] =	vst v63  }
0x11b: {  	s30 =	simm.s32 $0xE900  }
0x11c: {  	[tilespmem:s30], [sflag:$0x1] =	stream.indirect_vreg.gather [hbm4b:s7+s4], $0x80, v4, vm0, $0xb8;
	[tilespmem:$0x14100] =	vst v63  }
0x11d: {  	s30 =	simm.s32 $0xF100  }
0x11e: {  	[tilespmem:s30], [sflag:$0x1] =	stream.indirect_vreg.gather [hbm4b:s3+s4], $0x80, v3, vm0, $0xb8;
	[tilespmem:$0x14100] =	vst v63  }
0x11f: {  	s30 =	simm.s32 $0xF900  }
0x120: {  	[tilespmem:s30], [sflag:$0x1] =	stream.indirect_vreg.gather [hbm4b:s7+s4], $0x80, v3, vm0, $0xb8;
	[tilespmem:$0x14100] =	vst v63  }
0x121: {  	v3 =	vld [tilespmem:$0xA0];
	_ =	sdelay $0x4  }
0x122: {  	v62 =	vshll.u32 v3, $0x2  }
0x123: {  	v3 =	vand.u32 $0x7, v3;
	v4 =	vand.u32 $0xFFFFFFE0, v62  }
0x124: {  	v3 =	vor.u32 v3, v4  }
0x125: {  	v4 =	vperm.xlane v3, v0;
	_ =	sdelay $0x1  }
0x126: {  	v4 =	vadd.s32 v1, v4;
	_ =	sdelay $0x1  }
0x127: {  	v3 =	vperm.xlane v3, v2;
	_ =	sdelay $0x1  }
0x128: {  	s30 =	simm.s32 $0x10100;
	v3 =	vadd.s32 v1, v3  }
0x129: {  	[tilespmem:s30], [sflag:$0x1] =	stream.indirect_vreg.gather [hbm4b:s3+s4], $0x80, v4, vm0, $0xb8;
	[tilespmem:$0x14100] =	vst v63  }
0x12a: {  	s30 =	simm.s32 $0x10900  }
0x12b: {  	[tilespmem:s30], [sflag:$0x1] =	stream.indirect_vreg.gather [hbm4b:s7+s4], $0x80, v4, vm0, $0xb8;
	[tilespmem:$0x14100] =	vst v63  }
0x12c: {  	s30 =	simm.s32 $0x11100  }
0x12d: {  	[tilespmem:s30], [sflag:$0x1] =	stream.indirect_vreg.gather [hbm4b:s3+s4], $0x80, v3, vm0, $0xb8;
	[tilespmem:$0x14100] =	vst v63  }
0x12e: {  	s30 =	simm.s32 $0x11900  }
0x12f: {  	[tilespmem:s30], [sflag:$0x1] =	stream.indirect_vreg.gather [hbm4b:s7+s4], $0x80, v3, vm0, $0xb8;
	[tilespmem:$0x14100] =	vst v63  }
0x130: {  	v3 =	vld [tilespmem:$0xB0];
	_ =	sdelay $0x4  }
0x131: {  	v63 =	vshll.u32 v3, $0x2  }
0x132: {  	v3 =	vand.u32 $0x7, v3;
	v4 =	vand.u32 $0xFFFFFFE0, v63  }
0x133: {  	v3 =	vor.u32 v3, v4  }
0x134: {  	v4 =	vperm.xlane v3, v0;
	_ =	sdelay $0x1  }
0x135: {  	v4 =	vadd.s32 v1, v4;
	_ =	sdelay $0x1  }
0x136: {  	v3 =	vperm.xlane v3, v2;
	_ =	sdelay $0x1  }
0x137: {  	s30 =	simm.s32 $0x12100;
	v3 =	vadd.s32 v1, v3  }
0x138: {  	[tilespmem:s30], [sflag:$0x1] =	stream.indirect_vreg.gather [hbm4b:s3+s4], $0x80, v4, vm0, $0xb8;
	[tilespmem:$0x14100] =	vst v63  }
0x139: {  	s30 =	simm.s32 $0x12900  }
0x13a: {  	[tilespmem:s30], [sflag:$0x1] =	stream.indirect_vreg.gather [hbm4b:s7+s4], $0x80, v4, vm0, $0xb8;
	[tilespmem:$0x14100] =	vst v63  }
0x13b: {  	s30 =	simm.s32 $0x13100  }
0x13c: {  	[tilespmem:s30], [sflag:$0x1] =	stream.indirect_vreg.gather [hbm4b:s3+s4], $0x80, v3, vm0, $0xb8;
	[tilespmem:$0x14100] =	vst v63  }
0x13d: {  	s30 =	simm.s32 $0x13900  }
0x13e: {  	[tilespmem:s30], [sflag:$0x1] =	stream.indirect_vreg.gather [hbm4b:s7+s4], $0x80, v3, vm0, $0xb8;
	[tilespmem:$0x14100] =	vst v63  }
0x13f: {  	_ =	swait.ge [sflag:s29], $0x2000  }
0x140: {  	[sflag:s29] =	ssyncset.done $0x0  }
0x141: {  	[sflag:s29] =	ssyncadd.s32 $0xFFFFE000  }
0x142: {  	_ =	swait.ge [sflag:s29], $0x2000  }
0x143: {  	[sflag:s29] =	ssyncset.done $0x0  }
0x144: {  	[sflag:s29] =	ssyncadd.s32 $0xFFFFE000  }
0x145: {  	_ =	swait.ge [sflag:s29], $0x8000  }
0x146: {  	[sflag:s29] =	ssyncset.done $0x0  }
0x147: {  	[sflag:s29] =	ssyncadd.s32 $0xFFFF8000  }
0x148: {  	_ =	swait.ge [sflag:s29], $0x8000  }
0x149: {  	[sflag:s29] =	ssyncset.done $0x0  }
0x14a: {  	s5 =	simm.s32 $0x100;
	s30 =	rddreg [dreg:$0xc];
	[sflag:s29] =	ssyncadd.s32 $0xFFFF8000  }
0x14b: {  	[hbm4b:s30+s4] =	stream.linear.scatter [tilespmem:s5], [sflag:$0x2], $0x2000, $0x38;
	[tilespmem:$0x14100] =	vst v63  }
0x14c: {  	_ =	swait.ge [sflag:s9], $0x2000  }
0x14d: {  	[sflag:s9] =	ssyncset.done $0x0  }
0x14e: {  	s11 =	simm.s32 $0x2100;
	s5 =	rddreg [dreg:$0xd];
	[sflag:s9] =	ssyncadd.s32 $0xFFFFE000  }
0x14f: {  	[hbm4b:s5+s4] =	stream.linear.scatter [tilespmem:s11], [sflag:$0x2], $0x2000, $0x38;
	[tilespmem:$0x14100] =	vst v63  }
0x150: {  	_ =	swait.ge [sflag:s9], $0x2000  }
0x151: {  	[sflag:s9] =	ssyncset.done $0x0  }
0x152: {  	s0 =	simm.s32 $0x4100;
	s5 =	rddreg [dreg:$0xe];
	[sflag:s9] =	ssyncadd.s32 $0xFFFFE000  }
0x153: {  	[hbm4b:s5+s4] =	stream.linear.scatter [tilespmem:s0], [sflag:$0x2], $0x8000, $0x38;
	[tilespmem:$0x14100] =	vst v63  }
0x154: {  	_ =	swait.ge [sflag:s9], $0x8000  }
0x155: {  	p0 =	sne.s32 s8, $0x1;
	[sflag:s9] =	ssyncset.done $0x0  }
.Ltmp0:
0x156: {  	s11 =	rddreg [dreg:$0xf];
	[sflag:s9] =	ssyncadd.s32 $0xFFFF8000;
	(pc) =	sbr.rel @p0 .LBB2_1-.Ltmp0, $4  }
0x157: {  	[hbm4b:s11+s4] =	stream.linear.scatter [tilespmem:s2], [sflag:$0x2], $0x8000, $0x38;
	[tilespmem:$0x14100] =	vst v63  }
0x158: {  	_ =	swait.ge [sflag:s9], $0x8000  }
0x159: {  	[sflag:s9] =	ssyncset.done $0x0  }
0x15a: {  	s8 =	sadd.s32 $0xFFFFFFFF, s8;
	[sflag:s9] =	ssyncadd.s32 $0xFFFF8000  }
0x15b: {  	_ =	sfence.sel $0x180000  }
0x15c: {  	[bflag:$0x0] =	sbarrier.arrive $0xFFFF  }
0x15d: {  	_ =	strace $0x9000004A  }
0x15e: {  	s0 =	stileid.u32;
	[bflag:$0x2] =	sbarrier.arrive $0xFFFF  }
0x15f: {  	p0 =	sne.s32 s0, $0x0;
	s0 =	rddreg [dreg:$0x3]  }
0x160: {  	s0 =	sadd.s32 @!p0 $0x100000, s0  }
0x161: {  	[sflag:s0] =	ssyncadd.tile.s32 @!p0 $0x1;
	_ =	shalt  }
.Lfunc_end2:
_tile_overlayer_lowered:
.L_overlay_start_2:
0x162: {  	(tag) =	ssettag $0x2  }
0x163: {  	s0 =	rddreg [dreg:$0x0];
	s2 =	stileid.u32  }
0x164: {  	s1 =	rddreg [dreg:$0x1];
	p0 =	sne.s32 s2, $0x0  }
0x165: {  	s3 =	rddreg [dreg:$0x2];
	[bflag:$0x3] =	sbarrier.arrive $0xFFFF;
	s2 =	simm.s32 @!p0 $0x1C02  }
0x166: {  	[timem:s3], [sflag:s2] =	dma.local @!p0 [hbm:s0], s1  }
0x167: {  	s0 =	simm.s32 @!p0 $0x2  }
0x168: {  	_ =	swait.ge @!p0 [sflag:s0], s1  }
0x169: {  	s1 =	ssub.s32 @!p0 $0x0, s1;
	[sflag:s0] =	ssyncset.done @!p0 $0x0  }
0x16a: {  	[sflag:s0] =	ssyncadd.s32 @!p0 s1  }
0x16b: {  	[bflag:$0x3] =	sbarrier.arrive $0xFFFF  }
0x16c: {  	_ =	shalt  }

// kernel: kernel.16.cloned.1.call-start
scs
__scs_entry_jumppad:
0x0: {  	(pc) =	sbr.rel $0x88, $3  }
0x1: {  	(tag) =	ssettag $0x0;
	lr =	simm.s32 $0x1  }
0x2: {  	[smem:$0x3F90] =	sst lr;
	_ =	strace $0xD0000000  }
0x3: {  	_ = 	snop  }
0x4: {  	_ = 	snop  }
0x5: {  	_ = 	snop  }
0x6: {  	_ = 	snop  }
0x7: {  	_ = 	snop  }
__scs_overlays_trampoline_lowered:
0x8: {  	[smem:$0x3F9F] =	sst s0  }
0x9: {  	[smem:$0x3FA0] =	sst s1  }
0xa: {  	[smem:$0x3FA1] =	sst s2  }
0xb: {  	[smem:$0x3FA2] =	sst s3  }
0xc: {  	[smem:$0x3FA3] =	sst s4  }
0xd: {  	[smem:$0x3FA4] =	sst s5  }
0xe: {  	[smem:$0x3FA5] =	sst s6  }
0xf: {  	[smem:$0x3FA6] =	sst s7  }
0x10: {  	[smem:$0x3FA7] =	sst s8  }
0x11: {  	[smem:$0x3FA8] =	sst s9;
	s0 =	simm.s32 @!p0 $0x0  }
0x12: {  	s1 =	sld [smem:$0x3F8E];
	s0 =	simm.s32 @p0 $0x1  }
0x13: {  	[smem:$0x3FA9] =	sst s0;
	s0 =	simm.s32 @!p1 $0x0  }
0x14: {  	s2 =	sld [smem:$0x3F8D];
	s0 =	simm.s32 @p1 $0x1  }
0x15: {  	[smem:$0x3FAA] =	sst s0;
	s0 =	simm.s32 @!p2 $0x0  }
0x16: {  	s3 =	sld [smem:$0x3FDB];
	s0 =	simm.s32 @p2 $0x1  }
0x17: {  	s4 =	simm.s32 $0x1BF5;
	[smem:$0x3FAC] =	sst s0  }
0x18: {  	s0 =	sld [smem:$0x3F8F];
	_ =	swait.ge [sflag:s4], $0x0  }
0x19: {  	s7 =	sld [smem:$0x3F90]  }
0x1a: {  	s8 =	sadd.s32 $0xFFFFE003, lr  }
0x1b: {  	s9 =	sadd.s32 $0xFFFFFEF7, lr;
	s5 =	simm.s32 $0xFFFFFFFF;
	p2 =	slt.u32 s8, $0xFFFFF086  }
0x1c: {  	p1 =	slt.u32 s9, $0xF7A;
	s5 =	simm.s32 @!p2 $0x0  }
0x1d: {  	s5 =	simm.s32 @p1 $0x1;
	p0 =	seq.s32 s7, s2  }
0x1e: {  	s7 =	smul.u32 @!p0 $0xF7A, s2;
	p2 =	seq.s32 @!p0 s5, $0x0  }
0x1f: {  	s9 =	smul.u32 $0xF7A, s1;
	s8 =	simm.s32 @!p0 $0x1BF5;
	p2 =	por !p2, p0  }
0x20: {  	[sflag:s8] =	ssyncset.s32 @!p0 $0xFFFFF086;
	s6 =	sadd.s32 @!p0 s3, s7;
	s7 =	simm.s32 @!p0 $0x108  }
0x21: {  	s3 =	sadd.s32 s3, s9;
	s6 =	sadd.s32 @!p0 $0x88, s6;
	s7 =	simm.s32 @p2 $0x1082  }
0x22: {  	[simem:s7], [sflag:s8] =	dma.local @!p0 [hbm:s6], $0xF7A  }
0x23: {  	s9 =	sor.u32 $0xD0000000, s2;
	s6 =	simm.s32 $0x108;
	_ =	swait.ge @!p0 [sflag:s8], $0x0  }
0x24: {  	s3 =	sadd.s32 $0x88, s3;
	s6 =	simm.s32 @!p1 $0x1082;
	[sflag:s4] =	ssyncset.s32 $0xFFFFF086  }
0x25: {  	[simem:s6], [sflag:s4] =	dma.local [hbm:s3], $0xF7A  }
0x26: {  	[smem:$0x3F90] =	sst s1;
	(tag) =	ssettag s2;
	_ =	strace s9  }
0x27: {  	s1 =	sld [smem:$0x3FA0]  }
0x28: {  	s2 =	sld [smem:$0x3FA1]  }
0x29: {  	s4 =	sld [smem:$0x3FA3]  }
0x2a: {  	p0 =	seq.s32 s5, $0x0;
	s5 =	sld [smem:$0x3FA4]  }
0x2b: {  	s6 =	sld [smem:$0x3FA5]  }
0x2c: {  	s7 =	sld [smem:$0x3FA6]  }
0x2d: {  	s3 =	simm.s32 $0x108;
	s8 =	sld [smem:$0x3FA7]  }
0x2e: {  	s3 =	simm.s32 @!p0 $0x1082;
	s9 =	sld [smem:$0x3FA8]  }
0x2f: {  	lr =	sadd.s32 s0, s3;
	s0 =	sld [smem:$0x3F9F]  }
0x30: {  	s3 =	sld [smem:$0x3FA2]  }
0x31: {  	[smem:$0x3FAB] =	sst s10  }
0x32: {  	s10 =	sld [smem:$0x3FA9];
	_ =	sdelay $0x3  }
0x33: {  	p0 =	seq.s32 s10, $0x1;
	s10 =	sld [smem:$0x3FAB];
	_ =	sdelay $0x3  }
0x34: {  	[smem:$0x3FAB] =	sst s10  }
0x35: {  	s10 =	sld [smem:$0x3FAA];
	_ =	sdelay $0x3  }
0x36: {  	p1 =	seq.s32 s10, $0x1;
	s10 =	sld [smem:$0x3FAB];
	_ =	sdelay $0x3  }
0x37: {  	[smem:$0x3FAB] =	sst s10  }
0x38: {  	s10 =	sld [smem:$0x3FAC]  }
0x39: {  	_ = 	snop;
	(pc) =	sbr.ind lr, $3  }
0x3a: {  	_ = 	snop  }
0x3b: {  	_ = 	snop  }
0x3c: {  	p2 =	seq.s32 s10, $0x1;
	s10 =	sld [smem:$0x3FAB]  }
0x3d: {  	_ =	shalt  }
0x3e: {  	_ =	shalt  }
0x3f: {  	_ =	shalt  }
0x40: {  	_ =	shalt  }
0x41: {  	_ =	shalt  }
0x42: {  	_ =	shalt  }
0x43: {  	_ =	shalt  }
0x44: {  	_ =	shalt  }
0x45: {  	_ =	shalt  }
0x46: {  	_ =	shalt  }
0x47: {  	_ =	shalt  }
0x48: {  	_ =	shalt  }
0x49: {  	_ =	shalt  }
0x4a: {  	_ =	shalt  }
0x4b: {  	_ =	shalt  }
0x4c: {  	_ =	shalt  }
0x4d: {  	_ =	shalt  }
0x4e: {  	_ =	shalt  }
0x4f: {  	_ =	shalt  }
0x50: {  	_ =	shalt  }
0x51: {  	_ =	shalt  }
0x52: {  	_ =	shalt  }
0x53: {  	_ =	shalt  }
0x54: {  	_ =	shalt  }
0x55: {  	_ =	shalt  }
0x56: {  	_ =	shalt  }
0x57: {  	_ =	shalt  }
0x58: {  	_ =	shalt  }
0x59: {  	_ =	shalt  }
0x5a: {  	_ =	shalt  }
0x5b: {  	_ =	shalt  }
0x5c: {  	_ =	shalt  }
0x5d: {  	_ =	shalt  }
0x5e: {  	_ =	shalt  }
0x5f: {  	_ =	shalt  }
0x60: {  	_ =	shalt  }
0x61: {  	_ =	shalt  }
0x62: {  	_ =	shalt  }
0x63: {  	_ =	shalt  }
0x64: {  	_ =	shalt  }
0x65: {  	_ =	shalt  }
0x66: {  	_ =	shalt  }
0x67: {  	_ =	shalt  }
0x68: {  	_ =	shalt  }
0x69: {  	_ =	shalt  }
0x6a: {  	_ =	shalt  }
0x6b: {  	_ =	shalt  }
0x6c: {  	_ =	shalt  }
0x6d: {  	_ =	shalt  }
0x6e: {  	_ =	shalt  }
0x6f: {  	_ =	shalt  }
0x70: {  	_ =	shalt  }
0x71: {  	_ =	shalt  }
0x72: {  	_ =	shalt  }
0x73: {  	_ =	shalt  }
0x74: {  	_ =	shalt  }
0x75: {  	_ =	shalt  }
0x76: {  	_ =	shalt  }
0x77: {  	_ =	shalt  }
0x78: {  	_ =	shalt  }
0x79: {  	_ =	shalt  }
0x7a: {  	_ =	shalt  }
0x7b: {  	_ =	shalt  }
0x7c: {  	_ =	shalt  }
0x7d: {  	_ =	shalt  }
0x7e: {  	_ =	shalt  }
0x7f: {  	_ =	shalt  }
0x80: {  	_ =	shalt  }
0x81: {  	_ =	shalt  }
0x82: {  	_ =	shalt  }
0x83: {  	_ =	shalt  }
0x84: {  	_ =	shalt  }
0x85: {  	_ =	shalt  }
0x86: {  	_ =	shalt  }
0x87: {  	_ =	shalt  }
.Lfunc_end0:
.L_simem_size_0:
called_computation.2_lowered:
.L_overlay_start_0:
0x88: {  	s2 =	sld [smem:$0x3FD9]  }
0x89: {  	s3 =	sld [smem:$0x3FFE];
	_ =	sdelay $0x1  }
0x8a: {  	s1 =	srdreg.scid  }
0x8b: {  	s0 =	sand.u32 $0x1, s1  }
0x8c: {  	s17 =	sshll.u32 s0, $0xA;
	s2 =	sadd.s32 s3, s2  }
0x8d: {  	s2 =	sadd.s32 s2, s17  }
0x8e: {  	[smem:$0x3FB7] =	sst s2  }
0x8f: {  	_ = 	snop  }
0x90: {  	s18 =	sld [smem:$0x3FC4]  }
0x91: {  	s4 =	sld [smem:$0x3FC3];
	(tm) =	ssettm $0x1  }
0x92: {  	s19 =	sld [smem:$0x3FFB];
	_ =	sdelay $0x3  }
0x93: {  	_ =	strace s19  }
0x94: {  	s2 =	sld [smem:$0x3FFC];
	_ =	sdelay $0x3  }
0x95: {  	_ =	strace s2  }
0x96: {  	s2 =	sld [smem:$0x3FFD];
	_ =	sdelay $0x3  }
0x97: {  	_ =	strace s2  }
0x98: {  	_ =	strace $0x8FFFFFFF  }
0x99: {  	s20 =	sld [smem:$0x3FDB];
	_ =	sdelay $0x1  }
0x9a: {  	s5 =	simm.s32 $_scs_section_size  }
0x9b: {  	s6 =	simm.s32 $_size__tile_overlayer_lowered;
	s7 =	simm.s32 $_tile_overlayer_lowered  }
0x9c: {  	s8 =	simm.s32 $0x1BFF;
	s21 =	sshll.u32 s7, $0x1;
	s5 =	sadd.s32 s5, s20  }
0x9d: {  	s22 =	simm.s32 $0x0;
	s6 =	sshll.u32 s6, $0x1;
	s7 =	sadd.s32 s21, s5  }
0x9e: {  	[timem:s22], [sflag:s8] =	dma.local [hbm:s7], s6  }
0x9f: {  	_ =	swait.ge [sflag:s8], s6  }
0xa0: {  	s6 =	ssub.s32 $0x0, s6;
	[sflag:s8] =	ssyncset.done $0x0  }
0xa1: {  	[sflag:s8] =	ssyncadd.s32 s6;
	_ =	sdelay $0x1  }
0xa2: {  	s23 =	simm.s32 $0x1B8B  }
0xa3: {  	_ =	swait.ge [sflag:s23], $0x1  }
0xa4: {  	[sflag:s23] =	ssyncset.done $0x0  }
0xa5: {  	[sflag:s23] =	ssyncadd.s32 $0xFFFFFFFF  }
0xa6: {  	s6 =	sld [smem:$0x0]  }
0xa7: {  	s7 =	sand.u32 $0xFFFFFFFE, s1  }
0xa8: {  	p0 =	sne.s32 s1, s7  }
0xa9: {  	s7 =	sshll.u32 @p0 s7, $0xE  }
0xaa: {  	s7 =	sadd.s32 @p0 $0x11B8D, s7;
	s8 =	sshll.u32 @p0 s6, $0x11  }
0xab: {  	s7 =	sor.u32 @p0 s8, s7  }
0xac: {  	[sflag:s7] =	ssyncadd.remote.s32 @p0 $0x1;
	_ =	sdelay $0x1  }
0xad: {  	s7 =	simm.s32 @p0 $0x1B8D  }
0xae: {  	_ =	swait.eq @p0 [sflag:s7], $0x1  }
0xaf: {  	[sflag:s7] =	ssyncadd.s32 @p0 $0xFFFFFFFF  }
0xb0: {  	s8 =	sshll.u32 @!p0 s1, $0xE  }
0xb1: {  	s8 =	sor.u32 @!p0 $0x4000, s8;
	s7 =	simm.s32 @!p0 $0x1B8D  }
0xb2: {  	s6 =	sshll.u32 @!p0 s6, $0x11;
	s8 =	sadd.s32 @!p0 $0x11B8D, s8;
	_ =	swait.eq @!p0 [sflag:s7], $0x1  }
0xb3: {  	s6 =	sor.u32 @!p0 s6, s8;
	[sflag:s7] =	ssyncadd.s32 @!p0 $0xFFFFFFFF  }
0xb4: {  	s25 =	simm.s32 $0x1B8E;
	s24 =	sld [smem:$0x3FFE];
	[sflag:s6] =	ssyncadd.remote.s32 @!p0 $0x1  }
0xb5: {  	s26 =	simm.s32 $execute0_lowered;
	[smem:$0x3FD2] =	sst s25  }
0xb6: {  	s7 =	sshll.u32 s26, $0x1;
	_ =	strace $0x8000004C;
	[dreg:$0x1] =	wrdreg $0xFFFFFFFF  }
0xb7: {  	s28 =	simm.s32 $_size_execute0_lowered;
	s5 =	sadd.s32 s5, s7;
	[dreg:$0x0] =	wrdreg $0x0  }
0xb8: {  	s7 =	sshll.u32 s28, $0x1;
	[dreg:$0x2] =	wrdreg s5  }
0xb9: {  	[dreg:$0x3] =	wrdreg s7  }
0xba: {  	[dreg:$0x4] =	wrdreg $0xC0  }
0xbb: {  	_ =	task [dreg:s22], $0x5FFFF  }
0xbc: {  	[dreg:$0x1] =	wrdreg $0xFFFFFFFF  }
0xbd: {  	[dreg:$0x0] =	wrdreg $0x60  }
0xbe: {  	[dreg:$0x2] =	wrdreg s24  }
0xbf: {  	[dreg:$0x3] =	wrdreg s18  }
0xc0: {  	[dreg:$0x4] =	wrdreg s4  }
0xc1: {  	[dreg:$0x5] =	wrdreg $0xB  }
0xc2: {  	_ =	task.clear_ibuf [dreg:s22], $0x6FFFF;
	_ =	strace $0x9000004C  }
0xc3: {  	s29 =	simm.s32 $0xB;
	_ =	strace $0x8000004E  }
0xc4: {  	_ =	swait.ge [sflag:s29], $0x1  }
0xc5: {  	[sflag:s29] =	ssyncadd.s32 $0xFFFFFFFF  }
0xc6: {  	_ =	strace $0x9000004E  }
0xc7: {  	_ =	sfence  }
0xc8: {  	s30 =	sld [smem:$0x0];
	_ =	sdelay $0x2  }
0xc9: {  	s31 =	sshll.u32 s1, $0xD;
	s1 =	sshrl.u32 s1, $0x2  }
0xca: {  	s4 =	sand.u32 $0x4000, s31;
	s1 =	sadd.s32 s1, s30  }
0xcb: {  	s0 =	sor.u32 s4, s0;
	s1 =	sshll.u32 s1, $0x11  }
0xcc: {  	s0 =	sor.u32 s1, s0  }
0xcd: {  	s0 =	sadd.s32 $0x8F2B, s0  }
0xce: {  	[sflag:s0] =	ssyncadd.remote.s32 $0x1  }
0xcf: {  	_ =	sfence.sel $0xFFFF  }
0xd0: {  	[dreg:$0x0] =	wrdreg $0xFFFFFFFF;
	(pc) =	sbr.abs _section_cstart, $3  }
0xd1: {  	[dreg:$0x1] =	wrdreg $0xFFFFFFFF  }
0xd2: {  	_ =	task.clear_ibuf [dreg:s22], $0x2FFFF;
	_ =	strace $0x9FFFFFFF  }
0xd3: {  	(tm) =	ssettm $0x7FFFFFFF  }
tec
execute0_lowered:
.L_overlay_start_1:
0x0: {  	(tag) =	ssettag $0x1  }
0x1: {  	s0 =	rddreg [dreg:$0x0]  }
0x2: {  	s1 =	rddreg [dreg:$0x1]  }
0x3: {  	s3 =	rddreg [dreg:$0x2];
	s2 =	srdreg.scid  }
0x4: {  	s4 =	simm.s32 $0x0;
	s5 =	stileid.u32;
	s29 =	simm.s32 $0x1  }
0x5: {  	s28 =	simm.s32 $0xB900;
	s31 =	simm.s32 $0xD900;
	[smem:$0x7FF] =	sst s4  }
0x6: {  	s2 =	sand.u32 $0x1, s2;
	s7 =	sadd.s32 $0x313600, s0;
	s25 =	sadd.s32 $0x313400, s0  }
0x7: {  	s5 =	sshll.u32 s5, $0x8;
	s8 =	sadd.s32 $0x185A00, s0;
	s15 =	sadd.s32 $0x195A00, s0  }
0x8: {  	s11 =	sadd.s32 $0x145A00, s0;
	s10 =	sadd.s32 $0x1A5A00, s0;
	s6 =	sshll.u32 s2, $0x7  }
0x9: {  	_ =	strace $0x8000004D;
	s2 =	ssub.s32 $0x2, s2;
	s5 =	sor.u32 s6, s5  }
0xa: {  	s6 =	sadd.s32 $0x100, s1;
	s9 =	sshrl.u32 s5, $0x3;
	s26 =	sshll.u32 s5, $0x4  }
0xb: {  	s13 =	sshll.u32 s5, $0x6;
	s14 =	sor.u32 $0x40, s5;
	s12 =	sadd.s32 s7, s9  }
0xc: {  	s9 =	sadd.s32 s25, s9;
	s30 =	sadd.s32 s8, s26;
	[dreg:$0x4] =	wrdreg s12  }
0xd: {  	s16 =	sadd.s32 s11, s13;
	s17 =	sadd.s32 s10, s13;
	[dreg:$0x5] =	wrdreg s9  }
0xe: {  	s18 =	sshrl.u32 s14, $0x3;
	s13 =	sadd.s32 $0x313C00, s0;
	[dreg:$0x6] =	wrdreg s30  }
0xf: {  	s21 =	sshll.u32 s14, $0x4;
	s24 =	sshll.u32 s14, $0x6;
	[dreg:$0x8] =	wrdreg s16  }
0x10: {  	s14 =	simm.s32 $0xD100;
	s12 =	sadd.s32 s15, s26;
	[dreg:$0x9] =	wrdreg s17  }
0x11: {  	s19 =	sadd.s32 s7, s18;
	s20 =	sadd.s32 s25, s18;
	s22 =	sadd.s32 s8, s21  }
0x12: {  	s23 =	sadd.s32 s15, s21;
	s25 =	sshrl.u32 s2, $0x1;
	[dreg:$0x7] =	wrdreg s12  }
0x13: {  	s26 =	sadd.s32 s11, s24;
	s30 =	sadd.s32 s10, s24;
	[dreg:$0xa] =	wrdreg s19  }
0x14: {  	s7 =	sadd.s32 $0x100, s3;
	s9 =	simm.s32 $0x2;
	[dreg:$0xb] =	wrdreg s20  }
0x15: {  	s15 =	simm.s32 $0x5900;
	s16 =	simm.s32 $0x6100;
	[dreg:$0xc] =	wrdreg s22  }
0x16: {  	s17 =	simm.s32 $0x6900;
	s18 =	simm.s32 $0x7100;
	[dreg:$0xd] =	wrdreg s23  }
0x17: {  	s21 =	simm.s32 $0x8900;
	s24 =	simm.s32 $0xA100;
	[dreg:$0xe] =	wrdreg s26  }
0x18: {  	s10 =	simm.s32 $0x4100;
	s2 =	ssub.s32 s2, s25;
	[dreg:$0xf] =	wrdreg s30  }
0x19: {  	v2 =	vlaneseq.u32;
	s12 =	simm.s32 $0x40;
	s19 =	simm.s32 $0x7900;
	s20 =	simm.s32 $0x8100  }
0x1a: {  	vm0 =	vmmov $0xffff;
	v1 =	vshrl.u32 v2, $0x3;
	s22 =	simm.s32 $0x9100;
	s23 =	simm.s32 $0x9900;
	s25 =	simm.s32 $0xA900  }
0x1b: {  	v0 =	vand.u32 $0x7, v2;
	v2 =	vor.u32 $0x8, v2;
	v1 =	vmul.u32 $0x8, v1;
	s26 =	simm.s32 $0xB100;
	s8 =	smax.u32 s2, $0x1;
	s2 =	simm.s32 $0xC100  }
.LBB2_1:
0x1c: {  	s30 =	rddreg [dreg:$0x4]  }
0x1d: {  	[tilespmem:s4], [sflag:$0x2] =	stream.linear.gather [hbm4b:s30+s4], $0x40, $0x38;
	[tilespmem:$0x14100] =	vst v63  }
0x1e: {  	_ =	swait.ge [sflag:s9], $0x40  }
0x1f: {  	[sflag:s9] =	ssyncset.done $0x0  }
0x20: {  	s11 =	simm.s32 $0x80;
	s5 =	rddreg [dreg:$0x5];
	[sflag:s9] =	ssyncadd.s32 $0xFFFFFFC0  }
0x21: {  	[tilespmem:s11], [sflag:$0x2] =	stream.linear.gather [hbm4b:s5+s4], $0x40, $0x38;
	[tilespmem:$0x14100] =	vst v63  }
0x22: {  	_ =	swait.ge [sflag:s9], $0x40  }
0x23: {  	[sflag:s9] =	ssyncset.done $0x0  }
0x24: {  	s0 =	simm.s32 $0x100;
	[sflag:s9] =	ssyncadd.s32 $0xFFFFFFC0  }
0x25: {  	[tilespmem:s0], [sflag:$0x1] =	stream.indirect.gather [hbm4b:s13+s12], $0x80, s4, s12, $0xb8;
	[tilespmem:$0x14100] =	vst v63  }
0x26: {  	s30 =	simm.s32 $0x2100  }
0x27: {  	[tilespmem:s30], [sflag:$0x1] =	stream.indirect.gather [hbm4b:s13+s12], $0x80, s11, s12, $0xb8;
	[tilespmem:$0x14100] =	vst v63  }
0x28: {  	v3 =	vld [tilespmem:$0x0];
	_ =	sdelay $0x4  }
0x29: {  	v4 =	vshll.u32 v3, $0x2  }
0x2a: {  	v3 =	vand.u32 $0x7, v3;
	v4 =	vand.u32 $0xFFFFFFE0, v4  }
0x2b: {  	v3 =	vor.u32 v3, v4  }
0x2c: {  	v4 =	vperm.xlane v3, v0;
	_ =	sdelay $0x1  }
0x2d: {  	v4 =	vadd.s32 v1, v4;
	_ =	sdelay $0x1  }
0x2e: {  	v3 =	vperm.xlane v3, v2;
	_ =	sdelay $0x1  }
0x2f: {  	s5 =	simm.s32 $0x4100;
	v3 =	vadd.s32 v1, v3  }
0x30: {  	[tilespmem:s5], [sflag:$0x1] =	stream.indirect_vreg.gather [hbm4b:s1+s4], $0x80, v4, vm0, $0xb8;
	[tilespmem:$0x14100] =	vst v63  }
0x31: {  	s30 =	simm.s32 $0x4900  }
0x32: {  	[tilespmem:s30], [sflag:$0x1] =	stream.indirect_vreg.gather [hbm4b:s6+s4], $0x80, v4, vm0, $0xb8;
	[tilespmem:$0x14100] =	vst v63  }
0x33: {  	s5 =	simm.s32 $0x5100  }
0x34: {  	[tilespmem:s5], [sflag:$0x1] =	stream.indirect_vreg.gather [hbm4b:s1+s4], $0x80, v3, vm0, $0xb8;
	[tilespmem:$0x14100] =	vst v63  }
0x35: {  	_ = 	snop  }
0x36: {  	[tilespmem:s15], [sflag:$0x1] =	stream.indirect_vreg.gather [hbm4b:s6+s4], $0x80, v3, vm0, $0xb8;
	[tilespmem:$0x14100] =	vst v63  }
0x37: {  	v3 =	vld [tilespmem:$0x10];
	_ =	sdelay $0x4  }
0x38: {  	v49 =	vshll.u32 v3, $0x2  }
0x39: {  	v3 =	vand.u32 $0x7, v3;
	v4 =	vand.u32 $0xFFFFFFE0, v49  }
0x3a: {  	v3 =	vor.u32 v3, v4  }
0x3b: {  	v4 =	vperm.xlane v3, v0;
	_ =	sdelay $0x1  }
0x3c: {  	v4 =	vadd.s32 v1, v4;
	_ =	sdelay $0x1  }
0x3d: {  	v3 =	vperm.xlane v3, v2;
	_ =	sdelay $0x1  }
0x3e: {  	v3 =	vadd.s32 v1, v3  }
0x3f: {  	[tilespmem:s16], [sflag:$0x1] =	stream.indirect_vreg.gather [hbm4b:s1+s4], $0x80, v4, vm0, $0xb8;
	[tilespmem:$0x14100] =	vst v63  }
0x40: {  	_ = 	snop  }
0x41: {  	[tilespmem:s17], [sflag:$0x1] =	stream.indirect_vreg.gather [hbm4b:s6+s4], $0x80, v4, vm0, $0xb8;
	[tilespmem:$0x14100] =	vst v63  }
0x42: {  	_ = 	snop  }
0x43: {  	[tilespmem:s18], [sflag:$0x1] =	stream.indirect_vreg.gather [hbm4b:s1+s4], $0x80, v3, vm0, $0xb8;
	[tilespmem:$0x14100] =	vst v63  }
0x44: {  	_ = 	snop  }
0x45: {  	[tilespmem:s19], [sflag:$0x1] =	stream.indirect_vreg.gather [hbm4b:s6+s4], $0x80, v3, vm0, $0xb8;
	[tilespmem:$0x14100] =	vst v63  }
0x46: {  	v3 =	vld [tilespmem:$0x20];
	_ =	sdelay $0x4  }
0x47: {  	v50 =	vshll.u32 v3, $0x2  }
0x48: {  	v3 =	vand.u32 $0x7, v3;
	v4 =	vand.u32 $0xFFFFFFE0, v50  }
0x49: {  	v3 =	vor.u32 v3, v4  }
0x4a: {  	v4 =	vperm.xlane v3, v0;
	_ =	sdelay $0x1  }
0x4b: {  	v4 =	vadd.s32 v1, v4;
	_ =	sdelay $0x1  }
0x4c: {  	v3 =	vperm.xlane v3, v2;
	_ =	sdelay $0x1  }
0x4d: {  	v3 =	vadd.s32 v1, v3  }
0x4e: {  	[tilespmem:s20], [sflag:$0x1] =	stream.indirect_vreg.gather [hbm4b:s1+s4], $0x80, v4, vm0, $0xb8;
	[tilespmem:$0x14100] =	vst v63  }
0x4f: {  	_ = 	snop  }
0x50: {  	[tilespmem:s21], [sflag:$0x1] =	stream.indirect_vreg.gather [hbm4b:s6+s4], $0x80, v4, vm0, $0xb8;
	[tilespmem:$0x14100] =	vst v63  }
0x51: {  	_ = 	snop  }
0x52: {  	[tilespmem:s22], [sflag:$0x1] =	stream.indirect_vreg.gather [hbm4b:s1+s4], $0x80, v3, vm0, $0xb8;
	[tilespmem:$0x14100] =	vst v63  }
0x53: {  	_ = 	snop  }
0x54: {  	[tilespmem:s23], [sflag:$0x1] =	stream.indirect_vreg.gather [hbm4b:s6+s4], $0x80, v3, vm0, $0xb8;
	[tilespmem:$0x14100] =	vst v63  }
0x55: {  	v3 =	vld [tilespmem:$0x30];
	_ =	sdelay $0x4  }
0x56: {  	v51 =	vshll.u32 v3, $0x2  }
0x57: {  	v3 =	vand.u32 $0x7, v3;
	v4 =	vand.u32 $0xFFFFFFE0, v51  }
0x58: {  	v3 =	vor.u32 v3, v4  }
0x59: {  	v4 =	vperm.xlane v3, v0;
	_ =	sdelay $0x1  }
0x5a: {  	v4 =	vadd.s32 v1, v4;
	_ =	sdelay $0x1  }
0x5b: {  	v3 =	vperm.xlane v3, v2;
	_ =	sdelay $0x1  }
0x5c: {  	v3 =	vadd.s32 v1, v3  }
0x5d: {  	[tilespmem:s24], [sflag:$0x1] =	stream.indirect_vreg.gather [hbm4b:s1+s4], $0x80, v4, vm0, $0xb8;
	[tilespmem:$0x14100] =	vst v63  }
0x5e: {  	_ = 	snop  }
0x5f: {  	[tilespmem:s25], [sflag:$0x1] =	stream.indirect_vreg.gather [hbm4b:s6+s4], $0x80, v4, vm0, $0xb8;
	[tilespmem:$0x14100] =	vst v63  }
0x60: {  	_ = 	snop  }
0x61: {  	[tilespmem:s26], [sflag:$0x1] =	stream.indirect_vreg.gather [hbm4b:s1+s4], $0x80, v3, vm0, $0xb8;
	[tilespmem:$0x14100] =	vst v63  }
0x62: {  	_ = 	snop  }
0x63: {  	[tilespmem:s28], [sflag:$0x1] =	stream.indirect_vreg.gather [hbm4b:s6+s4], $0x80, v3, vm0, $0xb8;
	[tilespmem:$0x14100] =	vst v63  }
0x64: {  	v3 =	vld [tilespmem:$0x80];
	_ =	sdelay $0x4  }
0x65: {  	v52 =	vshll.u32 v3, $0x2  }
0x66: {  	v3 =	vand.u32 $0x7, v3;
	v4 =	vand.u32 $0xFFFFFFE0, v52  }
0x67: {  	v3 =	vor.u32 v3, v4  }
0x68: {  	v4 =	vperm.xlane v3, v0;
	_ =	sdelay $0x1  }
0x69: {  	v4 =	vadd.s32 v1, v4;
	_ =	sdelay $0x1  }
0x6a: {  	v3 =	vperm.xlane v3, v2;
	_ =	sdelay $0x1  }
0x6b: {  	v3 =	vadd.s32 v1, v3  }
0x6c: {  	[tilespmem:s2], [sflag:$0x1] =	stream.indirect_vreg.gather [hbm4b:s3+s4], $0x80, v4, vm0, $0xb8;
	[tilespmem:$0x14100] =	vst v63  }
0x6d: {  	s30 =	simm.s32 $0xC900  }
0x6e: {  	[tilespmem:s30], [sflag:$0x1] =	stream.indirect_vreg.gather [hbm4b:s7+s4], $0x80, v4, vm0, $0xb8;
	[tilespmem:$0x14100] =	vst v63  }
0x6f: {  	_ = 	snop  }
0x70: {  	[tilespmem:s14], [sflag:$0x1] =	stream.indirect_vreg.gather [hbm4b:s3+s4], $0x80, v3, vm0, $0xb8;
	[tilespmem:$0x14100] =	vst v63  }
0x71: {  	_ = 	snop  }
0x72: {  	[tilespmem:s31], [sflag:$0x1] =	stream.indirect_vreg.gather [hbm4b:s7+s4], $0x80, v3, vm0, $0xb8;
	[tilespmem:$0x14100] =	vst v63  }
0x73: {  	v3 =	vld [tilespmem:$0x90];
	_ =	sdelay $0x4  }
0x74: {  	v53 =	vshll.u32 v3, $0x2  }
0x75: {  	v3 =	vand.u32 $0x7, v3;
	v4 =	vand.u32 $0xFFFFFFE0, v53  }
0x76: {  	v3 =	vor.u32 v3, v4  }
0x77: {  	v4 =	vperm.xlane v3, v0;
	_ =	sdelay $0x1  }
0x78: {  	v4 =	vadd.s32 v1, v4;
	_ =	sdelay $0x1  }
0x79: {  	v3 =	vperm.xlane v3, v2;
	_ =	sdelay $0x1  }
0x7a: {  	s5 =	simm.s32 $0xE100;
	v3 =	vadd.s32 v1, v3  }
0x7b: {  	[tilespmem:s5], [sflag:$0x1] =	stream.indirect_vreg.gather [hbm4b:s3+s4], $0x80, v4, vm0, $0xb8;
	[tilespmem:$0x14100] =	vst v63  }
0x7c: {  	s30 =	simm.s32 $0xE900  }
0x7d: {  	[tilespmem:s30], [sflag:$0x1] =	stream.indirect_vreg.gather [hbm4b:s7+s4], $0x80, v4, vm0, $0xb8;
	[tilespmem:$0x14100] =	vst v63  }
0x7e: {  	s5 =	simm.s32 $0xF100  }
0x7f: {  	[tilespmem:s5], [sflag:$0x1] =	stream.indirect_vreg.gather [hbm4b:s3+s4], $0x80, v3, vm0, $0xb8;
	[tilespmem:$0x14100] =	vst v63  }
0x80: {  	s30 =	simm.s32 $0xF900  }
0x81: {  	[tilespmem:s30], [sflag:$0x1] =	stream.indirect_vreg.gather [hbm4b:s7+s4], $0x80, v3, vm0, $0xb8;
	[tilespmem:$0x14100] =	vst v63  }
0x82: {  	v3 =	vld [tilespmem:$0xA0];
	_ =	sdelay $0x4  }
0x83: {  	v54 =	vshll.u32 v3, $0x2  }
0x84: {  	v3 =	vand.u32 $0x7, v3;
	v4 =	vand.u32 $0xFFFFFFE0, v54  }
0x85: {  	v3 =	vor.u32 v3, v4  }
0x86: {  	v4 =	vperm.xlane v3, v0;
	_ =	sdelay $0x1  }
0x87: {  	v4 =	vadd.s32 v1, v4;
	_ =	sdelay $0x1  }
0x88: {  	v3 =	vperm.xlane v3, v2;
	_ =	sdelay $0x1  }
0x89: {  	s5 =	simm.s32 $0x10100;
	v3 =	vadd.s32 v1, v3  }
0x8a: {  	[tilespmem:s5], [sflag:$0x1] =	stream.indirect_vreg.gather [hbm4b:s3+s4], $0x80, v4, vm0, $0xb8;
	[tilespmem:$0x14100] =	vst v63  }
0x8b: {  	s30 =	simm.s32 $0x10900  }
0x8c: {  	[tilespmem:s30], [sflag:$0x1] =	stream.indirect_vreg.gather [hbm4b:s7+s4], $0x80, v4, vm0, $0xb8;
	[tilespmem:$0x14100] =	vst v63  }
0x8d: {  	s5 =	simm.s32 $0x11100  }
0x8e: {  	[tilespmem:s5], [sflag:$0x1] =	stream.indirect_vreg.gather [hbm4b:s3+s4], $0x80, v3, vm0, $0xb8;
	[tilespmem:$0x14100] =	vst v63  }
0x8f: {  	s30 =	simm.s32 $0x11900  }
0x90: {  	[tilespmem:s30], [sflag:$0x1] =	stream.indirect_vreg.gather [hbm4b:s7+s4], $0x80, v3, vm0, $0xb8;
	[tilespmem:$0x14100] =	vst v63  }
0x91: {  	v3 =	vld [tilespmem:$0xB0];
	_ =	sdelay $0x4  }
0x92: {  	v55 =	vshll.u32 v3, $0x2  }
0x93: {  	v3 =	vand.u32 $0x7, v3;
	v4 =	vand.u32 $0xFFFFFFE0, v55  }
0x94: {  	v3 =	vor.u32 v3, v4  }
0x95: {  	v4 =	vperm.xlane v3, v0;
	_ =	sdelay $0x1  }
0x96: {  	v4 =	vadd.s32 v1, v4;
	_ =	sdelay $0x1  }
0x97: {  	v3 =	vperm.xlane v3, v2;
	_ =	sdelay $0x1  }
0x98: {  	s5 =	simm.s32 $0x12100;
	v3 =	vadd.s32 v1, v3  }
0x99: {  	[tilespmem:s5], [sflag:$0x1] =	stream.indirect_vreg.gather [hbm4b:s3+s4], $0x80, v4, vm0, $0xb8;
	[tilespmem:$0x14100] =	vst v63  }
0x9a: {  	s30 =	simm.s32 $0x12900  }
0x9b: {  	[tilespmem:s30], [sflag:$0x1] =	stream.indirect_vreg.gather [hbm4b:s7+s4], $0x80, v4, vm0, $0xb8;
	[tilespmem:$0x14100] =	vst v63  }
0x9c: {  	s5 =	simm.s32 $0x13100  }
0x9d: {  	[tilespmem:s5], [sflag:$0x1] =	stream.indirect_vreg.gather [hbm4b:s3+s4], $0x80, v3, vm0, $0xb8;
	[tilespmem:$0x14100] =	vst v63  }
0x9e: {  	s30 =	simm.s32 $0x13900  }
0x9f: {  	[tilespmem:s30], [sflag:$0x1] =	stream.indirect_vreg.gather [hbm4b:s7+s4], $0x80, v3, vm0, $0xb8;
	[tilespmem:$0x14100] =	vst v63  }
0xa0: {  	_ =	swait.ge [sflag:s29], $0x2000  }
0xa1: {  	[sflag:s29] =	ssyncset.done $0x0  }
0xa2: {  	[sflag:s29] =	ssyncadd.s32 $0xFFFFE000  }
0xa3: {  	_ =	swait.ge [sflag:s29], $0x2000  }
0xa4: {  	[sflag:s29] =	ssyncset.done $0x0  }
0xa5: {  	[sflag:s29] =	ssyncadd.s32 $0xFFFFE000  }
0xa6: {  	_ =	swait.ge [sflag:s29], $0x8000  }
0xa7: {  	[sflag:s29] =	ssyncset.done $0x0  }
0xa8: {  	[sflag:s29] =	ssyncadd.s32 $0xFFFF8000  }
0xa9: {  	_ =	swait.ge [sflag:s29], $0x8000  }
0xaa: {  	[sflag:s29] =	ssyncset.done $0x0  }
0xab: {  	s5 =	simm.s32 $0x100;
	s0 =	rddreg [dreg:$0x6];
	[sflag:s29] =	ssyncadd.s32 $0xFFFF8000  }
0xac: {  	[hbm4b:s0+s4] =	stream.linear.scatter [tilespmem:s5], [sflag:$0x2], $0x2000, $0x38;
	[tilespmem:$0x14100] =	vst v63  }
0xad: {  	_ =	swait.ge [sflag:s9], $0x2000  }
0xae: {  	[sflag:s9] =	ssyncset.done $0x0  }
0xaf: {  	s0 =	simm.s32 $0x2100;
	s30 =	rddreg [dreg:$0x7];
	[sflag:s9] =	ssyncadd.s32 $0xFFFFE000  }
0xb0: {  	[hbm4b:s30+s4] =	stream.linear.scatter [tilespmem:s0], [sflag:$0x2], $0x2000, $0x38;
	[tilespmem:$0x14100] =	vst v63  }
0xb1: {  	_ =	swait.ge [sflag:s9], $0x2000  }
0xb2: {  	[sflag:s9] =	ssyncset.done $0x0  }
0xb3: {  	s30 =	rddreg [dreg:$0x8];
	[sflag:s9] =	ssyncadd.s32 $0xFFFFE000  }
0xb4: {  	[hbm4b:s30+s4] =	stream.linear.scatter [tilespmem:s10], [sflag:$0x2], $0x8000, $0x38;
	[tilespmem:$0x14100] =	vst v63  }
0xb5: {  	_ =	swait.ge [sflag:s9], $0x8000  }
0xb6: {  	[sflag:s9] =	ssyncset.done $0x0  }
0xb7: {  	s30 =	rddreg [dreg:$0x9];
	[sflag:s9] =	ssyncadd.s32 $0xFFFF8000  }
0xb8: {  	[hbm4b:s30+s4] =	stream.linear.scatter [tilespmem:s2], [sflag:$0x2], $0x8000, $0x38;
	[tilespmem:$0x14100] =	vst v63  }
0xb9: {  	_ =	swait.ge [sflag:s9], $0x8000  }
0xba: {  	[sflag:s9] =	ssyncset.done $0x0  }
0xbb: {  	s30 =	rddreg [dreg:$0xa];
	[sflag:s9] =	ssyncadd.s32 $0xFFFF8000  }
0xbc: {  	[tilespmem:s4], [sflag:$0x2] =	stream.linear.gather [hbm4b:s30+s4], $0x40, $0x38;
	[tilespmem:$0x14100] =	vst v63  }
0xbd: {  	_ =	swait.ge [sflag:s9], $0x40  }
0xbe: {  	[sflag:s9] =	ssyncset.done $0x0  }
0xbf: {  	s30 =	rddreg [dreg:$0xb];
	[sflag:s9] =	ssyncadd.s32 $0xFFFFFFC0  }
0xc0: {  	[tilespmem:s11], [sflag:$0x2] =	stream.linear.gather [hbm4b:s30+s4], $0x40, $0x38;
	[tilespmem:$0x14100] =	vst v63  }
0xc1: {  	_ =	swait.ge [sflag:s9], $0x40  }
0xc2: {  	[sflag:s9] =	ssyncset.done $0x0  }
0xc3: {  	[sflag:s9] =	ssyncadd.s32 $0xFFFFFFC0  }
0xc4: {  	[tilespmem:s5], [sflag:$0x1] =	stream.indirect.gather [hbm4b:s13+s12], $0x80, s4, s12, $0xb8;
	[tilespmem:$0x14100] =	vst v63  }
0xc5: {  	_ = 	snop  }
0xc6: {  	[tilespmem:s0], [sflag:$0x1] =	stream.indirect.gather [hbm4b:s13+s12], $0x80, s11, s12, $0xb8;
	[tilespmem:$0x14100] =	vst v63  }
0xc7: {  	v3 =	vld [tilespmem:$0x0];
	_ =	sdelay $0x4  }
0xc8: {  	v56 =	vshll.u32 v3, $0x2  }
0xc9: {  	v3 =	vand.u32 $0x7, v3;
	v4 =	vand.u32 $0xFFFFFFE0, v56  }
0xca: {  	v3 =	vor.u32 v3, v4  }
0xcb: {  	v4 =	vperm.xlane v3, v0;
	_ =	sdelay $0x1  }
0xcc: {  	v4 =	vadd.s32 v1, v4;
	_ =	sdelay $0x1  }
0xcd: {  	v3 =	vperm.xlane v3, v2;
	_ =	sdelay $0x1  }
0xce: {  	v3 =	vadd.s32 v1, v3  }
0xcf: {  	[tilespmem:s10], [sflag:$0x1] =	stream.indirect_vreg.gather [hbm4b:s1+s4], $0x80, v4, vm0, $0xb8;
	[tilespmem:$0x14100] =	vst v63  }
0xd0: {  	s30 =	simm.s32 $0x4900  }
0xd1: {  	[tilespmem:s30], [sflag:$0x1] =	stream.indirect_vreg.gather [hbm4b:s6+s4], $0x80, v4, vm0, $0xb8;
	[tilespmem:$0x14100] =	vst v63  }
0xd2: {  	s30 =	simm.s32 $0x5100  }
0xd3: {  	[tilespmem:s30], [sflag:$0x1] =	stream.indirect_vreg.gather [hbm4b:s1+s4], $0x80, v3, vm0, $0xb8;
	[tilespmem:$0x14100] =	vst v63  }
0xd4: {  	_ = 	snop  }
0xd5: {  	[tilespmem:s15], [sflag:$0x1] =	stream.indirect_vreg.gather [hbm4b:s6+s4], $0x80, v3, vm0, $0xb8;
	[tilespmem:$0x14100] =	vst v63  }
0xd6: {  	v3 =	vld [tilespmem:$0x10];
	_ =	sdelay $0x4  }
0xd7: {  	v57 =	vshll.u32 v3, $0x2  }
0xd8: {  	v3 =	vand.u32 $0x7, v3;
	v4 =	vand.u32 $0xFFFFFFE0, v57  }
0xd9: {  	v3 =	vor.u32 v3, v4  }
0xda: {  	v4 =	vperm.xlane v3, v0;
	_ =	sdelay $0x1  }
0xdb: {  	v4 =	vadd.s32 v1, v4;
	_ =	sdelay $0x1  }
0xdc: {  	v3 =	vperm.xlane v3, v2;
	_ =	sdelay $0x1  }
0xdd: {  	v3 =	vadd.s32 v1, v3  }
0xde: {  	[tilespmem:s16], [sflag:$0x1] =	stream.indirect_vreg.gather [hbm4b:s1+s4], $0x80, v4, vm0, $0xb8;
	[tilespmem:$0x14100] =	vst v63  }
0xdf: {  	_ = 	snop  }
0xe0: {  	[tilespmem:s17], [sflag:$0x1] =	stream.indirect_vreg.gather [hbm4b:s6+s4], $0x80, v4, vm0, $0xb8;
	[tilespmem:$0x14100] =	vst v63  }
0xe1: {  	_ = 	snop  }
0xe2: {  	[tilespmem:s18], [sflag:$0x1] =	stream.indirect_vreg.gather [hbm4b:s1+s4], $0x80, v3, vm0, $0xb8;
	[tilespmem:$0x14100] =	vst v63  }
0xe3: {  	_ = 	snop  }
0xe4: {  	[tilespmem:s19], [sflag:$0x1] =	stream.indirect_vreg.gather [hbm4b:s6+s4], $0x80, v3, vm0, $0xb8;
	[tilespmem:$0x14100] =	vst v63  }
0xe5: {  	v3 =	vld [tilespmem:$0x20];
	_ =	sdelay $0x4  }
0xe6: {  	v58 =	vshll.u32 v3, $0x2  }
0xe7: {  	v3 =	vand.u32 $0x7, v3;
	v4 =	vand.u32 $0xFFFFFFE0, v58  }
0xe8: {  	v3 =	vor.u32 v3, v4  }
0xe9: {  	v4 =	vperm.xlane v3, v0;
	_ =	sdelay $0x1  }
0xea: {  	v4 =	vadd.s32 v1, v4;
	_ =	sdelay $0x1  }
0xeb: {  	v3 =	vperm.xlane v3, v2;
	_ =	sdelay $0x1  }
0xec: {  	v3 =	vadd.s32 v1, v3  }
0xed: {  	[tilespmem:s20], [sflag:$0x1] =	stream.indirect_vreg.gather [hbm4b:s1+s4], $0x80, v4, vm0, $0xb8;
	[tilespmem:$0x14100] =	vst v63  }
0xee: {  	_ = 	snop  }
0xef: {  	[tilespmem:s21], [sflag:$0x1] =	stream.indirect_vreg.gather [hbm4b:s6+s4], $0x80, v4, vm0, $0xb8;
	[tilespmem:$0x14100] =	vst v63  }
0xf0: {  	_ = 	snop  }
0xf1: {  	[tilespmem:s22], [sflag:$0x1] =	stream.indirect_vreg.gather [hbm4b:s1+s4], $0x80, v3, vm0, $0xb8;
	[tilespmem:$0x14100] =	vst v63  }
0xf2: {  	_ = 	snop  }
0xf3: {  	[tilespmem:s23], [sflag:$0x1] =	stream.indirect_vreg.gather [hbm4b:s6+s4], $0x80, v3, vm0, $0xb8;
	[tilespmem:$0x14100] =	vst v63  }
0xf4: {  	v3 =	vld [tilespmem:$0x30];
	_ =	sdelay $0x4  }
0xf5: {  	v59 =	vshll.u32 v3, $0x2  }
0xf6: {  	v3 =	vand.u32 $0x7, v3;
	v4 =	vand.u32 $0xFFFFFFE0, v59  }
0xf7: {  	v3 =	vor.u32 v3, v4  }
0xf8: {  	v4 =	vperm.xlane v3, v0;
	_ =	sdelay $0x1  }
0xf9: {  	v4 =	vadd.s32 v1, v4;
	_ =	sdelay $0x1  }
0xfa: {  	v3 =	vperm.xlane v3, v2;
	_ =	sdelay $0x1  }
0xfb: {  	v3 =	vadd.s32 v1, v3  }
0xfc: {  	[tilespmem:s24], [sflag:$0x1] =	stream.indirect_vreg.gather [hbm4b:s1+s4], $0x80, v4, vm0, $0xb8;
	[tilespmem:$0x14100] =	vst v63  }
0xfd: {  	_ = 	snop  }
0xfe: {  	[tilespmem:s25], [sflag:$0x1] =	stream.indirect_vreg.gather [hbm4b:s6+s4], $0x80, v4, vm0, $0xb8;
	[tilespmem:$0x14100] =	vst v63  }
0xff: {  	_ = 	snop  }
0x100: {  	[tilespmem:s26], [sflag:$0x1] =	stream.indirect_vreg.gather [hbm4b:s1+s4], $0x80, v3, vm0, $0xb8;
	[tilespmem:$0x14100] =	vst v63  }
0x101: {  	_ = 	snop  }
0x102: {  	[tilespmem:s28], [sflag:$0x1] =	stream.indirect_vreg.gather [hbm4b:s6+s4], $0x80, v3, vm0, $0xb8;
	[tilespmem:$0x14100] =	vst v63  }
0x103: {  	v3 =	vld [tilespmem:$0x80];
	_ =	sdelay $0x4  }
0x104: {  	v60 =	vshll.u32 v3, $0x2  }
0x105: {  	v3 =	vand.u32 $0x7, v3;
	v4 =	vand.u32 $0xFFFFFFE0, v60  }
0x106: {  	v3 =	vor.u32 v3, v4  }
0x107: {  	v4 =	vperm.xlane v3, v0;
	_ =	sdelay $0x1  }
0x108: {  	v4 =	vadd.s32 v1, v4;
	_ =	sdelay $0x1  }
0x109: {  	v3 =	vperm.xlane v3, v2;
	_ =	sdelay $0x1  }
0x10a: {  	v3 =	vadd.s32 v1, v3  }
0x10b: {  	[tilespmem:s2], [sflag:$0x1] =	stream.indirect_vreg.gather [hbm4b:s3+s4], $0x80, v4, vm0, $0xb8;
	[tilespmem:$0x14100] =	vst v63  }
0x10c: {  	s30 =	simm.s32 $0xC900  }
0x10d: {  	[tilespmem:s30], [sflag:$0x1] =	stream.indirect_vreg.gather [hbm4b:s7+s4], $0x80, v4, vm0, $0xb8;
	[tilespmem:$0x14100] =	vst v63  }
0x10e: {  	_ = 	snop  }
0x10f: {  	[tilespmem:s14], [sflag:$0x1] =	stream.indirect_vreg.gather [hbm4b:s3+s4], $0x80, v3, vm0, $0xb8;
	[tilespmem:$0x14100] =	vst v63  }
0x110: {  	_ = 	snop  }
0x111: {  	[tilespmem:s31], [sflag:$0x1] =	stream.indirect_vreg.gather [hbm4b:s7+s4], $0x80, v3, vm0, $0xb8;
	[tilespmem:$0x14100] =	vst v63  }
0x112: {  	v3 =	vld [tilespmem:$0x90];
	_ =	sdelay $0x4  }
0x113: {  	v61 =	vshll.u32 v3, $0x2  }
0x114: {  	v3 =	vand.u32 $0x7, v3;
	v4 =	vand.u32 $0xFFFFFFE0, v61  }
0x115: {  	v3 =	vor.u32 v3, v4  }
0x116: {  	v4 =	vperm.xlane v3, v0;
	_ =	sdelay $0x1  }
0x117: {  	v4 =	vadd.s32 v1, v4;
	_ =	sdelay $0x1  }
0x118: {  	v3 =	vperm.xlane v3, v2;
	_ =	sdelay $0x1  }
0x119: {  	s30 =	simm.s32 $0xE100;
	v3 =	vadd.s32 v1, v3  }
0x11a: {  	[tilespmem:s30], [sflag:$0x1] =	stream.indirect_vreg.gather [hbm4b:s3+s4], $0x80, v4, vm0, $0xb8;
	[tilespmem:$0x14100] =	vst v63  }
0x11b: {  	s30 =	simm.s32 $0xE900  }
0x11c: {  	[tilespmem:s30], [sflag:$0x1] =	stream.indirect_vreg.gather [hbm4b:s7+s4], $0x80, v4, vm0, $0xb8;
	[tilespmem:$0x14100] =	vst v63  }
0x11d: {  	s30 =	simm.s32 $0xF100  }
0x11e: {  	[tilespmem:s30], [sflag:$0x1] =	stream.indirect_vreg.gather [hbm4b:s3+s4], $0x80, v3, vm0, $0xb8;
	[tilespmem:$0x14100] =	vst v63  }
0x11f: {  	s30 =	simm.s32 $0xF900  }
0x120: {  	[tilespmem:s30], [sflag:$0x1] =	stream.indirect_vreg.gather [hbm4b:s7+s4], $0x80, v3, vm0, $0xb8;
	[tilespmem:$0x14100] =	vst v63  }
0x121: {  	v3 =	vld [tilespmem:$0xA0];
	_ =	sdelay $0x4  }
0x122: {  	v62 =	vshll.u32 v3, $0x2  }
0x123: {  	v3 =	vand.u32 $0x7, v3;
	v4 =	vand.u32 $0xFFFFFFE0, v62  }
0x124: {  	v3 =	vor.u32 v3, v4  }
0x125: {  	v4 =	vperm.xlane v3, v0;
	_ =	sdelay $0x1  }
0x126: {  	v4 =	vadd.s32 v1, v4;
	_ =	sdelay $0x1  }
0x127: {  	v3 =	vperm.xlane v3, v2;
	_ =	sdelay $0x1  }
0x128: {  	s30 =	simm.s32 $0x10100;
	v3 =	vadd.s32 v1, v3  }
0x129: {  	[tilespmem:s30], [sflag:$0x1] =	stream.indirect_vreg.gather [hbm4b:s3+s4], $0x80, v4, vm0, $0xb8;
	[tilespmem:$0x14100] =	vst v63  }
0x12a: {  	s30 =	simm.s32 $0x10900  }
0x12b: {  	[tilespmem:s30], [sflag:$0x1] =	stream.indirect_vreg.gather [hbm4b:s7+s4], $0x80, v4, vm0, $0xb8;
	[tilespmem:$0x14100] =	vst v63  }
0x12c: {  	s30 =	simm.s32 $0x11100  }
0x12d: {  	[tilespmem:s30], [sflag:$0x1] =	stream.indirect_vreg.gather [hbm4b:s3+s4], $0x80, v3, vm0, $0xb8;
	[tilespmem:$0x14100] =	vst v63  }
0x12e: {  	s30 =	simm.s32 $0x11900  }
0x12f: {  	[tilespmem:s30], [sflag:$0x1] =	stream.indirect_vreg.gather [hbm4b:s7+s4], $0x80, v3, vm0, $0xb8;
	[tilespmem:$0x14100] =	vst v63  }
0x130: {  	v3 =	vld [tilespmem:$0xB0];
	_ =	sdelay $0x4  }
0x131: {  	v63 =	vshll.u32 v3, $0x2  }
0x132: {  	v3 =	vand.u32 $0x7, v3;
	v4 =	vand.u32 $0xFFFFFFE0, v63  }
0x133: {  	v3 =	vor.u32 v3, v4  }
0x134: {  	v4 =	vperm.xlane v3, v0;
	_ =	sdelay $0x1  }
0x135: {  	v4 =	vadd.s32 v1, v4;
	_ =	sdelay $0x1  }
0x136: {  	v3 =	vperm.xlane v3, v2;
	_ =	sdelay $0x1  }
0x137: {  	s30 =	simm.s32 $0x12100;
	v3 =	vadd.s32 v1, v3  }
0x138: {  	[tilespmem:s30], [sflag:$0x1] =	stream.indirect_vreg.gather [hbm4b:s3+s4], $0x80, v4, vm0, $0xb8;
	[tilespmem:$0x14100] =	vst v63  }
0x139: {  	s30 =	simm.s32 $0x12900  }
0x13a: {  	[tilespmem:s30], [sflag:$0x1] =	stream.indirect_vreg.gather [hbm4b:s7+s4], $0x80, v4, vm0, $0xb8;
	[tilespmem:$0x14100] =	vst v63  }
0x13b: {  	s30 =	simm.s32 $0x13100  }
0x13c: {  	[tilespmem:s30], [sflag:$0x1] =	stream.indirect_vreg.gather [hbm4b:s3+s4], $0x80, v3, vm0, $0xb8;
	[tilespmem:$0x14100] =	vst v63  }
0x13d: {  	s30 =	simm.s32 $0x13900  }
0x13e: {  	[tilespmem:s30], [sflag:$0x1] =	stream.indirect_vreg.gather [hbm4b:s7+s4], $0x80, v3, vm0, $0xb8;
	[tilespmem:$0x14100] =	vst v63  }
0x13f: {  	_ =	swait.ge [sflag:s29], $0x2000  }
0x140: {  	[sflag:s29] =	ssyncset.done $0x0  }
0x141: {  	[sflag:s29] =	ssyncadd.s32 $0xFFFFE000  }
0x142: {  	_ =	swait.ge [sflag:s29], $0x2000  }
0x143: {  	[sflag:s29] =	ssyncset.done $0x0  }
0x144: {  	[sflag:s29] =	ssyncadd.s32 $0xFFFFE000  }
0x145: {  	_ =	swait.ge [sflag:s29], $0x8000  }
0x146: {  	[sflag:s29] =	ssyncset.done $0x0  }
0x147: {  	[sflag:s29] =	ssyncadd.s32 $0xFFFF8000  }
0x148: {  	_ =	swait.ge [sflag:s29], $0x8000  }
0x149: {  	[sflag:s29] =	ssyncset.done $0x0  }
0x14a: {  	s5 =	simm.s32 $0x100;
	s30 =	rddreg [dreg:$0xc];
	[sflag:s29] =	ssyncadd.s32 $0xFFFF8000  }
0x14b: {  	[hbm4b:s30+s4] =	stream.linear.scatter [tilespmem:s5], [sflag:$0x2], $0x2000, $0x38;
	[tilespmem:$0x14100] =	vst v63  }
0x14c: {  	_ =	swait.ge [sflag:s9], $0x2000  }
0x14d: {  	[sflag:s9] =	ssyncset.done $0x0  }
0x14e: {  	s11 =	simm.s32 $0x2100;
	s5 =	rddreg [dreg:$0xd];
	[sflag:s9] =	ssyncadd.s32 $0xFFFFE000  }
0x14f: {  	[hbm4b:s5+s4] =	stream.linear.scatter [tilespmem:s11], [sflag:$0x2], $0x2000, $0x38;
	[tilespmem:$0x14100] =	vst v63  }
0x150: {  	_ =	swait.ge [sflag:s9], $0x2000  }
0x151: {  	[sflag:s9] =	ssyncset.done $0x0  }
0x152: {  	s0 =	simm.s32 $0x4100;
	s5 =	rddreg [dreg:$0xe];
	[sflag:s9] =	ssyncadd.s32 $0xFFFFE000  }
0x153: {  	[hbm4b:s5+s4] =	stream.linear.scatter [tilespmem:s0], [sflag:$0x2], $0x8000, $0x38;
	[tilespmem:$0x14100] =	vst v63  }
0x154: {  	_ =	swait.ge [sflag:s9], $0x8000  }
0x155: {  	p0 =	sne.s32 s8, $0x1;
	[sflag:s9] =	ssyncset.done $0x0  }
.Ltmp0:
0x156: {  	s11 =	rddreg [dreg:$0xf];
	[sflag:s9] =	ssyncadd.s32 $0xFFFF8000;
	(pc) =	sbr.rel @p0 .LBB2_1-.Ltmp0, $4  }
0x157: {  	[hbm4b:s11+s4] =	stream.linear.scatter [tilespmem:s2], [sflag:$0x2], $0x8000, $0x38;
	[tilespmem:$0x14100] =	vst v63  }
0x158: {  	_ =	swait.ge [sflag:s9], $0x8000  }
0x159: {  	[sflag:s9] =	ssyncset.done $0x0  }
0x15a: {  	s8 =	sadd.s32 $0xFFFFFFFF, s8;
	[sflag:s9] =	ssyncadd.s32 $0xFFFF8000  }
0x15b: {  	_ =	sfence.sel $0x180000  }
0x15c: {  	[bflag:$0x0] =	sbarrier.arrive $0xFFFF  }
0x15d: {  	_ =	strace $0x9000004D  }
0x15e: {  	s0 =	stileid.u32;
	[bflag:$0x2] =	sbarrier.arrive $0xFFFF  }
0x15f: {  	p0 =	sne.s32 s0, $0x0;
	s0 =	rddreg [dreg:$0x3]  }
0x160: {  	s0 =	sadd.s32 @!p0 $0x100000, s0  }
0x161: {  	[sflag:s0] =	ssyncadd.tile.s32 @!p0 $0x1;
	_ =	shalt  }
.Lfunc_end2:
_tile_overlayer_lowered:
.L_overlay_start_2:
0x162: {  	(tag) =	ssettag $0x2  }
0x163: {  	s0 =	rddreg [dreg:$0x0];
	s2 =	stileid.u32  }
0x164: {  	s1 =	rddreg [dreg:$0x1];
	p0 =	sne.s32 s2, $0x0  }
0x165: {  	s3 =	rddreg [dreg:$0x2];
	[bflag:$0x3] =	sbarrier.arrive $0xFFFF;
	s2 =	simm.s32 @!p0 $0x1C02  }
0x166: {  	[timem:s3], [sflag:s2] =	dma.local @!p0 [hbm:s0], s1  }
0x167: {  	s0 =	simm.s32 @!p0 $0x2  }
0x168: {  	_ =	swait.ge @!p0 [sflag:s0], s1  }
0x169: {  	s1 =	ssub.s32 @!p0 $0x0, s1;
	[sflag:s0] =	ssyncset.done @!p0 $0x0  }
0x16a: {  	[sflag:s0] =	ssyncadd.s32 @!p0 s1  }
0x16b: {  	[bflag:$0x3] =	sbarrier.arrive $0xFFFF  }
0x16c: {  	_ =	shalt  }

// kernel: kernel.19.cloned.1.call-start
scs
__scs_entry_jumppad:
0x0: {  	(pc) =	sbr.rel $0x88, $3  }
0x1: {  	(tag) =	ssettag $0x0;
	lr =	simm.s32 $0x1  }
0x2: {  	[smem:$0x3F90] =	sst lr;
	_ =	strace $0xD0000000  }
0x3: {  	_ = 	snop  }
0x4: {  	_ = 	snop  }
0x5: {  	_ = 	snop  }
0x6: {  	_ = 	snop  }
0x7: {  	_ = 	snop  }
__scs_overlays_trampoline_lowered:
0x8: {  	[smem:$0x3F9F] =	sst s0  }
0x9: {  	[smem:$0x3FA0] =	sst s1  }
0xa: {  	[smem:$0x3FA1] =	sst s2  }
0xb: {  	[smem:$0x3FA2] =	sst s3  }
0xc: {  	[smem:$0x3FA3] =	sst s4  }
0xd: {  	[smem:$0x3FA4] =	sst s5  }
0xe: {  	[smem:$0x3FA5] =	sst s6  }
0xf: {  	[smem:$0x3FA6] =	sst s7  }
0x10: {  	[smem:$0x3FA7] =	sst s8  }
0x11: {  	[smem:$0x3FA8] =	sst s9;
	s0 =	simm.s32 @!p0 $0x0  }
0x12: {  	s1 =	sld [smem:$0x3F8E];
	s0 =	simm.s32 @p0 $0x1  }
0x13: {  	[smem:$0x3FA9] =	sst s0;
	s0 =	simm.s32 @!p1 $0x0  }
0x14: {  	s2 =	sld [smem:$0x3F8D];
	s0 =	simm.s32 @p1 $0x1  }
0x15: {  	[smem:$0x3FAA] =	sst s0;
	s0 =	simm.s32 @!p2 $0x0  }
0x16: {  	s3 =	sld [smem:$0x3FDB];
	s0 =	simm.s32 @p2 $0x1  }
0x17: {  	s4 =	simm.s32 $0x1BF5;
	[smem:$0x3FAC] =	sst s0  }
0x18: {  	s0 =	sld [smem:$0x3F8F];
	_ =	swait.ge [sflag:s4], $0x0  }
0x19: {  	s7 =	sld [smem:$0x3F90]  }
0x1a: {  	s8 =	sadd.s32 $0xFFFFE003, lr  }
0x1b: {  	s9 =	sadd.s32 $0xFFFFFEF7, lr;
	s5 =	simm.s32 $0xFFFFFFFF;
	p2 =	slt.u32 s8, $0xFFFFF086  }
0x1c: {  	p1 =	slt.u32 s9, $0xF7A;
	s5 =	simm.s32 @!p2 $0x0  }
0x1d: {  	s5 =	simm.s32 @p1 $0x1;
	p0 =	seq.s32 s7, s2  }
0x1e: {  	s7 =	smul.u32 @!p0 $0xF7A, s2;
	p2 =	seq.s32 @!p0 s5, $0x0  }
0x1f: {  	s9 =	smul.u32 $0xF7A, s1;
	s8 =	simm.s32 @!p0 $0x1BF5;
	p2 =	por !p2, p0  }
0x20: {  	[sflag:s8] =	ssyncset.s32 @!p0 $0xFFFFF086;
	s6 =	sadd.s32 @!p0 s3, s7;
	s7 =	simm.s32 @!p0 $0x108  }
0x21: {  	s3 =	sadd.s32 s3, s9;
	s6 =	sadd.s32 @!p0 $0x88, s6;
	s7 =	simm.s32 @p2 $0x1082  }
0x22: {  	[simem:s7], [sflag:s8] =	dma.local @!p0 [hbm:s6], $0xF7A  }
0x23: {  	s9 =	sor.u32 $0xD0000000, s2;
	s6 =	simm.s32 $0x108;
	_ =	swait.ge @!p0 [sflag:s8], $0x0  }
0x24: {  	s3 =	sadd.s32 $0x88, s3;
	s6 =	simm.s32 @!p1 $0x1082;
	[sflag:s4] =	ssyncset.s32 $0xFFFFF086  }
0x25: {  	[simem:s6], [sflag:s4] =	dma.local [hbm:s3], $0xF7A  }
0x26: {  	[smem:$0x3F90] =	sst s1;
	(tag) =	ssettag s2;
	_ =	strace s9  }
0x27: {  	s1 =	sld [smem:$0x3FA0]  }
0x28: {  	s2 =	sld [smem:$0x3FA1]  }
0x29: {  	s4 =	sld [smem:$0x3FA3]  }
0x2a: {  	p0 =	seq.s32 s5, $0x0;
	s5 =	sld [smem:$0x3FA4]  }
0x2b: {  	s6 =	sld [smem:$0x3FA5]  }
0x2c: {  	s7 =	sld [smem:$0x3FA6]  }
0x2d: {  	s3 =	simm.s32 $0x108;
	s8 =	sld [smem:$0x3FA7]  }
0x2e: {  	s3 =	simm.s32 @!p0 $0x1082;
	s9 =	sld [smem:$0x3FA8]  }
0x2f: {  	lr =	sadd.s32 s0, s3;
	s0 =	sld [smem:$0x3F9F]  }
0x30: {  	s3 =	sld [smem:$0x3FA2]  }
0x31: {  	[smem:$0x3FAB] =	sst s10  }
0x32: {  	s10 =	sld [smem:$0x3FA9];
	_ =	sdelay $0x3  }
0x33: {  	p0 =	seq.s32 s10, $0x1;
	s10 =	sld [smem:$0x3FAB];
	_ =	sdelay $0x3  }
0x34: {  	[smem:$0x3FAB] =	sst s10  }
0x35: {  	s10 =	sld [smem:$0x3FAA];
	_ =	sdelay $0x3  }
0x36: {  	p1 =	seq.s32 s10, $0x1;
	s10 =	sld [smem:$0x3FAB];
	_ =	sdelay $0x3  }
0x37: {  	[smem:$0x3FAB] =	sst s10  }
0x38: {  	s10 =	sld [smem:$0x3FAC]  }
0x39: {  	_ = 	snop;
	(pc) =	sbr.ind lr, $3  }
0x3a: {  	_ = 	snop  }
0x3b: {  	_ = 	snop  }
0x3c: {  	p2 =	seq.s32 s10, $0x1;
	s10 =	sld [smem:$0x3FAB]  }
0x3d: {  	_ =	shalt  }
0x3e: {  	_ =	shalt  }
0x3f: {  	_ =	shalt  }
0x40: {  	_ =	shalt  }
0x41: {  	_ =	shalt  }
0x42: {  	_ =	shalt  }
0x43: {  	_ =	shalt  }
0x44: {  	_ =	shalt  }
0x45: {  	_ =	shalt  }
0x46: {  	_ =	shalt  }
0x47: {  	_ =	shalt  }
0x48: {  	_ =	shalt  }
0x49: {  	_ =	shalt  }
0x4a: {  	_ =	shalt  }
0x4b: {  	_ =	shalt  }
0x4c: {  	_ =	shalt  }
0x4d: {  	_ =	shalt  }
0x4e: {  	_ =	shalt  }
0x4f: {  	_ =	shalt  }
0x50: {  	_ =	shalt  }
0x51: {  	_ =	shalt  }
0x52: {  	_ =	shalt  }
0x53: {  	_ =	shalt  }
0x54: {  	_ =	shalt  }
0x55: {  	_ =	shalt  }
0x56: {  	_ =	shalt  }
0x57: {  	_ =	shalt  }
0x58: {  	_ =	shalt  }
0x59: {  	_ =	shalt  }
0x5a: {  	_ =	shalt  }
0x5b: {  	_ =	shalt  }
0x5c: {  	_ =	shalt  }
0x5d: {  	_ =	shalt  }
0x5e: {  	_ =	shalt  }
0x5f: {  	_ =	shalt  }
0x60: {  	_ =	shalt  }
0x61: {  	_ =	shalt  }
0x62: {  	_ =	shalt  }
0x63: {  	_ =	shalt  }
0x64: {  	_ =	shalt  }
0x65: {  	_ =	shalt  }
0x66: {  	_ =	shalt  }
0x67: {  	_ =	shalt  }
0x68: {  	_ =	shalt  }
0x69: {  	_ =	shalt  }
0x6a: {  	_ =	shalt  }
0x6b: {  	_ =	shalt  }
0x6c: {  	_ =	shalt  }
0x6d: {  	_ =	shalt  }
0x6e: {  	_ =	shalt  }
0x6f: {  	_ =	shalt  }
0x70: {  	_ =	shalt  }
0x71: {  	_ =	shalt  }
0x72: {  	_ =	shalt  }
0x73: {  	_ =	shalt  }
0x74: {  	_ =	shalt  }
0x75: {  	_ =	shalt  }
0x76: {  	_ =	shalt  }
0x77: {  	_ =	shalt  }
0x78: {  	_ =	shalt  }
0x79: {  	_ =	shalt  }
0x7a: {  	_ =	shalt  }
0x7b: {  	_ =	shalt  }
0x7c: {  	_ =	shalt  }
0x7d: {  	_ =	shalt  }
0x7e: {  	_ =	shalt  }
0x7f: {  	_ =	shalt  }
0x80: {  	_ =	shalt  }
0x81: {  	_ =	shalt  }
0x82: {  	_ =	shalt  }
0x83: {  	_ =	shalt  }
0x84: {  	_ =	shalt  }
0x85: {  	_ =	shalt  }
0x86: {  	_ =	shalt  }
0x87: {  	_ =	shalt  }
.Lfunc_end0:
.L_simem_size_0:
called_computation.3_lowered:
.L_overlay_start_0:
0x88: {  	s2 =	sld [smem:$0x3FD9]  }
0x89: {  	s3 =	sld [smem:$0x3FFE];
	_ =	sdelay $0x1  }
0x8a: {  	s1 =	srdreg.scid  }
0x8b: {  	s0 =	sand.u32 $0x1, s1  }
0x8c: {  	s17 =	sshll.u32 s0, $0xA;
	s2 =	sadd.s32 s3, s2  }
0x8d: {  	s2 =	sadd.s32 s2, s17  }
0x8e: {  	[smem:$0x3FB7] =	sst s2  }
0x8f: {  	_ = 	snop  }
0x90: {  	s18 =	sld [smem:$0x3FC4]  }
0x91: {  	s4 =	sld [smem:$0x3FC3];
	(tm) =	ssettm $0x1  }
0x92: {  	s19 =	sld [smem:$0x3FFB];
	_ =	sdelay $0x3  }
0x93: {  	_ =	strace s19  }
0x94: {  	s2 =	sld [smem:$0x3FFC];
	_ =	sdelay $0x3  }
0x95: {  	_ =	strace s2  }
0x96: {  	s2 =	sld [smem:$0x3FFD];
	_ =	sdelay $0x3  }
0x97: {  	_ =	strace s2  }
0x98: {  	_ =	strace $0x8FFFFFFF  }
0x99: {  	s20 =	sld [smem:$0x3FDB];
	_ =	sdelay $0x1  }
0x9a: {  	s5 =	simm.s32 $_scs_section_size  }
0x9b: {  	s6 =	simm.s32 $_size__tile_overlayer_lowered;
	s7 =	simm.s32 $_tile_overlayer_lowered  }
0x9c: {  	s8 =	simm.s32 $0x1BFF;
	s21 =	sshll.u32 s7, $0x1;
	s5 =	sadd.s32 s5, s20  }
0x9d: {  	s22 =	simm.s32 $0x0;
	s6 =	sshll.u32 s6, $0x1;
	s7 =	sadd.s32 s21, s5  }
0x9e: {  	[timem:s22], [sflag:s8] =	dma.local [hbm:s7], s6  }
0x9f: {  	_ =	swait.ge [sflag:s8], s6  }
0xa0: {  	s6 =	ssub.s32 $0x0, s6;
	[sflag:s8] =	ssyncset.done $0x0  }
0xa1: {  	[sflag:s8] =	ssyncadd.s32 s6;
	_ =	sdelay $0x1  }
0xa2: {  	s23 =	simm.s32 $0x1B8B  }
0xa3: {  	_ =	swait.ge [sflag:s23], $0x1  }
0xa4: {  	[sflag:s23] =	ssyncset.done $0x0  }
0xa5: {  	[sflag:s23] =	ssyncadd.s32 $0xFFFFFFFF  }
0xa6: {  	s6 =	sld [smem:$0x0]  }
0xa7: {  	s7 =	sand.u32 $0xFFFFFFFE, s1  }
0xa8: {  	p0 =	sne.s32 s1, s7  }
0xa9: {  	s7 =	sshll.u32 @p0 s7, $0xE  }
0xaa: {  	s7 =	sadd.s32 @p0 $0x11B8D, s7;
	s8 =	sshll.u32 @p0 s6, $0x11  }
0xab: {  	s7 =	sor.u32 @p0 s8, s7  }
0xac: {  	[sflag:s7] =	ssyncadd.remote.s32 @p0 $0x1;
	_ =	sdelay $0x1  }
0xad: {  	s7 =	simm.s32 @p0 $0x1B8D  }
0xae: {  	_ =	swait.eq @p0 [sflag:s7], $0x1  }
0xaf: {  	[sflag:s7] =	ssyncadd.s32 @p0 $0xFFFFFFFF  }
0xb0: {  	s8 =	sshll.u32 @!p0 s1, $0xE  }
0xb1: {  	s8 =	sor.u32 @!p0 $0x4000, s8;
	s7 =	simm.s32 @!p0 $0x1B8D  }
0xb2: {  	s6 =	sshll.u32 @!p0 s6, $0x11;
	s8 =	sadd.s32 @!p0 $0x11B8D, s8;
	_ =	swait.eq @!p0 [sflag:s7], $0x1  }
0xb3: {  	s6 =	sor.u32 @!p0 s6, s8;
	[sflag:s7] =	ssyncadd.s32 @!p0 $0xFFFFFFFF  }
0xb4: {  	s25 =	simm.s32 $0x1B8E;
	s24 =	sld [smem:$0x3FFE];
	[sflag:s6] =	ssyncadd.remote.s32 @!p0 $0x1  }
0xb5: {  	s26 =	simm.s32 $execute0_lowered;
	[smem:$0x3FD2] =	sst s25  }
0xb6: {  	s7 =	sshll.u32 s26, $0x1;
	_ =	strace $0x8000004F;
	[dreg:$0x1] =	wrdreg $0xFFFFFFFF  }
0xb7: {  	s28 =	simm.s32 $_size_execute0_lowered;
	s5 =	sadd.s32 s5, s7;
	[dreg:$0x0] =	wrdreg $0x0  }
0xb8: {  	s7 =	sshll.u32 s28, $0x1;
	[dreg:$0x2] =	wrdreg s5  }
0xb9: {  	[dreg:$0x3] =	wrdreg s7  }
0xba: {  	[dreg:$0x4] =	wrdreg $0xC0  }
0xbb: {  	_ =	task [dreg:s22], $0x5FFFF  }
0xbc: {  	[dreg:$0x1] =	wrdreg $0xFFFFFFFF  }
0xbd: {  	[dreg:$0x0] =	wrdreg $0x60  }
0xbe: {  	[dreg:$0x2] =	wrdreg s24  }
0xbf: {  	[dreg:$0x3] =	wrdreg s18  }
0xc0: {  	[dreg:$0x4] =	wrdreg s4  }
0xc1: {  	[dreg:$0x5] =	wrdreg $0xC  }
0xc2: {  	_ =	task.clear_ibuf [dreg:s22], $0x6FFFF;
	_ =	strace $0x9000004F  }
0xc3: {  	s29 =	simm.s32 $0xC;
	_ =	strace $0x80000051  }
0xc4: {  	_ =	swait.ge [sflag:s29], $0x1  }
0xc5: {  	[sflag:s29] =	ssyncadd.s32 $0xFFFFFFFF  }
0xc6: {  	_ =	strace $0x90000051  }
0xc7: {  	_ =	sfence  }
0xc8: {  	s30 =	sld [smem:$0x0];
	_ =	sdelay $0x2  }
0xc9: {  	s31 =	sshll.u32 s1, $0xD;
	s1 =	sshrl.u32 s1, $0x2  }
0xca: {  	s4 =	sand.u32 $0x4000, s31;
	s1 =	sadd.s32 s1, s30  }
0xcb: {  	s0 =	sor.u32 s4, s0;
	s1 =	sshll.u32 s1, $0x11  }
0xcc: {  	s0 =	sor.u32 s1, s0  }
0xcd: {  	s0 =	sadd.s32 $0x8F2B, s0  }
0xce: {  	[sflag:s0] =	ssyncadd.remote.s32 $0x1  }
0xcf: {  	_ =	sfence.sel $0xFFFF  }
0xd0: {  	[dreg:$0x0] =	wrdreg $0xFFFFFFFF;
	(pc) =	sbr.abs _section_cstart, $3  }
0xd1: {  	[dreg:$0x1] =	wrdreg $0xFFFFFFFF  }
0xd2: {  	_ =	task.clear_ibuf [dreg:s22], $0x2FFFF;
	_ =	strace $0x9FFFFFFF  }
0xd3: {  	(tm) =	ssettm $0x7FFFFFFF  }
tec
execute0_lowered:
.L_overlay_start_1:
0x0: {  	(tag) =	ssettag $0x1  }
0x1: {  	s0 =	rddreg [dreg:$0x0]  }
0x2: {  	s1 =	rddreg [dreg:$0x1]  }
0x3: {  	s3 =	rddreg [dreg:$0x2];
	s2 =	srdreg.scid  }
0x4: {  	s4 =	simm.s32 $0x0;
	s5 =	stileid.u32;
	s29 =	simm.s32 $0x1  }
0x5: {  	s28 =	simm.s32 $0xB900;
	s31 =	simm.s32 $0xD900;
	[smem:$0x7FF] =	sst s4  }
0x6: {  	s2 =	sand.u32 $0x1, s2;
	s7 =	sadd.s32 $0x313A00, s0;
	s25 =	sadd.s32 $0x313800, s0  }
0x7: {  	s5 =	sshll.u32 s5, $0x8;
	s8 =	sadd.s32 $0x225A00, s0;
	s15 =	sadd.s32 $0x235A00, s0  }
0x8: {  	s11 =	sadd.s32 $0x1E5A00, s0;
	s10 =	sadd.s32 $0x245A00, s0;
	s6 =	sshll.u32 s2, $0x7  }
0x9: {  	_ =	strace $0x80000050;
	s2 =	ssub.s32 $0x2, s2;
	s5 =	sor.u32 s6, s5  }
0xa: {  	s6 =	sadd.s32 $0x100, s1;
	s9 =	sshrl.u32 s5, $0x3;
	s26 =	sshll.u32 s5, $0x4  }
0xb: {  	s13 =	sshll.u32 s5, $0x6;
	s14 =	sor.u32 $0x40, s5;
	s12 =	sadd.s32 s7, s9  }
0xc: {  	s9 =	sadd.s32 s25, s9;
	s30 =	sadd.s32 s8, s26;
	[dreg:$0x4] =	wrdreg s12  }
0xd: {  	s16 =	sadd.s32 s11, s13;
	s17 =	sadd.s32 s10, s13;
	[dreg:$0x5] =	wrdreg s9  }
0xe: {  	s18 =	sshrl.u32 s14, $0x3;
	s13 =	sadd.s32 $0x313C00, s0;
	[dreg:$0x6] =	wrdreg s30  }
0xf: {  	s21 =	sshll.u32 s14, $0x4;
	s24 =	sshll.u32 s14, $0x6;
	[dreg:$0x8] =	wrdreg s16  }
0x10: {  	s14 =	simm.s32 $0xD100;
	s12 =	sadd.s32 s15, s26;
	[dreg:$0x9] =	wrdreg s17  }
0x11: {  	s19 =	sadd.s32 s7, s18;
	s20 =	sadd.s32 s25, s18;
	s22 =	sadd.s32 s8, s21  }
0x12: {  	s23 =	sadd.s32 s15, s21;
	s25 =	sshrl.u32 s2, $0x1;
	[dreg:$0x7] =	wrdreg s12  }
0x13: {  	s26 =	sadd.s32 s11, s24;
	s30 =	sadd.s32 s10, s24;
	[dreg:$0xa] =	wrdreg s19  }
0x14: {  	s7 =	sadd.s32 $0x100, s3;
	s9 =	simm.s32 $0x2;
	[dreg:$0xb] =	wrdreg s20  }
0x15: {  	s15 =	simm.s32 $0x5900;
	s16 =	simm.s32 $0x6100;
	[dreg:$0xc] =	wrdreg s22  }
0x16: {  	s17 =	simm.s32 $0x6900;
	s18 =	simm.s32 $0x7100;
	[dreg:$0xd] =	wrdreg s23  }
0x17: {  	s21 =	simm.s32 $0x8900;
	s24 =	simm.s32 $0xA100;
	[dreg:$0xe] =	wrdreg s26  }
0x18: {  	s10 =	simm.s32 $0x4100;
	s2 =	ssub.s32 s2, s25;
	[dreg:$0xf] =	wrdreg s30  }
0x19: {  	v2 =	vlaneseq.u32;
	s12 =	simm.s32 $0x40;
	s19 =	simm.s32 $0x7900;
	s20 =	simm.s32 $0x8100  }
0x1a: {  	vm0 =	vmmov $0xffff;
	v1 =	vshrl.u32 v2, $0x3;
	s22 =	simm.s32 $0x9100;
	s23 =	simm.s32 $0x9900;
	s25 =	simm.s32 $0xA900  }
0x1b: {  	v0 =	vand.u32 $0x7, v2;
	v2 =	vor.u32 $0x8, v2;
	v1 =	vmul.u32 $0x8, v1;
	s26 =	simm.s32 $0xB100;
	s8 =	smax.u32 s2, $0x1;
	s2 =	simm.s32 $0xC100  }
.LBB2_1:
0x1c: {  	s30 =	rddreg [dreg:$0x4]  }
0x1d: {  	[tilespmem:s4], [sflag:$0x2] =	stream.linear.gather [hbm4b:s30+s4], $0x40, $0x38;
	[tilespmem:$0x14100] =	vst v63  }
0x1e: {  	_ =	swait.ge [sflag:s9], $0x40  }
0x1f: {  	[sflag:s9] =	ssyncset.done $0x0  }
0x20: {  	s11 =	simm.s32 $0x80;
	s5 =	rddreg [dreg:$0x5];
	[sflag:s9] =	ssyncadd.s32 $0xFFFFFFC0  }
0x21: {  	[tilespmem:s11], [sflag:$0x2] =	stream.linear.gather [hbm4b:s5+s4], $0x40, $0x38;
	[tilespmem:$0x14100] =	vst v63  }
0x22: {  	_ =	swait.ge [sflag:s9], $0x40  }
0x23: {  	[sflag:s9] =	ssyncset.done $0x0  }
0x24: {  	s0 =	simm.s32 $0x100;
	[sflag:s9] =	ssyncadd.s32 $0xFFFFFFC0  }
0x25: {  	[tilespmem:s0], [sflag:$0x1] =	stream.indirect.gather [hbm4b:s13+s12], $0x80, s4, s12, $0xb8;
	[tilespmem:$0x14100] =	vst v63  }
0x26: {  	s30 =	simm.s32 $0x2100  }
0x27: {  	[tilespmem:s30], [sflag:$0x1] =	stream.indirect.gather [hbm4b:s13+s12], $0x80, s11, s12, $0xb8;
	[tilespmem:$0x14100] =	vst v63  }
0x28: {  	v3 =	vld [tilespmem:$0x0];
	_ =	sdelay $0x4  }
0x29: {  	v4 =	vshll.u32 v3, $0x2  }
0x2a: {  	v3 =	vand.u32 $0x7, v3;
	v4 =	vand.u32 $0xFFFFFFE0, v4  }
0x2b: {  	v3 =	vor.u32 v3, v4  }
0x2c: {  	v4 =	vperm.xlane v3, v0;
	_ =	sdelay $0x1  }
0x2d: {  	v4 =	vadd.s32 v1, v4;
	_ =	sdelay $0x1  }
0x2e: {  	v3 =	vperm.xlane v3, v2;
	_ =	sdelay $0x1  }
0x2f: {  	s5 =	simm.s32 $0x4100;
	v3 =	vadd.s32 v1, v3  }
0x30: {  	[tilespmem:s5], [sflag:$0x1] =	stream.indirect_vreg.gather [hbm4b:s1+s4], $0x80, v4, vm0, $0xb8;
	[tilespmem:$0x14100] =	vst v63  }
0x31: {  	s30 =	simm.s32 $0x4900  }
0x32: {  	[tilespmem:s30], [sflag:$0x1] =	stream.indirect_vreg.gather [hbm4b:s6+s4], $0x80, v4, vm0, $0xb8;
	[tilespmem:$0x14100] =	vst v63  }
0x33: {  	s5 =	simm.s32 $0x5100  }
0x34: {  	[tilespmem:s5], [sflag:$0x1] =	stream.indirect_vreg.gather [hbm4b:s1+s4], $0x80, v3, vm0, $0xb8;
	[tilespmem:$0x14100] =	vst v63  }
0x35: {  	_ = 	snop  }
0x36: {  	[tilespmem:s15], [sflag:$0x1] =	stream.indirect_vreg.gather [hbm4b:s6+s4], $0x80, v3, vm0, $0xb8;
	[tilespmem:$0x14100] =	vst v63  }
0x37: {  	v3 =	vld [tilespmem:$0x10];
	_ =	sdelay $0x4  }
0x38: {  	v49 =	vshll.u32 v3, $0x2  }
0x39: {  	v3 =	vand.u32 $0x7, v3;
	v4 =	vand.u32 $0xFFFFFFE0, v49  }
0x3a: {  	v3 =	vor.u32 v3, v4  }
0x3b: {  	v4 =	vperm.xlane v3, v0;
	_ =	sdelay $0x1  }
0x3c: {  	v4 =	vadd.s32 v1, v4;
	_ =	sdelay $0x1  }
0x3d: {  	v3 =	vperm.xlane v3, v2;
	_ =	sdelay $0x1  }
0x3e: {  	v3 =	vadd.s32 v1, v3  }
0x3f: {  	[tilespmem:s16], [sflag:$0x1] =	stream.indirect_vreg.gather [hbm4b:s1+s4], $0x80, v4, vm0, $0xb8;
	[tilespmem:$0x14100] =	vst v63  }
0x40: {  	_ = 	snop  }
0x41: {  	[tilespmem:s17], [sflag:$0x1] =	stream.indirect_vreg.gather [hbm4b:s6+s4], $0x80, v4, vm0, $0xb8;
	[tilespmem:$0x14100] =	vst v63  }
0x42: {  	_ = 	snop  }
0x43: {  	[tilespmem:s18], [sflag:$0x1] =	stream.indirect_vreg.gather [hbm4b:s1+s4], $0x80, v3, vm0, $0xb8;
	[tilespmem:$0x14100] =	vst v63  }
0x44: {  	_ = 	snop  }
0x45: {  	[tilespmem:s19], [sflag:$0x1] =	stream.indirect_vreg.gather [hbm4b:s6+s4], $0x80, v3, vm0, $0xb8;
	[tilespmem:$0x14100] =	vst v63  }
0x46: {  	v3 =	vld [tilespmem:$0x20];
	_ =	sdelay $0x4  }
0x47: {  	v50 =	vshll.u32 v3, $0x2  }
0x48: {  	v3 =	vand.u32 $0x7, v3;
	v4 =	vand.u32 $0xFFFFFFE0, v50  }
0x49: {  	v3 =	vor.u32 v3, v4  }
0x4a: {  	v4 =	vperm.xlane v3, v0;
	_ =	sdelay $0x1  }
0x4b: {  	v4 =	vadd.s32 v1, v4;
	_ =	sdelay $0x1  }
0x4c: {  	v3 =	vperm.xlane v3, v2;
	_ =	sdelay $0x1  }
0x4d: {  	v3 =	vadd.s32 v1, v3  }
0x4e: {  	[tilespmem:s20], [sflag:$0x1] =	stream.indirect_vreg.gather [hbm4b:s1+s4], $0x80, v4, vm0, $0xb8;
	[tilespmem:$0x14100] =	vst v63  }
0x4f: {  	_ = 	snop  }
0x50: {  	[tilespmem:s21], [sflag:$0x1] =	stream.indirect_vreg.gather [hbm4b:s6+s4], $0x80, v4, vm0, $0xb8;
	[tilespmem:$0x14100] =	vst v63  }
0x51: {  	_ = 	snop  }
0x52: {  	[tilespmem:s22], [sflag:$0x1] =	stream.indirect_vreg.gather [hbm4b:s1+s4], $0x80, v3, vm0, $0xb8;
	[tilespmem:$0x14100] =	vst v63  }
0x53: {  	_ = 	snop  }
0x54: {  	[tilespmem:s23], [sflag:$0x1] =	stream.indirect_vreg.gather [hbm4b:s6+s4], $0x80, v3, vm0, $0xb8;
	[tilespmem:$0x14100] =	vst v63  }
0x55: {  	v3 =	vld [tilespmem:$0x30];
	_ =	sdelay $0x4  }
0x56: {  	v51 =	vshll.u32 v3, $0x2  }
0x57: {  	v3 =	vand.u32 $0x7, v3;
	v4 =	vand.u32 $0xFFFFFFE0, v51  }
0x58: {  	v3 =	vor.u32 v3, v4  }
0x59: {  	v4 =	vperm.xlane v3, v0;
	_ =	sdelay $0x1  }
0x5a: {  	v4 =	vadd.s32 v1, v4;
	_ =	sdelay $0x1  }
0x5b: {  	v3 =	vperm.xlane v3, v2;
	_ =	sdelay $0x1  }
0x5c: {  	v3 =	vadd.s32 v1, v3  }
0x5d: {  	[tilespmem:s24], [sflag:$0x1] =	stream.indirect_vreg.gather [hbm4b:s1+s4], $0x80, v4, vm0, $0xb8;
	[tilespmem:$0x14100] =	vst v63  }
0x5e: {  	_ = 	snop  }
0x5f: {  	[tilespmem:s25], [sflag:$0x1] =	stream.indirect_vreg.gather [hbm4b:s6+s4], $0x80, v4, vm0, $0xb8;
	[tilespmem:$0x14100] =	vst v63  }
0x60: {  	_ = 	snop  }
0x61: {  	[tilespmem:s26], [sflag:$0x1] =	stream.indirect_vreg.gather [hbm4b:s1+s4], $0x80, v3, vm0, $0xb8;
	[tilespmem:$0x14100] =	vst v63  }
0x62: {  	_ = 	snop  }
0x63: {  	[tilespmem:s28], [sflag:$0x1] =	stream.indirect_vreg.gather [hbm4b:s6+s4], $0x80, v3, vm0, $0xb8;
	[tilespmem:$0x14100] =	vst v63  }
0x64: {  	v3 =	vld [tilespmem:$0x80];
	_ =	sdelay $0x4  }
0x65: {  	v52 =	vshll.u32 v3, $0x2  }
0x66: {  	v3 =	vand.u32 $0x7, v3;
	v4 =	vand.u32 $0xFFFFFFE0, v52  }
0x67: {  	v3 =	vor.u32 v3, v4  }
0x68: {  	v4 =	vperm.xlane v3, v0;
	_ =	sdelay $0x1  }
0x69: {  	v4 =	vadd.s32 v1, v4;
	_ =	sdelay $0x1  }
0x6a: {  	v3 =	vperm.xlane v3, v2;
	_ =	sdelay $0x1  }
0x6b: {  	v3 =	vadd.s32 v1, v3  }
0x6c: {  	[tilespmem:s2], [sflag:$0x1] =	stream.indirect_vreg.gather [hbm4b:s3+s4], $0x80, v4, vm0, $0xb8;
	[tilespmem:$0x14100] =	vst v63  }
0x6d: {  	s30 =	simm.s32 $0xC900  }
0x6e: {  	[tilespmem:s30], [sflag:$0x1] =	stream.indirect_vreg.gather [hbm4b:s7+s4], $0x80, v4, vm0, $0xb8;
	[tilespmem:$0x14100] =	vst v63  }
0x6f: {  	_ = 	snop  }
0x70: {  	[tilespmem:s14], [sflag:$0x1] =	stream.indirect_vreg.gather [hbm4b:s3+s4], $0x80, v3, vm0, $0xb8;
	[tilespmem:$0x14100] =	vst v63  }
0x71: {  	_ = 	snop  }
0x72: {  	[tilespmem:s31], [sflag:$0x1] =	stream.indirect_vreg.gather [hbm4b:s7+s4], $0x80, v3, vm0, $0xb8;
	[tilespmem:$0x14100] =	vst v63  }
0x73: {  	v3 =	vld [tilespmem:$0x90];
	_ =	sdelay $0x4  }
0x74: {  	v53 =	vshll.u32 v3, $0x2  }
0x75: {  	v3 =	vand.u32 $0x7, v3;
	v4 =	vand.u32 $0xFFFFFFE0, v53  }
0x76: {  	v3 =	vor.u32 v3, v4  }
0x77: {  	v4 =	vperm.xlane v3, v0;
	_ =	sdelay $0x1  }
0x78: {  	v4 =	vadd.s32 v1, v4;
	_ =	sdelay $0x1  }
0x79: {  	v3 =	vperm.xlane v3, v2;
	_ =	sdelay $0x1  }
0x7a: {  	s5 =	simm.s32 $0xE100;
	v3 =	vadd.s32 v1, v3  }
0x7b: {  	[tilespmem:s5], [sflag:$0x1] =	stream.indirect_vreg.gather [hbm4b:s3+s4], $0x80, v4, vm0, $0xb8;
	[tilespmem:$0x14100] =	vst v63  }
0x7c: {  	s30 =	simm.s32 $0xE900  }
0x7d: {  	[tilespmem:s30], [sflag:$0x1] =	stream.indirect_vreg.gather [hbm4b:s7+s4], $0x80, v4, vm0, $0xb8;
	[tilespmem:$0x14100] =	vst v63  }
0x7e: {  	s5 =	simm.s32 $0xF100  }
0x7f: {  	[tilespmem:s5], [sflag:$0x1] =	stream.indirect_vreg.gather [hbm4b:s3+s4], $0x80, v3, vm0, $0xb8;
	[tilespmem:$0x14100] =	vst v63  }
0x80: {  	s30 =	simm.s32 $0xF900  }
0x81: {  	[tilespmem:s30], [sflag:$0x1] =	stream.indirect_vreg.gather [hbm4b:s7+s4], $0x80, v3, vm0, $0xb8;
	[tilespmem:$0x14100] =	vst v63  }
0x82: {  	v3 =	vld [tilespmem:$0xA0];
	_ =	sdelay $0x4  }
0x83: {  	v54 =	vshll.u32 v3, $0x2  }
0x84: {  	v3 =	vand.u32 $0x7, v3;
	v4 =	vand.u32 $0xFFFFFFE0, v54  }
0x85: {  	v3 =	vor.u32 v3, v4  }
0x86: {  	v4 =	vperm.xlane v3, v0;
	_ =	sdelay $0x1  }
0x87: {  	v4 =	vadd.s32 v1, v4;
	_ =	sdelay $0x1  }
0x88: {  	v3 =	vperm.xlane v3, v2;
	_ =	sdelay $0x1  }
0x89: {  	s5 =	simm.s32 $0x10100;
	v3 =	vadd.s32 v1, v3  }
0x8a: {  	[tilespmem:s5], [sflag:$0x1] =	stream.indirect_vreg.gather [hbm4b:s3+s4], $0x80, v4, vm0, $0xb8;
	[tilespmem:$0x14100] =	vst v63  }
0x8b: {  	s30 =	simm.s32 $0x10900  }
0x8c: {  	[tilespmem:s30], [sflag:$0x1] =	stream.indirect_vreg.gather [hbm4b:s7+s4], $0x80, v4, vm0, $0xb8;
	[tilespmem:$0x14100] =	vst v63  }
0x8d: {  	s5 =	simm.s32 $0x11100  }
0x8e: {  	[tilespmem:s5], [sflag:$0x1] =	stream.indirect_vreg.gather [hbm4b:s3+s4], $0x80, v3, vm0, $0xb8;
	[tilespmem:$0x14100] =	vst v63  }
0x8f: {  	s30 =	simm.s32 $0x11900  }
0x90: {  	[tilespmem:s30], [sflag:$0x1] =	stream.indirect_vreg.gather [hbm4b:s7+s4], $0x80, v3, vm0, $0xb8;
	[tilespmem:$0x14100] =	vst v63  }
0x91: {  	v3 =	vld [tilespmem:$0xB0];
	_ =	sdelay $0x4  }
0x92: {  	v55 =	vshll.u32 v3, $0x2  }
0x93: {  	v3 =	vand.u32 $0x7, v3;
	v4 =	vand.u32 $0xFFFFFFE0, v55  }
0x94: {  	v3 =	vor.u32 v3, v4  }
0x95: {  	v4 =	vperm.xlane v3, v0;
	_ =	sdelay $0x1  }
0x96: {  	v4 =	vadd.s32 v1, v4;
	_ =	sdelay $0x1  }
0x97: {  	v3 =	vperm.xlane v3, v2;
	_ =	sdelay $0x1  }
0x98: {  	s5 =	simm.s32 $0x12100;
	v3 =	vadd.s32 v1, v3  }
0x99: {  	[tilespmem:s5], [sflag:$0x1] =	stream.indirect_vreg.gather [hbm4b:s3+s4], $0x80, v4, vm0, $0xb8;
	[tilespmem:$0x14100] =	vst v63  }
0x9a: {  	s30 =	simm.s32 $0x12900  }
0x9b: {  	[tilespmem:s30], [sflag:$0x1] =	stream.indirect_vreg.gather [hbm4b:s7+s4], $0x80, v4, vm0, $0xb8;
	[tilespmem:$0x14100] =	vst v63  }
0x9c: {  	s5 =	simm.s32 $0x13100  }
0x9d: {  	[tilespmem:s5], [sflag:$0x1] =	stream.indirect_vreg.gather [hbm4b:s3+s4], $0x80, v3, vm0, $0xb8;
	[tilespmem:$0x14100] =	vst v63  }
0x9e: {  	s30 =	simm.s32 $0x13900  }
0x9f: {  	[tilespmem:s30], [sflag:$0x1] =	stream.indirect_vreg.gather [hbm4b:s7+s4], $0x80, v3, vm0, $0xb8;
	[tilespmem:$0x14100] =	vst v63  }
0xa0: {  	_ =	swait.ge [sflag:s29], $0x2000  }
0xa1: {  	[sflag:s29] =	ssyncset.done $0x0  }
0xa2: {  	[sflag:s29] =	ssyncadd.s32 $0xFFFFE000  }
0xa3: {  	_ =	swait.ge [sflag:s29], $0x2000  }
0xa4: {  	[sflag:s29] =	ssyncset.done $0x0  }
0xa5: {  	[sflag:s29] =	ssyncadd.s32 $0xFFFFE000  }
0xa6: {  	_ =	swait.ge [sflag:s29], $0x8000  }
0xa7: {  	[sflag:s29] =	ssyncset.done $0x0  }
0xa8: {  	[sflag:s29] =	ssyncadd.s32 $0xFFFF8000  }
0xa9: {  	_ =	swait.ge [sflag:s29], $0x8000  }
0xaa: {  	[sflag:s29] =	ssyncset.done $0x0  }
0xab: {  	s5 =	simm.s32 $0x100;
	s0 =	rddreg [dreg:$0x6];
	[sflag:s29] =	ssyncadd.s32 $0xFFFF8000  }
0xac: {  	[hbm4b:s0+s4] =	stream.linear.scatter [tilespmem:s5], [sflag:$0x2], $0x2000, $0x38;
	[tilespmem:$0x14100] =	vst v63  }
0xad: {  	_ =	swait.ge [sflag:s9], $0x2000  }
0xae: {  	[sflag:s9] =	ssyncset.done $0x0  }
0xaf: {  	s0 =	simm.s32 $0x2100;
	s30 =	rddreg [dreg:$0x7];
	[sflag:s9] =	ssyncadd.s32 $0xFFFFE000  }
0xb0: {  	[hbm4b:s30+s4] =	stream.linear.scatter [tilespmem:s0], [sflag:$0x2], $0x2000, $0x38;
	[tilespmem:$0x14100] =	vst v63  }
0xb1: {  	_ =	swait.ge [sflag:s9], $0x2000  }
0xb2: {  	[sflag:s9] =	ssyncset.done $0x0  }
0xb3: {  	s30 =	rddreg [dreg:$0x8];
	[sflag:s9] =	ssyncadd.s32 $0xFFFFE000  }
0xb4: {  	[hbm4b:s30+s4] =	stream.linear.scatter [tilespmem:s10], [sflag:$0x2], $0x8000, $0x38;
	[tilespmem:$0x14100] =	vst v63  }
0xb5: {  	_ =	swait.ge [sflag:s9], $0x8000  }
0xb6: {  	[sflag:s9] =	ssyncset.done $0x0  }
0xb7: {  	s30 =	rddreg [dreg:$0x9];
	[sflag:s9] =	ssyncadd.s32 $0xFFFF8000  }
0xb8: {  	[hbm4b:s30+s4] =	stream.linear.scatter [tilespmem:s2], [sflag:$0x2], $0x8000, $0x38;
	[tilespmem:$0x14100] =	vst v63  }
0xb9: {  	_ =	swait.ge [sflag:s9], $0x8000  }
0xba: {  	[sflag:s9] =	ssyncset.done $0x0  }
0xbb: {  	s30 =	rddreg [dreg:$0xa];
	[sflag:s9] =	ssyncadd.s32 $0xFFFF8000  }
0xbc: {  	[tilespmem:s4], [sflag:$0x2] =	stream.linear.gather [hbm4b:s30+s4], $0x40, $0x38;
	[tilespmem:$0x14100] =	vst v63  }
0xbd: {  	_ =	swait.ge [sflag:s9], $0x40  }
0xbe: {  	[sflag:s9] =	ssyncset.done $0x0  }
0xbf: {  	s30 =	rddreg [dreg:$0xb];
	[sflag:s9] =	ssyncadd.s32 $0xFFFFFFC0  }
0xc0: {  	[tilespmem:s11], [sflag:$0x2] =	stream.linear.gather [hbm4b:s30+s4], $0x40, $0x38;
	[tilespmem:$0x14100] =	vst v63  }
0xc1: {  	_ =	swait.ge [sflag:s9], $0x40  }
0xc2: {  	[sflag:s9] =	ssyncset.done $0x0  }
0xc3: {  	[sflag:s9] =	ssyncadd.s32 $0xFFFFFFC0  }
0xc4: {  	[tilespmem:s5], [sflag:$0x1] =	stream.indirect.gather [hbm4b:s13+s12], $0x80, s4, s12, $0xb8;
	[tilespmem:$0x14100] =	vst v63  }
0xc5: {  	_ = 	snop  }
0xc6: {  	[tilespmem:s0], [sflag:$0x1] =	stream.indirect.gather [hbm4b:s13+s12], $0x80, s11, s12, $0xb8;
	[tilespmem:$0x14100] =	vst v63  }
0xc7: {  	v3 =	vld [tilespmem:$0x0];
	_ =	sdelay $0x4  }
0xc8: {  	v56 =	vshll.u32 v3, $0x2  }
0xc9: {  	v3 =	vand.u32 $0x7, v3;
	v4 =	vand.u32 $0xFFFFFFE0, v56  }
0xca: {  	v3 =	vor.u32 v3, v4  }
0xcb: {  	v4 =	vperm.xlane v3, v0;
	_ =	sdelay $0x1  }
0xcc: {  	v4 =	vadd.s32 v1, v4;
	_ =	sdelay $0x1  }
0xcd: {  	v3 =	vperm.xlane v3, v2;
	_ =	sdelay $0x1  }
0xce: {  	v3 =	vadd.s32 v1, v3  }
0xcf: {  	[tilespmem:s10], [sflag:$0x1] =	stream.indirect_vreg.gather [hbm4b:s1+s4], $0x80, v4, vm0, $0xb8;
	[tilespmem:$0x14100] =	vst v63  }
0xd0: {  	s30 =	simm.s32 $0x4900  }
0xd1: {  	[tilespmem:s30], [sflag:$0x1] =	stream.indirect_vreg.gather [hbm4b:s6+s4], $0x80, v4, vm0, $0xb8;
	[tilespmem:$0x14100] =	vst v63  }
0xd2: {  	s30 =	simm.s32 $0x5100  }
0xd3: {  	[tilespmem:s30], [sflag:$0x1] =	stream.indirect_vreg.gather [hbm4b:s1+s4], $0x80, v3, vm0, $0xb8;
	[tilespmem:$0x14100] =	vst v63  }
0xd4: {  	_ = 	snop  }
0xd5: {  	[tilespmem:s15], [sflag:$0x1] =	stream.indirect_vreg.gather [hbm4b:s6+s4], $0x80, v3, vm0, $0xb8;
	[tilespmem:$0x14100] =	vst v63  }
0xd6: {  	v3 =	vld [tilespmem:$0x10];
	_ =	sdelay $0x4  }
0xd7: {  	v57 =	vshll.u32 v3, $0x2  }
0xd8: {  	v3 =	vand.u32 $0x7, v3;
	v4 =	vand.u32 $0xFFFFFFE0, v57  }
0xd9: {  	v3 =	vor.u32 v3, v4  }
0xda: {  	v4 =	vperm.xlane v3, v0;
	_ =	sdelay $0x1  }
0xdb: {  	v4 =	vadd.s32 v1, v4;
	_ =	sdelay $0x1  }
0xdc: {  	v3 =	vperm.xlane v3, v2;
	_ =	sdelay $0x1  }
0xdd: {  	v3 =	vadd.s32 v1, v3  }
0xde: {  	[tilespmem:s16], [sflag:$0x1] =	stream.indirect_vreg.gather [hbm4b:s1+s4], $0x80, v4, vm0, $0xb8;
	[tilespmem:$0x14100] =	vst v63  }
0xdf: {  	_ = 	snop  }
0xe0: {  	[tilespmem:s17], [sflag:$0x1] =	stream.indirect_vreg.gather [hbm4b:s6+s4], $0x80, v4, vm0, $0xb8;
	[tilespmem:$0x14100] =	vst v63  }
0xe1: {  	_ = 	snop  }
0xe2: {  	[tilespmem:s18], [sflag:$0x1] =	stream.indirect_vreg.gather [hbm4b:s1+s4], $0x80, v3, vm0, $0xb8;
	[tilespmem:$0x14100] =	vst v63  }
0xe3: {  	_ = 	snop  }
0xe4: {  	[tilespmem:s19], [sflag:$0x1] =	stream.indirect_vreg.gather [hbm4b:s6+s4], $0x80, v3, vm0, $0xb8;
	[tilespmem:$0x14100] =	vst v63  }
0xe5: {  	v3 =	vld [tilespmem:$0x20];
	_ =	sdelay $0x4  }
0xe6: {  	v58 =	vshll.u32 v3, $0x2  }
0xe7: {  	v3 =	vand.u32 $0x7, v3;
	v4 =	vand.u32 $0xFFFFFFE0, v58  }
0xe8: {  	v3 =	vor.u32 v3, v4  }
0xe9: {  	v4 =	vperm.xlane v3, v0;
	_ =	sdelay $0x1  }
0xea: {  	v4 =	vadd.s32 v1, v4;
	_ =	sdelay $0x1  }
0xeb: {  	v3 =	vperm.xlane v3, v2;
	_ =	sdelay $0x1  }
0xec: {  	v3 =	vadd.s32 v1, v3  }
0xed: {  	[tilespmem:s20], [sflag:$0x1] =	stream.indirect_vreg.gather [hbm4b:s1+s4], $0x80, v4, vm0, $0xb8;
	[tilespmem:$0x14100] =	vst v63  }
0xee: {  	_ = 	snop  }
0xef: {  	[tilespmem:s21], [sflag:$0x1] =	stream.indirect_vreg.gather [hbm4b:s6+s4], $0x80, v4, vm0, $0xb8;
	[tilespmem:$0x14100] =	vst v63  }
0xf0: {  	_ = 	snop  }
0xf1: {  	[tilespmem:s22], [sflag:$0x1] =	stream.indirect_vreg.gather [hbm4b:s1+s4], $0x80, v3, vm0, $0xb8;
	[tilespmem:$0x14100] =	vst v63  }
0xf2: {  	_ = 	snop  }
0xf3: {  	[tilespmem:s23], [sflag:$0x1] =	stream.indirect_vreg.gather [hbm4b:s6+s4], $0x80, v3, vm0, $0xb8;
	[tilespmem:$0x14100] =	vst v63  }
0xf4: {  	v3 =	vld [tilespmem:$0x30];
	_ =	sdelay $0x4  }
0xf5: {  	v59 =	vshll.u32 v3, $0x2  }
0xf6: {  	v3 =	vand.u32 $0x7, v3;
	v4 =	vand.u32 $0xFFFFFFE0, v59  }
0xf7: {  	v3 =	vor.u32 v3, v4  }
0xf8: {  	v4 =	vperm.xlane v3, v0;
	_ =	sdelay $0x1  }
0xf9: {  	v4 =	vadd.s32 v1, v4;
	_ =	sdelay $0x1  }
0xfa: {  	v3 =	vperm.xlane v3, v2;
	_ =	sdelay $0x1  }
0xfb: {  	v3 =	vadd.s32 v1, v3  }
0xfc: {  	[tilespmem:s24], [sflag:$0x1] =	stream.indirect_vreg.gather [hbm4b:s1+s4], $0x80, v4, vm0, $0xb8;
	[tilespmem:$0x14100] =	vst v63  }
0xfd: {  	_ = 	snop  }
0xfe: {  	[tilespmem:s25], [sflag:$0x1] =	stream.indirect_vreg.gather [hbm4b:s6+s4], $0x80, v4, vm0, $0xb8;
	[tilespmem:$0x14100] =	vst v63  }
0xff: {  	_ = 	snop  }
0x100: {  	[tilespmem:s26], [sflag:$0x1] =	stream.indirect_vreg.gather [hbm4b:s1+s4], $0x80, v3, vm0, $0xb8;
	[tilespmem:$0x14100] =	vst v63  }
0x101: {  	_ = 	snop  }
0x102: {  	[tilespmem:s28], [sflag:$0x1] =	stream.indirect_vreg.gather [hbm4b:s6+s4], $0x80, v3, vm0, $0xb8;
	[tilespmem:$0x14100] =	vst v63  }
0x103: {  	v3 =	vld [tilespmem:$0x80];
	_ =	sdelay $0x4  }
0x104: {  	v60 =	vshll.u32 v3, $0x2  }
0x105: {  	v3 =	vand.u32 $0x7, v3;
	v4 =	vand.u32 $0xFFFFFFE0, v60  }
0x106: {  	v3 =	vor.u32 v3, v4  }
0x107: {  	v4 =	vperm.xlane v3, v0;
	_ =	sdelay $0x1  }
0x108: {  	v4 =	vadd.s32 v1, v4;
	_ =	sdelay $0x1  }
0x109: {  	v3 =	vperm.xlane v3, v2;
	_ =	sdelay $0x1  }
0x10a: {  	v3 =	vadd.s32 v1, v3  }
0x10b: {  	[tilespmem:s2], [sflag:$0x1] =	stream.indirect_vreg.gather [hbm4b:s3+s4], $0x80, v4, vm0, $0xb8;
	[tilespmem:$0x14100] =	vst v63  }
0x10c: {  	s30 =	simm.s32 $0xC900  }
0x10d: {  	[tilespmem:s30], [sflag:$0x1] =	stream.indirect_vreg.gather [hbm4b:s7+s4], $0x80, v4, vm0, $0xb8;
	[tilespmem:$0x14100] =	vst v63  }
0x10e: {  	_ = 	snop  }
0x10f: {  	[tilespmem:s14], [sflag:$0x1] =	stream.indirect_vreg.gather [hbm4b:s3+s4], $0x80, v3, vm0, $0xb8;
	[tilespmem:$0x14100] =	vst v63  }
0x110: {  	_ = 	snop  }
0x111: {  	[tilespmem:s31], [sflag:$0x1] =	stream.indirect_vreg.gather [hbm4b:s7+s4], $0x80, v3, vm0, $0xb8;
	[tilespmem:$0x14100] =	vst v63  }
0x112: {  	v3 =	vld [tilespmem:$0x90];
	_ =	sdelay $0x4  }
0x113: {  	v61 =	vshll.u32 v3, $0x2  }
0x114: {  	v3 =	vand.u32 $0x7, v3;
	v4 =	vand.u32 $0xFFFFFFE0, v61  }
0x115: {  	v3 =	vor.u32 v3, v4  }
0x116: {  	v4 =	vperm.xlane v3, v0;
	_ =	sdelay $0x1  }
0x117: {  	v4 =	vadd.s32 v1, v4;
	_ =	sdelay $0x1  }
0x118: {  	v3 =	vperm.xlane v3, v2;
	_ =	sdelay $0x1  }
0x119: {  	s30 =	simm.s32 $0xE100;
	v3 =	vadd.s32 v1, v3  }
0x11a: {  	[tilespmem:s30], [sflag:$0x1] =	stream.indirect_vreg.gather [hbm4b:s3+s4], $0x80, v4, vm0, $0xb8;
	[tilespmem:$0x14100] =	vst v63  }
0x11b: {  	s30 =	simm.s32 $0xE900  }
0x11c: {  	[tilespmem:s30], [sflag:$0x1] =	stream.indirect_vreg.gather [hbm4b:s7+s4], $0x80, v4, vm0, $0xb8;
	[tilespmem:$0x14100] =	vst v63  }
0x11d: {  	s30 =	simm.s32 $0xF100  }
0x11e: {  	[tilespmem:s30], [sflag:$0x1] =	stream.indirect_vreg.gather [hbm4b:s3+s4], $0x80, v3, vm0, $0xb8;
	[tilespmem:$0x14100] =	vst v63  }
0x11f: {  	s30 =	simm.s32 $0xF900  }
0x120: {  	[tilespmem:s30], [sflag:$0x1] =	stream.indirect_vreg.gather [hbm4b:s7+s4], $0x80, v3, vm0, $0xb8;
	[tilespmem:$0x14100] =	vst v63  }
0x121: {  	v3 =	vld [tilespmem:$0xA0];
	_ =	sdelay $0x4  }
0x122: {  	v62 =	vshll.u32 v3, $0x2  }
0x123: {  	v3 =	vand.u32 $0x7, v3;
	v4 =	vand.u32 $0xFFFFFFE0, v62  }
0x124: {  	v3 =	vor.u32 v3, v4  }
0x125: {  	v4 =	vperm.xlane v3, v0;
	_ =	sdelay $0x1  }
0x126: {  	v4 =	vadd.s32 v1, v4;
	_ =	sdelay $0x1  }
0x127: {  	v3 =	vperm.xlane v3, v2;
	_ =	sdelay $0x1  }
0x128: {  	s30 =	simm.s32 $0x10100;
	v3 =	vadd.s32 v1, v3  }
0x129: {  	[tilespmem:s30], [sflag:$0x1] =	stream.indirect_vreg.gather [hbm4b:s3+s4], $0x80, v4, vm0, $0xb8;
	[tilespmem:$0x14100] =	vst v63  }
0x12a: {  	s30 =	simm.s32 $0x10900  }
0x12b: {  	[tilespmem:s30], [sflag:$0x1] =	stream.indirect_vreg.gather [hbm4b:s7+s4], $0x80, v4, vm0, $0xb8;
	[tilespmem:$0x14100] =	vst v63  }
0x12c: {  	s30 =	simm.s32 $0x11100  }
0x12d: {  	[tilespmem:s30], [sflag:$0x1] =	stream.indirect_vreg.gather [hbm4b:s3+s4], $0x80, v3, vm0, $0xb8;
	[tilespmem:$0x14100] =	vst v63  }
0x12e: {  	s30 =	simm.s32 $0x11900  }
0x12f: {  	[tilespmem:s30], [sflag:$0x1] =	stream.indirect_vreg.gather [hbm4b:s7+s4], $0x80, v3, vm0, $0xb8;
	[tilespmem:$0x14100] =	vst v63  }
0x130: {  	v3 =	vld [tilespmem:$0xB0];
	_ =	sdelay $0x4  }
0x131: {  	v63 =	vshll.u32 v3, $0x2  }
0x132: {  	v3 =	vand.u32 $0x7, v3;
	v4 =	vand.u32 $0xFFFFFFE0, v63  }
0x133: {  	v3 =	vor.u32 v3, v4  }
0x134: {  	v4 =	vperm.xlane v3, v0;
	_ =	sdelay $0x1  }
0x135: {  	v4 =	vadd.s32 v1, v4;
	_ =	sdelay $0x1  }
0x136: {  	v3 =	vperm.xlane v3, v2;
	_ =	sdelay $0x1  }
0x137: {  	s30 =	simm.s32 $0x12100;
	v3 =	vadd.s32 v1, v3  }
0x138: {  	[tilespmem:s30], [sflag:$0x1] =	stream.indirect_vreg.gather [hbm4b:s3+s4], $0x80, v4, vm0, $0xb8;
	[tilespmem:$0x14100] =	vst v63  }
0x139: {  	s30 =	simm.s32 $0x12900  }
0x13a: {  	[tilespmem:s30], [sflag:$0x1] =	stream.indirect_vreg.gather [hbm4b:s7+s4], $0x80, v4, vm0, $0xb8;
	[tilespmem:$0x14100] =	vst v63  }
0x13b: {  	s30 =	simm.s32 $0x13100  }
0x13c: {  	[tilespmem:s30], [sflag:$0x1] =	stream.indirect_vreg.gather [hbm4b:s3+s4], $0x80, v3, vm0, $0xb8;
	[tilespmem:$0x14100] =	vst v63  }
0x13d: {  	s30 =	simm.s32 $0x13900  }
0x13e: {  	[tilespmem:s30], [sflag:$0x1] =	stream.indirect_vreg.gather [hbm4b:s7+s4], $0x80, v3, vm0, $0xb8;
	[tilespmem:$0x14100] =	vst v63  }
0x13f: {  	_ =	swait.ge [sflag:s29], $0x2000  }
0x140: {  	[sflag:s29] =	ssyncset.done $0x0  }
0x141: {  	[sflag:s29] =	ssyncadd.s32 $0xFFFFE000  }
0x142: {  	_ =	swait.ge [sflag:s29], $0x2000  }
0x143: {  	[sflag:s29] =	ssyncset.done $0x0  }
0x144: {  	[sflag:s29] =	ssyncadd.s32 $0xFFFFE000  }
0x145: {  	_ =	swait.ge [sflag:s29], $0x8000  }
0x146: {  	[sflag:s29] =	ssyncset.done $0x0  }
0x147: {  	[sflag:s29] =	ssyncadd.s32 $0xFFFF8000  }
0x148: {  	_ =	swait.ge [sflag:s29], $0x8000  }
0x149: {  	[sflag:s29] =	ssyncset.done $0x0  }
0x14a: {  	s5 =	simm.s32 $0x100;
	s30 =	rddreg [dreg:$0xc];
	[sflag:s29] =	ssyncadd.s32 $0xFFFF8000  }
0x14b: {  	[hbm4b:s30+s4] =	stream.linear.scatter [tilespmem:s5], [sflag:$0x2], $0x2000, $0x38;
	[tilespmem:$0x14100] =	vst v63  }
0x14c: {  	_ =	swait.ge [sflag:s9], $0x2000  }
0x14d: {  	[sflag:s9] =	ssyncset.done $0x0  }
0x14e: {  	s11 =	simm.s32 $0x2100;
	s5 =	rddreg [dreg:$0xd];
	[sflag:s9] =	ssyncadd.s32 $0xFFFFE000  }
0x14f: {  	[hbm4b:s5+s4] =	stream.linear.scatter [tilespmem:s11], [sflag:$0x2], $0x2000, $0x38;
	[tilespmem:$0x14100] =	vst v63  }
0x150: {  	_ =	swait.ge [sflag:s9], $0x2000  }
0x151: {  	[sflag:s9] =	ssyncset.done $0x0  }
0x152: {  	s0 =	simm.s32 $0x4100;
	s5 =	rddreg [dreg:$0xe];
	[sflag:s9] =	ssyncadd.s32 $0xFFFFE000  }
0x153: {  	[hbm4b:s5+s4] =	stream.linear.scatter [tilespmem:s0], [sflag:$0x2], $0x8000, $0x38;
	[tilespmem:$0x14100] =	vst v63  }
0x154: {  	_ =	swait.ge [sflag:s9], $0x8000  }
0x155: {  	p0 =	sne.s32 s8, $0x1;
	[sflag:s9] =	ssyncset.done $0x0  }
.Ltmp0:
0x156: {  	s11 =	rddreg [dreg:$0xf];
	[sflag:s9] =	ssyncadd.s32 $0xFFFF8000;
	(pc) =	sbr.rel @p0 .LBB2_1-.Ltmp0, $4  }
0x157: {  	[hbm4b:s11+s4] =	stream.linear.scatter [tilespmem:s2], [sflag:$0x2], $0x8000, $0x38;
	[tilespmem:$0x14100] =	vst v63  }
0x158: {  	_ =	swait.ge [sflag:s9], $0x8000  }
0x159: {  	[sflag:s9] =	ssyncset.done $0x0  }
0x15a: {  	s8 =	sadd.s32 $0xFFFFFFFF, s8;
	[sflag:s9] =	ssyncadd.s32 $0xFFFF8000  }
0x15b: {  	_ =	sfence.sel $0x180000  }
0x15c: {  	[bflag:$0x0] =	sbarrier.arrive $0xFFFF  }
0x15d: {  	_ =	strace $0x90000050  }
0x15e: {  	s0 =	stileid.u32;
	[bflag:$0x2] =	sbarrier.arrive $0xFFFF  }
0x15f: {  	p0 =	sne.s32 s0, $0x0;
	s0 =	rddreg [dreg:$0x3]  }
0x160: {  	s0 =	sadd.s32 @!p0 $0x100000, s0  }
0x161: {  	[sflag:s0] =	ssyncadd.tile.s32 @!p0 $0x1;
	_ =	shalt  }
.Lfunc_end2:
_tile_overlayer_lowered:
.L_overlay_start_2:
0x162: {  	(tag) =	ssettag $0x2  }
0x163: {  	s0 =	rddreg [dreg:$0x0];
	s2 =	stileid.u32  }
0x164: {  	s1 =	rddreg [dreg:$0x1];
	p0 =	sne.s32 s2, $0x0  }
0x165: {  	s3 =	rddreg [dreg:$0x2];
	[bflag:$0x3] =	sbarrier.arrive $0xFFFF;
	s2 =	simm.s32 @!p0 $0x1C02  }
0x166: {  	[timem:s3], [sflag:s2] =	dma.local @!p0 [hbm:s0], s1  }
0x167: {  	s0 =	simm.s32 @!p0 $0x2  }
0x168: {  	_ =	swait.ge @!p0 [sflag:s0], s1  }
0x169: {  	s1 =	ssub.s32 @!p0 $0x0, s1;
	[sflag:s0] =	ssyncset.done @!p0 $0x0  }
0x16a: {  	[sflag:s0] =	ssyncadd.s32 @!p0 s1  }
0x16b: {  	[bflag:$0x3] =	sbarrier.arrive $0xFFFF  }
0x16c: {  	_ =	shalt  }

</sc_bundles>
